<compile_context>
chip_gen: v7x
topology: tpu7x:2x2x1
jax: 0.10.2.dev20260603
libtpu: 0.0.44.dev20260713+nightly
codegen_flags: <defaults>
</compile_context>

<pallas_src>
import functools

import jax
import jax.numpy as jnp
from jax import lax
from jax.experimental import pallas as pl
from jax.experimental.pallas import tpu as pltpu
from jax.experimental.pallas import tpu_sc as plsc

ROWS = 4096
COLS = 2048
NC = 2
NS = 16
LANES = 16
CPW = 128
STRIPES = COLS // CPW
G = CPW // LANES
CHUNK = 256
NCH = ROWS // CHUNK
NBUF = 3

_mesh = plsc.VectorSubcoreMesh(
    core_axis_name="c", subcore_axis_name="s", num_cores=NC, num_subcores=NS
)


@functools.partial(
    pl.kernel,
    out_type=jax.ShapeDtypeStruct((ROWS, COLS), jnp.float32),
    mesh=_mesh,
    scratch_types=[pltpu.VMEM((CHUNK, CPW), jnp.float32)] * NBUF
    + [pltpu.SemaphoreType.DMA] * (2 * NBUF),
)
def _cumsum_sc(x_hbm, out_hbm, b0, b1, b2, si0, si1, si2, so0, so1, so2):
    wid = lax.axis_index("s") * NC + lax.axis_index("c")

    @pl.when(wid < STRIPES)
    def _():
        col0 = wid * CPW
        bufs = (b0, b1, b2)
        sin = (si0, si1, si2)
        sout = (so0, so1, so2)

        def start_in(ci):
            b = ci % NBUF
            return pltpu.async_copy(
                x_hbm.at[pl.ds(ci * CHUNK, CHUNK), pl.ds(col0, CPW)],
                bufs[b], sin[b])

        def start_out(ci):
            b = ci % NBUF
            return pltpu.async_copy(
                bufs[b],
                out_hbm.at[pl.ds(ci * CHUNK, CHUNK), pl.ds(col0, CPW)],
                sout[b])

        in_h = {0: start_in(0), 1: start_in(1)}
        out_h = {}
        carry = (jnp.zeros((LANES,), jnp.float32),) * G
        for ci in range(NCH):
            in_h[ci].wait()
            buf = bufs[ci % NBUF]

            def row_body(r, carry, buf=buf):
                new = []
                for g in range(G):
                    v = carry[g] + buf[r, pl.ds(g * LANES, LANES)]
                    buf[r, pl.ds(g * LANES, LANES)] = v
                    new.append(v)
                return tuple(new)

            carry = row_body(0, carry)
            out_h[ci] = start_out(ci)
            nx = ci + 2
            if nx < NCH:
                if nx - NBUF in out_h:
                    out_h.pop(nx - NBUF).wait()
                in_h[nx] = start_in(nx)
        for ci in sorted(out_h):
            out_h.pop(ci).wait()


def kernel(x):
    return _cumsum_sc(x)

# --- scband reference (transcript-rebuilt; emitter-appended) ---
"""Pipeline reference for scband-cum-sum-11879879542059 (READ-ONLY COPY).

The authoritative reference and input builder live on the scoring server;
editing this copy changes nothing except your own understanding.
"""

import jax, jax.numpy as jnp
import numpy as np

def setup_inputs(seed: int = 0) -> dict:
    key = jax.random.key(seed)
    x = jax.random.normal(key, (4096, 2048), dtype=jnp.float32)
    return {"x": x}

def reference(x):
    return jnp.cumsum(x, axis=0)

if __name__ == "__main__":
    import jax
    _d = setup_inputs()
    print(jax.jit(kernel)(*tuple(_d.values())))

</pallas_src>

<mosaic_0001>
#map = affine_map<(d0, d1) -> (0, 0)>
module attributes {stable_mosaic.version = 14 : i64} {
  func.func @_cumsum_sc(%arg0: i32, %arg1: i32, %arg2: memref<4096x2048xf32, #tpu.memory_space<hbm>>, %arg3: memref<4096x2048xf32, #tpu.memory_space<hbm>>, %arg4: memref<256x128xf32, #tpu.memory_space<vmem>>, %arg5: memref<256x128xf32, #tpu.memory_space<vmem>>, %arg6: memref<256x128xf32, #tpu.memory_space<vmem>>, %arg7: memref<!tpu.dma_semaphore, #tpu.memory_space<semaphore_mem>>, %arg8: memref<!tpu.dma_semaphore, #tpu.memory_space<semaphore_mem>>, %arg9: memref<!tpu.dma_semaphore, #tpu.memory_space<semaphore_mem>>, %arg10: memref<!tpu.dma_semaphore, #tpu.memory_space<semaphore_mem>>, %arg11: memref<!tpu.dma_semaphore, #tpu.memory_space<semaphore_mem>>, %arg12: memref<!tpu.dma_semaphore, #tpu.memory_space<semaphore_mem>>) attributes {dimension_semantics = [#tpu.dimension_semantics<core_parallel>, #tpu.dimension_semantics<subcore_parallel>], iteration_bounds = array<i64: 2, 16>, scalar_prefetch = 0 : i64, scratch_operands = 9 : i64, tpu.core_type = #tpu.core_type<sc_vector_subcore>, window_params = [{transform_indices = #map}, {transform_indices = #map}]} {
    %mul3A = arith.constant 2 : i32
    %mul3A_0 = arith.muli %arg1, %mul3A : i32
    %add3A = arith.addi %mul3A_0, %arg0 : i32
    %lt3A = arith.constant 16 : i32
    %lt3A_1 = arith.cmpi slt, %add3A, %lt3A : i32
    %convert_element_type3A = arith.extui %lt3A_1 : i1 to i32
    %cond3A = arith.constant 0 : i32
    %cond3A_2 = arith.cmpi ne, %convert_element_type3A, %cond3A : i32
    scf.if %cond3A_2 {
      %mul3A_3 = arith.constant 128 : i32
      %mul3A_4 = arith.muli %add3A, %mul3A_3 : i32
      %dma_start3A = arith.constant 0 : i32
      %dma_start3A_5 = tpu.memref_slice %arg2[%dma_start3A, %mul3A_4] : memref<4096x2048xf32, #tpu.memory_space<hbm>> -> memref<256x128xf32, #tpu.memory_space<hbm>>
      %dma_start3A_6 = arith.constant 0 : i32
      %dma_start3A_7 = tpu.memref_slice %arg2[%dma_start3A_6, %mul3A_4] : memref<4096x2048xf32, #tpu.memory_space<hbm>> -> memref<256x128xf32, #tpu.memory_space<hbm>>
      tpu.enqueue_dma source(%dma_start3A_7 : memref<256x128xf32, #tpu.memory_space<hbm>>) target(%arg4 : memref<256x128xf32, #tpu.memory_space<vmem>>) target_semaphore(%arg7 : memref<!tpu.dma_semaphore, #tpu.memory_space<semaphore_mem>>)
      %dma_start3A_8 = arith.constant 256 : i32
      %dma_start3A_9 = tpu.memref_slice %arg2[%dma_start3A_8, %mul3A_4] : memref<4096x2048xf32, #tpu.memory_space<hbm>> -> memref<256x128xf32, #tpu.memory_space<hbm>>
      %dma_start3A_10 = arith.constant 256 : i32
      %dma_start3A_11 = tpu.memref_slice %arg2[%dma_start3A_10, %mul3A_4] : memref<4096x2048xf32, #tpu.memory_space<hbm>> -> memref<256x128xf32, #tpu.memory_space<hbm>>
      tpu.enqueue_dma source(%dma_start3A_11 : memref<256x128xf32, #tpu.memory_space<hbm>>) target(%arg5 : memref<256x128xf32, #tpu.memory_space<vmem>>) target_semaphore(%arg8 : memref<!tpu.dma_semaphore, #tpu.memory_space<semaphore_mem>>)
      %broadcast_in_dim3A = arith.constant 0.000000e+00 : f32
      %broadcast_in_dim3A_12 = vector.broadcast %broadcast_in_dim3A : f32 to vector<16xf32>
      %dma_wait3A = arith.constant 0 : i32
      %dma_wait3A_13 = tpu.memref_slice %arg2[%dma_wait3A, %mul3A_4] : memref<4096x2048xf32, #tpu.memory_space<hbm>> -> memref<256x128xf32, #tpu.memory_space<hbm>>
      %dma_wait3A_14 = arith.constant 0 : i32
      %dma_wait3A_15 = tpu.memref_slice %arg2[%dma_wait3A_14, %mul3A_4] : memref<4096x2048xf32, #tpu.memory_space<hbm>> -> memref<256x128xf32, #tpu.memory_space<hbm>>
      tpu.wait_dma2 semaphore(%arg7 : memref<!tpu.dma_semaphore, #tpu.memory_space<semaphore_mem>>) src(%dma_wait3A_15 : memref<256x128xf32, #tpu.memory_space<hbm>>) dst(%arg4 : memref<256x128xf32, #tpu.memory_space<vmem>>)
      %get3A = arith.constant 0 : i32
      %get3A_16 = arith.index_cast %get3A : i32 to index
      %get3A_17 = arith.constant 0 : index
      %get3A_18 = tpu.vector_load %arg4[%get3A_16, %get3A_17] {strides = array<i32>} : memref<256x128xf32, #tpu.memory_space<vmem>>, vector<1x16xf32>,
      %get3A_19 = vector.shape_cast %get3A_18 : vector<1x16xf32> to vector<16xf32>
      %add3A_20 = arith.addf %broadcast_in_dim3A_12, %get3A_19 : vector<16xf32>
      %swap3A = arith.constant 0 : i32
      %swap3A_21 = arith.index_cast %swap3A : i32 to index
      %swap3A_22 = arith.constant 0 : index
      %swap3A_23 = tpu.vector_load %arg4[%swap3A_21, %swap3A_22] {strides = array<i32>} : memref<256x128xf32, #tpu.memory_space<vmem>>, vector<1x16xf32>,
      %swap3A_24 = vector.shape_cast %swap3A_23 : vector<1x16xf32> to vector<16xf32>
      %swap3A_25 = vector.shape_cast %add3A_20 : vector<16xf32> to vector<1x16xf32>
      tpu.vector_store %arg4[%swap3A_21, %swap3A_22], %swap3A_25 {strides = array<i32>} : memref<256x128xf32, #tpu.memory_space<vmem>>, vector<1x16xf32>,
      %get3A_26 = arith.constant 0 : i32
      %get3A_27 = arith.index_cast %get3A_26 : i32 to index
      %get3A_28 = arith.constant 16 : index
      %get3A_29 = tpu.vector_load %arg4[%get3A_27, %get3A_28] {strides = array<i32>} : memref<256x128xf32, #tpu.memory_space<vmem>>, vector<1x16xf32>,
      %get3A_30 = vector.shape_cast %get3A_29 : vector<1x16xf32> to vector<16xf32>
      %add3A_31 = arith.addf %broadcast_in_dim3A_12, %get3A_30 : vector<16xf32>
      %swap3A_32 = arith.constant 0 : i32
      %swap3A_33 = arith.index_cast %swap3A_32 : i32 to index
      %swap3A_34 = arith.constant 16 : index
      %swap3A_35 = tpu.vector_load %arg4[%swap3A_33, %swap3A_34] {strides = array<i32>} : memref<256x128xf32, #tpu.memory_space<vmem>>, vector<1x16xf32>,
      %swap3A_36 = vector.shape_cast %swap3A_35 : vector<1x16xf32> to vector<16xf32>
      %swap3A_37 = vector.shape_cast %add3A_31 : vector<16xf32> to vector<1x16xf32>
      tpu.vector_store %arg4[%swap3A_33, %swap3A_34], %swap3A_37 {strides = array<i32>} : memref<256x128xf32, #tpu.memory_space<vmem>>, vector<1x16xf32>,
      %get3A_38 = arith.constant 0 : i32
      %get3A_39 = arith.index_cast %get3A_38 : i32 to index
      %get3A_40 = arith.constant 32 : index
      %get3A_41 = tpu.vector_load %arg4[%get3A_39, %get3A_40] {strides = array<i32>} : memref<256x128xf32, #tpu.memory_space<vmem>>, vector<1x16xf32>,
      %get3A_42 = vector.shape_cast %get3A_41 : vector<1x16xf32> to vector<16xf32>
      %add3A_43 = arith.addf %broadcast_in_dim3A_12, %get3A_42 : vector<16xf32>
      %swap3A_44 = arith.constant 0 : i32
      %swap3A_45 = arith.index_cast %swap3A_44 : i32 to index
      %swap3A_46 = arith.constant 32 : index
      %swap3A_47 = tpu.vector_load %arg4[%swap3A_45, %swap3A_46] {strides = array<i32>} : memref<256x128xf32, #tpu.memory_space<vmem>>, vector<1x16xf32>,
      %swap3A_48 = vector.shape_cast %swap3A_47 : vector<1x16xf32> to vector<16xf32>
      %swap3A_49 = vector.shape_cast %add3A_43 : vector<16xf32> to vector<1x16xf32>
      tpu.vector_store %arg4[%swap3A_45, %swap3A_46], %swap3A_49 {strides = array<i32>} : memref<256x128xf32, #tpu.memory_space<vmem>>, vector<1x16xf32>,
      %get3A_50 = arith.constant 0 : i32
      %get3A_51 = arith.index_cast %get3A_50 : i32 to index
      %get3A_52 = arith.constant 48 : index
      %get3A_53 = tpu.vector_load %arg4[%get3A_51, %get3A_52] {strides = array<i32>} : memref<256x128xf32, #tpu.memory_space<vmem>>, vector<1x16xf32>,
      %get3A_54 = vector.shape_cast %get3A_53 : vector<1x16xf32> to vector<16xf32>
      %add3A_55 = arith.addf %broadcast_in_dim3A_12, %get3A_54 : vector<16xf32>
      %swap3A_56 = arith.constant 0 : i32
      %swap3A_57 = arith.index_cast %swap3A_56 : i32 to index
      %swap3A_58 = arith.constant 48 : index
      %swap3A_59 = tpu.vector_load %arg4[%swap3A_57, %swap3A_58] {strides = array<i32>} : memref<256x128xf32, #tpu.memory_space<vmem>>, vector<1x16xf32>,
      %swap3A_60 = vector.shape_cast %swap3A_59 : vector<1x16xf32> to vector<16xf32>
      %swap3A_61 = vector.shape_cast %add3A_55 : vector<16xf32> to vector<1x16xf32>
      tpu.vector_store %arg4[%swap3A_57, %swap3A_58], %swap3A_61 {strides = array<i32>} : memref<256x128xf32, #tpu.memory_space<vmem>>, vector<1x16xf32>,
      %get3A_62 = arith.constant 0 : i32
      %get3A_63 = arith.index_cast %get3A_62 : i32 to index
      %get3A_64 = arith.constant 64 : index
      %get3A_65 = tpu.vector_load %arg4[%get3A_63, %get3A_64] {strides = array<i32>} : memref<256x128xf32, #tpu.memory_space<vmem>>, vector<1x16xf32>,
      %get3A_66 = vector.shape_cast %get3A_65 : vector<1x16xf32> to vector<16xf32>
      %add3A_67 = arith.addf %broadcast_in_dim3A_12, %get3A_66 : vector<16xf32>
      %swap3A_68 = arith.constant 0 : i32
      %swap3A_69 = arith.index_cast %swap3A_68 : i32 to index
      %swap3A_70 = arith.constant 64 : index
      %swap3A_71 = tpu.vector_load %arg4[%swap3A_69, %swap3A_70] {strides = array<i32>} : memref<256x128xf32, #tpu.memory_space<vmem>>, vector<1x16xf32>,
      %swap3A_72 = vector.shape_cast %swap3A_71 : vector<1x16xf32> to vector<16xf32>
      %swap3A_73 = vector.shape_cast %add3A_67 : vector<16xf32> to vector<1x16xf32>
      tpu.vector_store %arg4[%swap3A_69, %swap3A_70], %swap3A_73 {strides = array<i32>} : memref<256x128xf32, #tpu.memory_space<vmem>>, vector<1x16xf32>,
      %get3A_74 = arith.constant 0 : i32
      %get3A_75 = arith.index_cast %get3A_74 : i32 to index
      %get3A_76 = arith.constant 80 : index
      %get3A_77 = tpu.vector_load %arg4[%get3A_75, %get3A_76] {strides = array<i32>} : memref<256x128xf32, #tpu.memory_space<vmem>>, vector<1x16xf32>,
      %get3A_78 = vector.shape_cast %get3A_77 : vector<1x16xf32> to vector<16xf32>
      %add3A_79 = arith.addf %broadcast_in_dim3A_12, %get3A_78 : vector<16xf32>
      %swap3A_80 = arith.constant 0 : i32
      %swap3A_81 = arith.index_cast %swap3A_80 : i32 to index
      %swap3A_82 = arith.constant 80 : index
      %swap3A_83 = tpu.vector_load %arg4[%swap3A_81, %swap3A_82] {strides = array<i32>} : memref<256x128xf32, #tpu.memory_space<vmem>>, vector<1x16xf32>,
      %swap3A_84 = vector.shape_cast %swap3A_83 : vector<1x16xf32> to vector<16xf32>
      %swap3A_85 = vector.shape_cast %add3A_79 : vector<16xf32> to vector<1x16xf32>
      tpu.vector_store %arg4[%swap3A_81, %swap3A_82], %swap3A_85 {strides = array<i32>} : memref<256x128xf32, #tpu.memory_space<vmem>>, vector<1x16xf32>,
      %get3A_86 = arith.constant 0 : i32
      %get3A_87 = arith.index_cast %get3A_86 : i32 to index
      %get3A_88 = arith.constant 96 : index
      %get3A_89 = tpu.vector_load %arg4[%get3A_87, %get3A_88] {strides = array<i32>} : memref<256x128xf32, #tpu.memory_space<vmem>>, vector<1x16xf32>,
      %get3A_90 = vector.shape_cast %get3A_89 : vector<1x16xf32> to vector<16xf32>
      %add3A_91 = arith.addf %broadcast_in_dim3A_12, %get3A_90 : vector<16xf32>
      %swap3A_92 = arith.constant 0 : i32
      %swap3A_93 = arith.index_cast %swap3A_92 : i32 to index
      %swap3A_94 = arith.constant 96 : index
      %swap3A_95 = tpu.vector_load %arg4[%swap3A_93, %swap3A_94] {strides = array<i32>} : memref<256x128xf32, #tpu.memory_space<vmem>>, vector<1x16xf32>,
      %swap3A_96 = vector.shape_cast %swap3A_95 : vector<1x16xf32> to vector<16xf32>
      %swap3A_97 = vector.shape_cast %add3A_91 : vector<16xf32> to vector<1x16xf32>
      tpu.vector_store %arg4[%swap3A_93, %swap3A_94], %swap3A_97 {strides = array<i32>} : memref<256x128xf32, #tpu.memory_space<vmem>>, vector<1x16xf32>,
      %get3A_98 = arith.constant 0 : i32
      %get3A_99 = arith.index_cast %get3A_98 : i32 to index
      %get3A_100 = arith.constant 112 : index
      %get3A_101 = tpu.vector_load %arg4[%get3A_99, %get3A_100] {strides = array<i32>} : memref<256x128xf32, #tpu.memory_space<vmem>>, vector<1x16xf32>,
      %get3A_102 = vector.shape_cast %get3A_101 : vector<1x16xf32> to vector<16xf32>
      %add3A_103 = arith.addf %broadcast_in_dim3A_12, %get3A_102 : vector<16xf32>
      %swap3A_104 = arith.constant 0 : i32
      %swap3A_105 = arith.index_cast %swap3A_104 : i32 to index
      %swap3A_106 = arith.constant 112 : index
      %swap3A_107 = tpu.vector_load %arg4[%swap3A_105, %swap3A_106] {strides = array<i32>} : memref<256x128xf32, #tpu.memory_space<vmem>>, vector<1x16xf32>,
      %swap3A_108 = vector.shape_cast %swap3A_107 : vector<1x16xf32> to vector<16xf32>
      %swap3A_109 = vector.shape_cast %add3A_103 : vector<16xf32> to vector<1x16xf32>
      tpu.vector_store %arg4[%swap3A_105, %swap3A_106], %swap3A_109 {strides = array<i32>} : memref<256x128xf32, #tpu.memory_space<vmem>>, vector<1x16xf32>,
      %dma_start3A_110 = arith.constant 0 : i32
      %dma_start3A_111 = tpu.memref_slice %arg3[%dma_start3A_110, %mul3A_4] : memref<4096x2048xf32, #tpu.memory_space<hbm>> -> memref<256x128xf32, #tpu.memory_space<hbm>>
      %dma_start3A_112 = arith.constant 0 : i32
      %dma_start3A_113 = tpu.memref_slice %arg3[%dma_start3A_112, %mul3A_4] : memref<4096x2048xf32, #tpu.memory_space<hbm>> -> memref<256x128xf32, #tpu.memory_space<hbm>>
      tpu.enqueue_dma source(%arg4 : memref<256x128xf32, #tpu.memory_space<vmem>>) target(%dma_start3A_113 : memref<256x128xf32, #tpu.memory_space<hbm>>) target_semaphore(%arg10 : memref<!tpu.dma_semaphore, #tpu.memory_space<semaphore_mem>>)
      %dma_start3A_114 = arith.constant 512 : i32
      %dma_start3A_115 = tpu.memref_slice %arg2[%dma_start3A_114, %mul3A_4] : memref<4096x2048xf32, #tpu.memory_space<hbm>> -> memref<256x128xf32, #tpu.memory_space<hbm>>
      %dma_start3A_116 = arith.constant 512 : i32
      %dma_start3A_117 = tpu.memref_slice %arg2[%dma_start3A_116, %mul3A_4] : memref<4096x2048xf32, #tpu.memory_space<hbm>> -> memref<256x128xf32, #tpu.memory_space<hbm>>
      tpu.enqueue_dma source(%dma_start3A_117 : memref<256x128xf32, #tpu.memory_space<hbm>>) target(%arg6 : memref<256x128xf32, #tpu.memory_space<vmem>>) target_semaphore(%arg9 : memref<!tpu.dma_semaphore, #tpu.memory_space<semaphore_mem>>)
      %dma_wait3A_118 = arith.constant 256 : i32
      %dma_wait3A_119 = tpu.memref_slice %arg2[%dma_wait3A_118, %mul3A_4] : memref<4096x2048xf32, #tpu.memory_space<hbm>> -> memref<256x128xf32, #tpu.memory_space<hbm>>
      %dma_wait3A_120 = arith.constant 256 : i32
      %dma_wait3A_121 = tpu.memref_slice %arg2[%dma_wait3A_120, %mul3A_4] : memref<4096x2048xf32, #tpu.memory_space<hbm>> -> memref<256x128xf32, #tpu.memory_space<hbm>>
      tpu.wait_dma2 semaphore(%arg8 : memref<!tpu.dma_semaphore, #tpu.memory_space<semaphore_mem>>) src(%dma_wait3A_121 : memref<256x128xf32, #tpu.memory_space<hbm>>) dst(%arg5 : memref<256x128xf32, #tpu.memory_space<vmem>>)
      %get3A_122 = arith.constant 0 : i32
      %get3A_123 = arith.index_cast %get3A_122 : i32 to index
      %get3A_124 = arith.constant 0 : index
      %get3A_125 = tpu.vector_load %arg5[%get3A_123, %get3A_124] {strides = array<i32>} : memref<256x128xf32, #tpu.memory_space<vmem>>, vector<1x16xf32>,
      %get3A_126 = vector.shape_cast %get3A_125 : vector<1x16xf32> to vector<16xf32>
      %add3A_127 = arith.addf %add3A_20, %get3A_126 : vector<16xf32>
      %swap3A_128 = arith.constant 0 : i32
      %swap3A_129 = arith.index_cast %swap3A_128 : i32 to index
      %swap3A_130 = arith.constant 0 : index
      %swap3A_131 = tpu.vector_load %arg5[%swap3A_129, %swap3A_130] {strides = array<i32>} : memref<256x128xf32, #tpu.memory_space<vmem>>, vector<1x16xf32>,
      %swap3A_132 = vector.shape_cast %swap3A_131 : vector<1x16xf32> to vector<16xf32>
      %swap3A_133 = vector.shape_cast %add3A_127 : vector<16xf32> to vector<1x16xf32>
      tpu.vector_store %arg5[%swap3A_129, %swap3A_130], %swap3A_133 {strides = array<i32>} : memref<256x128xf32, #tpu.memory_space<vmem>>, vector<1x16xf32>,
      %get3A_134 = arith.constant 0 : i32
      %get3A_135 = arith.index_cast %get3A_134 : i32 to index
      %get3A_136 = arith.constant 16 : index
      %get3A_137 = tpu.vector_load %arg5[%get3A_135, %get3A_136] {strides = array<i32>} : memref<256x128xf32, #tpu.memory_space<vmem>>, vector<1x16xf32>,
      %get3A_138 = vector.shape_cast %get3A_137 : vector<1x16xf32> to vector<16xf32>
      %add3A_139 = arith.addf %add3A_31, %get3A_138 : vector<16xf32>
      %swap3A_140 = arith.constant 0 : i32
      %swap3A_141 = arith.index_cast %swap3A_140 : i32 to index
      %swap3A_142 = arith.constant 16 : index
      %swap3A_143 = tpu.vector_load %arg5[%swap3A_141, %swap3A_142] {strides = array<i32>} : memref<256x128xf32, #tpu.memory_space<vmem>>, vector<1x16xf32>,
      %swap3A_144 = vector.shape_cast %swap3A_143 : vector<1x16xf32> to vector<16xf32>
      %swap3A_145 = vector.shape_cast %add3A_139 : vector<16xf32> to vector<1x16xf32>
      tpu.vector_store %arg5[%swap3A_141, %swap3A_142], %swap3A_145 {strides = array<i32>} : memref<256x128xf32, #tpu.memory_space<vmem>>, vector<1x16xf32>,
      %get3A_146 = arith.constant 0 : i32
      %get3A_147 = arith.index_cast %get3A_146 : i32 to index
      %get3A_148 = arith.constant 32 : index
      %get3A_149 = tpu.vector_load %arg5[%get3A_147, %get3A_148] {strides = array<i32>} : memref<256x128xf32, #tpu.memory_space<vmem>>, vector<1x16xf32>,
      %get3A_150 = vector.shape_cast %get3A_149 : vector<1x16xf32> to vector<16xf32>
      %add3A_151 = arith.addf %add3A_43, %get3A_150 : vector<16xf32>
      %swap3A_152 = arith.constant 0 : i32
      %swap3A_153 = arith.index_cast %swap3A_152 : i32 to index
      %swap3A_154 = arith.constant 32 : index
      %swap3A_155 = tpu.vector_load %arg5[%swap3A_153, %swap3A_154] {strides = array<i32>} : memref<256x128xf32, #tpu.memory_space<vmem>>, vector<1x16xf32>,
      %swap3A_156 = vector.shape_cast %swap3A_155 : vector<1x16xf32> to vector<16xf32>
      %swap3A_157 = vector.shape_cast %add3A_151 : vector<16xf32> to vector<1x16xf32>
      tpu.vector_store %arg5[%swap3A_153, %swap3A_154], %swap3A_157 {strides = array<i32>} : memref<256x128xf32, #tpu.memory_space<vmem>>, vector<1x16xf32>,
      %get3A_158 = arith.constant 0 : i32
      %get3A_159 = arith.index_cast %get3A_158 : i32 to index
      %get3A_160 = arith.constant 48 : index
      %get3A_161 = tpu.vector_load %arg5[%get3A_159, %get3A_160] {strides = array<i32>} : memref<256x128xf32, #tpu.memory_space<vmem>>, vector<1x16xf32>,
      %get3A_162 = vector.shape_cast %get3A_161 : vector<1x16xf32> to vector<16xf32>
      %add3A_163 = arith.addf %add3A_55, %get3A_162 : vector<16xf32>
      %swap3A_164 = arith.constant 0 : i32
      %swap3A_165 = arith.index_cast %swap3A_164 : i32 to index
      %swap3A_166 = arith.constant 48 : index
      %swap3A_167 = tpu.vector_load %arg5[%swap3A_165, %swap3A_166] {strides = array<i32>} : memref<256x128xf32, #tpu.memory_space<vmem>>, vector<1x16xf32>,
      %swap3A_168 = vector.shape_cast %swap3A_167 : vector<1x16xf32> to vector<16xf32>
      %swap3A_169 = vector.shape_cast %add3A_163 : vector<16xf32> to vector<1x16xf32>
      tpu.vector_store %arg5[%swap3A_165, %swap3A_166], %swap3A_169 {strides = array<i32>} : memref<256x128xf32, #tpu.memory_space<vmem>>, vector<1x16xf32>,
      %get3A_170 = arith.constant 0 : i32
      %get3A_171 = arith.index_cast %get3A_170 : i32 to index
      %get3A_172 = arith.constant 64 : index
      %get3A_173 = tpu.vector_load %arg5[%get3A_171, %get3A_172] {strides = array<i32>} : memref<256x128xf32, #tpu.memory_space<vmem>>, vector<1x16xf32>,
      %get3A_174 = vector.shape_cast %get3A_173 : vector<1x16xf32> to vector<16xf32>
      %add3A_175 = arith.addf %add3A_67, %get3A_174 : vector<16xf32>
      %swap3A_176 = arith.constant 0 : i32
      %swap3A_177 = arith.index_cast %swap3A_176 : i32 to index
      %swap3A_178 = arith.constant 64 : index
      %swap3A_179 = tpu.vector_load %arg5[%swap3A_177, %swap3A_178] {strides = array<i32>} : memref<256x128xf32, #tpu.memory_space<vmem>>, vector<1x16xf32>,
      %swap3A_180 = vector.shape_cast %swap3A_179 : vector<1x16xf32> to vector<16xf32>
      %swap3A_181 = vector.shape_cast %add3A_175 : vector<16xf32> to vector<1x16xf32>
      tpu.vector_store %arg5[%swap3A_177, %swap3A_178], %swap3A_181 {strides = array<i32>} : memref<256x128xf32, #tpu.memory_space<vmem>>, vector<1x16xf32>,
      %get3A_182 = arith.constant 0 : i32
      %get3A_183 = arith.index_cast %get3A_182 : i32 to index
      %get3A_184 = arith.constant 80 : index
      %get3A_185 = tpu.vector_load %arg5[%get3A_183, %get3A_184] {strides = array<i32>} : memref<256x128xf32, #tpu.memory_space<vmem>>, vector<1x16xf32>,
      %get3A_186 = vector.shape_cast %get3A_185 : vector<1x16xf32> to vector<16xf32>
      %add3A_187 = arith.addf %add3A_79, %get3A_186 : vector<16xf32>
      %swap3A_188 = arith.constant 0 : i32
      %swap3A_189 = arith.index_cast %swap3A_188 : i32 to index
      %swap3A_190 = arith.constant 80 : index
      %swap3A_191 = tpu.vector_load %arg5[%swap3A_189, %swap3A_190] {strides = array<i32>} : memref<256x128xf32, #tpu.memory_space<vmem>>, vector<1x16xf32>,
      %swap3A_192 = vector.shape_cast %swap3A_191 : vector<1x16xf32> to vector<16xf32>
      %swap3A_193 = vector.shape_cast %add3A_187 : vector<16xf32> to vector<1x16xf32>
      tpu.vector_store %arg5[%swap3A_189, %swap3A_190], %swap3A_193 {strides = array<i32>} : memref<256x128xf32, #tpu.memory_space<vmem>>, vector<1x16xf32>,
      %get3A_194 = arith.constant 0 : i32
      %get3A_195 = arith.index_cast %get3A_194 : i32 to index
      %get3A_196 = arith.constant 96 : index
      %get3A_197 = tpu.vector_load %arg5[%get3A_195, %get3A_196] {strides = array<i32>} : memref<256x128xf32, #tpu.memory_space<vmem>>, vector<1x16xf32>,
      %get3A_198 = vector.shape_cast %get3A_197 : vector<1x16xf32> to vector<16xf32>
      %add3A_199 = arith.addf %add3A_91, %get3A_198 : vector<16xf32>
      %swap3A_200 = arith.constant 0 : i32
      %swap3A_201 = arith.index_cast %swap3A_200 : i32 to index
      %swap3A_202 = arith.constant 96 : index
      %swap3A_203 = tpu.vector_load %arg5[%swap3A_201, %swap3A_202] {strides = array<i32>} : memref<256x128xf32, #tpu.memory_space<vmem>>, vector<1x16xf32>,
      %swap3A_204 = vector.shape_cast %swap3A_203 : vector<1x16xf32> to vector<16xf32>
      %swap3A_205 = vector.shape_cast %add3A_199 : vector<16xf32> to vector<1x16xf32>
      tpu.vector_store %arg5[%swap3A_201, %swap3A_202], %swap3A_205 {strides = array<i32>} : memref<256x128xf32, #tpu.memory_space<vmem>>, vector<1x16xf32>,
      %get3A_206 = arith.constant 0 : i32
      %get3A_207 = arith.index_cast %get3A_206 : i32 to index
      %get3A_208 = arith.constant 112 : index
      %get3A_209 = tpu.vector_load %arg5[%get3A_207, %get3A_208] {strides = array<i32>} : memref<256x128xf32, #tpu.memory_space<vmem>>, vector<1x16xf32>,
      %get3A_210 = vector.shape_cast %get3A_209 : vector<1x16xf32> to vector<16xf32>
      %add3A_211 = arith.addf %add3A_103, %get3A_210 : vector<16xf32>
      %swap3A_212 = arith.constant 0 : i32
      %swap3A_213 = arith.index_cast %swap3A_212 : i32 to index
      %swap3A_214 = arith.constant 112 : index
      %swap3A_215 = tpu.vector_load %arg5[%swap3A_213, %swap3A_214] {strides = array<i32>} : memref<256x128xf32, #tpu.memory_space<vmem>>, vector<1x16xf32>,
      %swap3A_216 = vector.shape_cast %swap3A_215 : vector<1x16xf32> to vector<16xf32>
      %swap3A_217 = vector.shape_cast %add3A_211 : vector<16xf32> to vector<1x16xf32>
      tpu.vector_store %arg5[%swap3A_213, %swap3A_214], %swap3A_217 {strides = array<i32>} : memref<256x128xf32, #tpu.memory_space<vmem>>, vector<1x16xf32>,
      %dma_start3A_218 = arith.constant 256 : i32
      %dma_start3A_219 = tpu.memref_slice %arg3[%dma_start3A_218, %mul3A_4] : memref<4096x2048xf32, #tpu.memory_space<hbm>> -> memref<256x128xf32, #tpu.memory_space<hbm>>
      %dma_start3A_220 = arith.constant 256 : i32
      %dma_start3A_221 = tpu.memref_slice %arg3[%dma_start3A_220, %mul3A_4] : memref<4096x2048xf32, #tpu.memory_space<hbm>> -> memref<256x128xf32, #tpu.memory_space<hbm>>
      tpu.enqueue_dma source(%arg5 : memref<256x128xf32, #tpu.memory_space<vmem>>) target(%dma_start3A_221 : memref<256x128xf32, #tpu.memory_space<hbm>>) target_semaphore(%arg11 : memref<!tpu.dma_semaphore, #tpu.memory_space<semaphore_mem>>)
      %dma_wait3A_222 = arith.constant 0 : i32
      %dma_wait3A_223 = tpu.memref_slice %arg3[%dma_wait3A_222, %mul3A_4] : memref<4096x2048xf32, #tpu.memory_space<hbm>> -> memref<256x128xf32, #tpu.memory_space<hbm>>
      %dma_wait3A_224 = arith.constant 0 : i32
      %dma_wait3A_225 = tpu.memref_slice %arg3[%dma_wait3A_224, %mul3A_4] : memref<4096x2048xf32, #tpu.memory_space<hbm>> -> memref<256x128xf32, #tpu.memory_space<hbm>>
      tpu.wait_dma2 semaphore(%arg10 : memref<!tpu.dma_semaphore, #tpu.memory_space<semaphore_mem>>) src(%arg4 : memref<256x128xf32, #tpu.memory_space<vmem>>) dst(%dma_wait3A_225 : memref<256x128xf32, #tpu.memory_space<hbm>>)
      %dma_start3A_226 = arith.constant 768 : i32
      %dma_start3A_227 = tpu.memref_slice %arg2[%dma_start3A_226, %mul3A_4] : memref<4096x2048xf32, #tpu.memory_space<hbm>> -> memref<256x128xf32, #tpu.memory_space<hbm>>
      %dma_start3A_228 = arith.constant 768 : i32
      %dma_start3A_229 = tpu.memref_slice %arg2[%dma_start3A_228, %mul3A_4] : memref<4096x2048xf32, #tpu.memory_space<hbm>> -> memref<256x128xf32, #tpu.memory_space<hbm>>
      tpu.enqueue_dma source(%dma_start3A_229 : memref<256x128xf32, #tpu.memory_space<hbm>>) target(%arg4 : memref<256x128xf32, #tpu.memory_space<vmem>>) target_semaphore(%arg7 : memref<!tpu.dma_semaphore, #tpu.memory_space<semaphore_mem>>)
      %dma_wait3A_230 = arith.constant 512 : i32
      %dma_wait3A_231 = tpu.memref_slice %arg2[%dma_wait3A_230, %mul3A_4] : memref<4096x2048xf32, #tpu.memory_space<hbm>> -> memref<256x128xf32, #tpu.memory_space<hbm>>
      %dma_wait3A_232 = arith.constant 512 : i32
      %dma_wait3A_233 = tpu.memref_slice %arg2[%dma_wait3A_232, %mul3A_4] : memref<4096x2048xf32, #tpu.memory_space<hbm>> -> memref<256x128xf32, #tpu.memory_space<hbm>>
      tpu.wait_dma2 semaphore(%arg9 : memref<!tpu.dma_semaphore, #tpu.memory_space<semaphore_mem>>) src(%dma_wait3A_233 : memref<256x128xf32, #tpu.memory_space<hbm>>) dst(%arg6 : memref<256x128xf32, #tpu.memory_space<vmem>>)
      %get3A_234 = arith.constant 0 : i32
      %get3A_235 = arith.index_cast %get3A_234 : i32 to index
      %get3A_236 = arith.constant 0 : index
      %get3A_237 = tpu.vector_load %arg6[%get3A_235, %get3A_236] {strides = array<i32>} : memref<256x128xf32, #tpu.memory_space<vmem>>, vector<1x16xf32>,
      %get3A_238 = vector.shape_cast %get3A_237 : vector<1x16xf32> to vector<16xf32>
      %add3A_239 = arith.addf %add3A_127, %get3A_238 : vector<16xf32>
      %swap3A_240 = arith.constant 0 : i32
      %swap3A_241 = arith.index_cast %swap3A_240 : i32 to index
      %swap3A_242 = arith.constant 0 : index
      %swap3A_243 = tpu.vector_load %arg6[%swap3A_241, %swap3A_242] {strides = array<i32>} : memref<256x128xf32, #tpu.memory_space<vmem>>, vector<1x16xf32>,
      %swap3A_244 = vector.shape_cast %swap3A_243 : vector<1x16xf32> to vector<16xf32>
      %swap3A_245 = vector.shape_cast %add3A_239 : vector<16xf32> to vector<1x16xf32>
      tpu.vector_store %arg6[%swap3A_241, %swap3A_242], %swap3A_245 {strides = array<i32>} : memref<256x128xf32, #tpu.memory_space<vmem>>, vector<1x16xf32>,
      %get3A_246 = arith.constant 0 : i32
      %get3A_247 = arith.index_cast %get3A_246 : i32 to index
      %get3A_248 = arith.constant 16 : index
      %get3A_249 = tpu.vector_load %arg6[%get3A_247, %get3A_248] {strides = array<i32>} : memref<256x128xf32, #tpu.memory_space<vmem>>, vector<1x16xf32>,
      %get3A_250 = vector.shape_cast %get3A_249 : vector<1x16xf32> to vector<16xf32>
      %add3A_251 = arith.addf %add3A_139, %get3A_250 : vector<16xf32>
      %swap3A_252 = arith.constant 0 : i32
      %swap3A_253 = arith.index_cast %swap3A_252 : i32 to index
      %swap3A_254 = arith.constant 16 : index
      %swap3A_255 = tpu.vector_load %arg6[%swap3A_253, %swap3A_254] {strides = array<i32>} : memref<256x128xf32, #tpu.memory_space<vmem>>, vector<1x16xf32>,
      %swap3A_256 = vector.shape_cast %swap3A_255 : vector<1x16xf32> to vector<16xf32>
      %swap3A_257 = vector.shape_cast %add3A_251 : vector<16xf32> to vector<1x16xf32>
      tpu.vector_store %arg6[%swap3A_253, %swap3A_254], %swap3A_257 {strides = array<i32>} : memref<256x128xf32, #tpu.memory_space<vmem>>, vector<1x16xf32>,
      %get3A_258 = arith.constant 0 : i32
      %get3A_259 = arith.index_cast %get3A_258 : i32 to index
      %get3A_260 = arith.constant 32 : index
      %get3A_261 = tpu.vector_load %arg6[%get3A_259, %get3A_260] {strides = array<i32>} : memref<256x128xf32, #tpu.memory_space<vmem>>, vector<1x16xf32>,
      %get3A_262 = vector.shape_cast %get3A_261 : vector<1x16xf32> to vector<16xf32>
      %add3A_263 = arith.addf %add3A_151, %get3A_262 : vector<16xf32>
      %swap3A_264 = arith.constant 0 : i32
      %swap3A_265 = arith.index_cast %swap3A_264 : i32 to index
      %swap3A_266 = arith.constant 32 : index
      %swap3A_267 = tpu.vector_load %arg6[%swap3A_265, %swap3A_266] {strides = array<i32>} : memref<256x128xf32, #tpu.memory_space<vmem>>, vector<1x16xf32>,
      %swap3A_268 = vector.shape_cast %swap3A_267 : vector<1x16xf32> to vector<16xf32>
      %swap3A_269 = vector.shape_cast %add3A_263 : vector<16xf32> to vector<1x16xf32>
      tpu.vector_store %arg6[%swap3A_265, %swap3A_266], %swap3A_269 {strides = array<i32>} : memref<256x128xf32, #tpu.memory_space<vmem>>, vector<1x16xf32>,
      %get3A_270 = arith.constant 0 : i32
      %get3A_271 = arith.index_cast %get3A_270 : i32 to index
      %get3A_272 = arith.constant 48 : index
      %get3A_273 = tpu.vector_load %arg6[%get3A_271, %get3A_272] {strides = array<i32>} : memref<256x128xf32, #tpu.memory_space<vmem>>, vector<1x16xf32>,
      %get3A_274 = vector.shape_cast %get3A_273 : vector<1x16xf32> to vector<16xf32>
      %add3A_275 = arith.addf %add3A_163, %get3A_274 : vector<16xf32>
      %swap3A_276 = arith.constant 0 : i32
      %swap3A_277 = arith.index_cast %swap3A_276 : i32 to index
      %swap3A_278 = arith.constant 48 : index
      %swap3A_279 = tpu.vector_load %arg6[%swap3A_277, %swap3A_278] {strides = array<i32>} : memref<256x128xf32, #tpu.memory_space<vmem>>, vector<1x16xf32>,
      %swap3A_280 = vector.shape_cast %swap3A_279 : vector<1x16xf32> to vector<16xf32>
      %swap3A_281 = vector.shape_cast %add3A_275 : vector<16xf32> to vector<1x16xf32>
      tpu.vector_store %arg6[%swap3A_277, %swap3A_278], %swap3A_281 {strides = array<i32>} : memref<256x128xf32, #tpu.memory_space<vmem>>, vector<1x16xf32>,
      %get3A_282 = arith.constant 0 : i32
      %get3A_283 = arith.index_cast %get3A_282 : i32 to index
      %get3A_284 = arith.constant 64 : index
      %get3A_285 = tpu.vector_load %arg6[%get3A_283, %get3A_284] {strides = array<i32>} : memref<256x128xf32, #tpu.memory_space<vmem>>, vector<1x16xf32>,
      %get3A_286 = vector.shape_cast %get3A_285 : vector<1x16xf32> to vector<16xf32>
      %add3A_287 = arith.addf %add3A_175, %get3A_286 : vector<16xf32>
      %swap3A_288 = arith.constant 0 : i32
      %swap3A_289 = arith.index_cast %swap3A_288 : i32 to index
      %swap3A_290 = arith.constant 64 : index
      %swap3A_291 = tpu.vector_load %arg6[%swap3A_289, %swap3A_290] {strides = array<i32>} : memref<256x128xf32, #tpu.memory_space<vmem>>, vector<1x16xf32>,
      %swap3A_292 = vector.shape_cast %swap3A_291 : vector<1x16xf32> to vector<16xf32>
      %swap3A_293 = vector.shape_cast %add3A_287 : vector<16xf32> to vector<1x16xf32>
      tpu.vector_store %arg6[%swap3A_289, %swap3A_290], %swap3A_293 {strides = array<i32>} : memref<256x128xf32, #tpu.memory_space<vmem>>, vector<1x16xf32>,
      %get3A_294 = arith.constant 0 : i32
      %get3A_295 = arith.index_cast %get3A_294 : i32 to index
      %get3A_296 = arith.constant 80 : index
      %get3A_297 = tpu.vector_load %arg6[%get3A_295, %get3A_296] {strides = array<i32>} : memref<256x128xf32, #tpu.memory_space<vmem>>, vector<1x16xf32>,
      %get3A_298 = vector.shape_cast %get3A_297 : vector<1x16xf32> to vector<16xf32>
      %add3A_299 = arith.addf %add3A_187, %get3A_298 : vector<16xf32>
      %swap3A_300 = arith.constant 0 : i32
      %swap3A_301 = arith.index_cast %swap3A_300 : i32 to index
      %swap3A_302 = arith.constant 80 : index
      %swap3A_303 = tpu.vector_load %arg6[%swap3A_301, %swap3A_302] {strides = array<i32>} : memref<256x128xf32, #tpu.memory_space<vmem>>, vector<1x16xf32>,
      %swap3A_304 = vector.shape_cast %swap3A_303 : vector<1x16xf32> to vector<16xf32>
      %swap3A_305 = vector.shape_cast %add3A_299 : vector<16xf32> to vector<1x16xf32>
      tpu.vector_store %arg6[%swap3A_301, %swap3A_302], %swap3A_305 {strides = array<i32>} : memref<256x128xf32, #tpu.memory_space<vmem>>, vector<1x16xf32>,
      %get3A_306 = arith.constant 0 : i32
      %get3A_307 = arith.index_cast %get3A_306 : i32 to index
      %get3A_308 = arith.constant 96 : index
      %get3A_309 = tpu.vector_load %arg6[%get3A_307, %get3A_308] {strides = array<i32>} : memref<256x128xf32, #tpu.memory_space<vmem>>, vector<1x16xf32>,
      %get3A_310 = vector.shape_cast %get3A_309 : vector<1x16xf32> to vector<16xf32>
      %add3A_311 = arith.addf %add3A_199, %get3A_310 : vector<16xf32>
      %swap3A_312 = arith.constant 0 : i32
      %swap3A_313 = arith.index_cast %swap3A_312 : i32 to index
      %swap3A_314 = arith.constant 96 : index
      %swap3A_315 = tpu.vector_load %arg6[%swap3A_313, %swap3A_314] {strides = array<i32>} : memref<256x128xf32, #tpu.memory_space<vmem>>, vector<1x16xf32>,
      %swap3A_316 = vector.shape_cast %swap3A_315 : vector<1x16xf32> to vector<16xf32>
      %swap3A_317 = vector.shape_cast %add3A_311 : vector<16xf32> to vector<1x16xf32>
      tpu.vector_store %arg6[%swap3A_313, %swap3A_314], %swap3A_317 {strides = array<i32>} : memref<256x128xf32, #tpu.memory_space<vmem>>, vector<1x16xf32>,
      %get3A_318 = arith.constant 0 : i32
      %get3A_319 = arith.index_cast %get3A_318 : i32 to index
      %get3A_320 = arith.constant 112 : index
      %get3A_321 = tpu.vector_load %arg6[%get3A_319, %get3A_320] {strides = array<i32>} : memref<256x128xf32, #tpu.memory_space<vmem>>, vector<1x16xf32>,
      %get3A_322 = vector.shape_cast %get3A_321 : vector<1x16xf32> to vector<16xf32>
      %add3A_323 = arith.addf %add3A_211, %get3A_322 : vector<16xf32>
      %swap3A_324 = arith.constant 0 : i32
      %swap3A_325 = arith.index_cast %swap3A_324 : i32 to index
      %swap3A_326 = arith.constant 112 : index
      %swap3A_327 = tpu.vector_load %arg6[%swap3A_325, %swap3A_326] {strides = array<i32>} : memref<256x128xf32, #tpu.memory_space<vmem>>, vector<1x16xf32>,
      %swap3A_328 = vector.shape_cast %swap3A_327 : vector<1x16xf32> to vector<16xf32>
      %swap3A_329 = vector.shape_cast %add3A_323 : vector<16xf32> to vector<1x16xf32>
      tpu.vector_store %arg6[%swap3A_325, %swap3A_326], %swap3A_329 {strides = array<i32>} : memref<256x128xf32, #tpu.memory_space<vmem>>, vector<1x16xf32>,
      %dma_start3A_330 = arith.constant 512 : i32
      %dma_start3A_331 = tpu.memref_slice %arg3[%dma_start3A_330, %mul3A_4] : memref<4096x2048xf32, #tpu.memory_space<hbm>> -> memref<256x128xf32, #tpu.memory_space<hbm>>
      %dma_start3A_332 = arith.constant 512 : i32
      %dma_start3A_333 = tpu.memref_slice %arg3[%dma_start3A_332, %mul3A_4] : memref<4096x2048xf32, #tpu.memory_space<hbm>> -> memref<256x128xf32, #tpu.memory_space<hbm>>
      tpu.enqueue_dma source(%arg6 : memref<256x128xf32, #tpu.memory_space<vmem>>) target(%dma_start3A_333 : memref<256x128xf32, #tpu.memory_space<hbm>>) target_semaphore(%arg12 : memref<!tpu.dma_semaphore, #tpu.memory_space<semaphore_mem>>)
      %dma_wait3A_334 = arith.constant 256 : i32
      %dma_wait3A_335 = tpu.memref_slice %arg3[%dma_wait3A_334, %mul3A_4] : memref<4096x2048xf32, #tpu.memory_space<hbm>> -> memref<256x128xf32, #tpu.memory_space<hbm>>
      %dma_wait3A_336 = arith.constant 256 : i32
      %dma_wait3A_337 = tpu.memref_slice %arg3[%dma_wait3A_336, %mul3A_4] : memref<4096x2048xf32, #tpu.memory_space<hbm>> -> memref<256x128xf32, #tpu.memory_space<hbm>>
      tpu.wait_dma2 semaphore(%arg11 : memref<!tpu.dma_semaphore, #tpu.memory_space<semaphore_mem>>) src(%arg5 : memref<256x128xf32, #tpu.memory_space<vmem>>) dst(%dma_wait3A_337 : memref<256x128xf32, #tpu.memory_space<hbm>>)
      %dma_start3A_338 = arith.constant 1024 : i32
      %dma_start3A_339 = tpu.memref_slice %arg2[%dma_start3A_338, %mul3A_4] : memref<4096x2048xf32, #tpu.memory_space<hbm>> -> memref<256x128xf32, #tpu.memory_space<hbm>>
      %dma_start3A_340 = arith.constant 1024 : i32
      %dma_start3A_341 = tpu.memref_slice %arg2[%dma_start3A_340, %mul3A_4] : memref<4096x2048xf32, #tpu.memory_space<hbm>> -> memref<256x128xf32, #tpu.memory_space<hbm>>
      tpu.enqueue_dma source(%dma_start3A_341 : memref<256x128xf32, #tpu.memory_space<hbm>>) target(%arg5 : memref<256x128xf32, #tpu.memory_space<vmem>>) target_semaphore(%arg8 : memref<!tpu.dma_semaphore, #tpu.memory_space<semaphore_mem>>)
      %dma_wait3A_342 = arith.constant 768 : i32
      %dma_wait3A_343 = tpu.memref_slice %arg2[%dma_wait3A_342, %mul3A_4] : memref<4096x2048xf32, #tpu.memory_space<hbm>> -> memref<256x128xf32, #tpu.memory_space<hbm>>
      %dma_wait3A_344 = arith.constant 768 : i32
      %dma_wait3A_345 = tpu.memref_slice %arg2[%dma_wait3A_344, %mul3A_4] : memref<4096x2048xf32, #tpu.memory_space<hbm>> -> memref<256x128xf32, #tpu.memory_space<hbm>>
      tpu.wait_dma2 semaphore(%arg7 : memref<!tpu.dma_semaphore, #tpu.memory_space<semaphore_mem>>) src(%dma_wait3A_345 : memref<256x128xf32, #tpu.memory_space<hbm>>) dst(%arg4 : memref<256x128xf32, #tpu.memory_space<vmem>>)
      %get3A_346 = arith.constant 0 : i32
      %get3A_347 = arith.index_cast %get3A_346 : i32 to index
      %get3A_348 = arith.constant 0 : index
      %get3A_349 = tpu.vector_load %arg4[%get3A_347, %get3A_348] {strides = array<i32>} : memref<256x128xf32, #tpu.memory_space<vmem>>, vector<1x16xf32>,
      %get3A_350 = vector.shape_cast %get3A_349 : vector<1x16xf32> to vector<16xf32>
      %add3A_351 = arith.addf %add3A_239, %get3A_350 : vector<16xf32>
      %swap3A_352 = arith.constant 0 : i32
      %swap3A_353 = arith.index_cast %swap3A_352 : i32 to index
      %swap3A_354 = arith.constant 0 : index
      %swap3A_355 = tpu.vector_load %arg4[%swap3A_353, %swap3A_354] {strides = array<i32>} : memref<256x128xf32, #tpu.memory_space<vmem>>, vector<1x16xf32>,
      %swap3A_356 = vector.shape_cast %swap3A_355 : vector<1x16xf32> to vector<16xf32>
      %swap3A_357 = vector.shape_cast %add3A_351 : vector<16xf32> to vector<1x16xf32>
      tpu.vector_store %arg4[%swap3A_353, %swap3A_354], %swap3A_357 {strides = array<i32>} : memref<256x128xf32, #tpu.memory_space<vmem>>, vector<1x16xf32>,
      %get3A_358 = arith.constant 0 : i32
      %get3A_359 = arith.index_cast %get3A_358 : i32 to index
      %get3A_360 = arith.constant 16 : index
      %get3A_361 = tpu.vector_load %arg4[%get3A_359, %get3A_360] {strides = array<i32>} : memref<256x128xf32, #tpu.memory_space<vmem>>, vector<1x16xf32>,
      %get3A_362 = vector.shape_cast %get3A_361 : vector<1x16xf32> to vector<16xf32>
      %add3A_363 = arith.addf %add3A_251, %get3A_362 : vector<16xf32>
      %swap3A_364 = arith.constant 0 : i32
      %swap3A_365 = arith.index_cast %swap3A_364 : i32 to index
      %swap3A_366 = arith.constant 16 : index
      %swap3A_367 = tpu.vector_load %arg4[%swap3A_365, %swap3A_366] {strides = array<i32>} : memref<256x128xf32, #tpu.memory_space<vmem>>, vector<1x16xf32>,
      %swap3A_368 = vector.shape_cast %swap3A_367 : vector<1x16xf32> to vector<16xf32>
      %swap3A_369 = vector.shape_cast %add3A_363 : vector<16xf32> to vector<1x16xf32>
      tpu.vector_store %arg4[%swap3A_365, %swap3A_366], %swap3A_369 {strides = array<i32>} : memref<256x128xf32, #tpu.memory_space<vmem>>, vector<1x16xf32>,
      %get3A_370 = arith.constant 0 : i32
      %get3A_371 = arith.index_cast %get3A_370 : i32 to index
      %get3A_372 = arith.constant 32 : index
      %get3A_373 = tpu.vector_load %arg4[%get3A_371, %get3A_372] {strides = array<i32>} : memref<256x128xf32, #tpu.memory_space<vmem>>, vector<1x16xf32>,
      %get3A_374 = vector.shape_cast %get3A_373 : vector<1x16xf32> to vector<16xf32>
      %add3A_375 = arith.addf %add3A_263, %get3A_374 : vector<16xf32>
      %swap3A_376 = arith.constant 0 : i32
      %swap3A_377 = arith.index_cast %swap3A_376 : i32 to index
      %swap3A_378 = arith.constant 32 : index
      %swap3A_379 = tpu.vector_load %arg4[%swap3A_377, %swap3A_378] {strides = array<i32>} : memref<256x128xf32, #tpu.memory_space<vmem>>, vector<1x16xf32>,
      %swap3A_380 = vector.shape_cast %swap3A_379 : vector<1x16xf32> to vector<16xf32>
      %swap3A_381 = vector.shape_cast %add3A_375 : vector<16xf32> to vector<1x16xf32>
      tpu.vector_store %arg4[%swap3A_377, %swap3A_378], %swap3A_381 {strides = array<i32>} : memref<256x128xf32, #tpu.memory_space<vmem>>, vector<1x16xf32>,
      %get3A_382 = arith.constant 0 : i32
      %get3A_383 = arith.index_cast %get3A_382 : i32 to index
      %get3A_384 = arith.constant 48 : index
      %get3A_385 = tpu.vector_load %arg4[%get3A_383, %get3A_384] {strides = array<i32>} : memref<256x128xf32, #tpu.memory_space<vmem>>, vector<1x16xf32>,
      %get3A_386 = vector.shape_cast %get3A_385 : vector<1x16xf32> to vector<16xf32>
      %add3A_387 = arith.addf %add3A_275, %get3A_386 : vector<16xf32>
      %swap3A_388 = arith.constant 0 : i32
      %swap3A_389 = arith.index_cast %swap3A_388 : i32 to index
      %swap3A_390 = arith.constant 48 : index
      %swap3A_391 = tpu.vector_load %arg4[%swap3A_389, %swap3A_390] {strides = array<i32>} : memref<256x128xf32, #tpu.memory_space<vmem>>, vector<1x16xf32>,
      %swap3A_392 = vector.shape_cast %swap3A_391 : vector<1x16xf32> to vector<16xf32>
      %swap3A_393 = vector.shape_cast %add3A_387 : vector<16xf32> to vector<1x16xf32>
      tpu.vector_store %arg4[%swap3A_389, %swap3A_390], %swap3A_393 {strides = array<i32>} : memref<256x128xf32, #tpu.memory_space<vmem>>, vector<1x16xf32>,
      %get3A_394 = arith.constant 0 : i32
      %get3A_395 = arith.index_cast %get3A_394 : i32 to index
      %get3A_396 = arith.constant 64 : index
      %get3A_397 = tpu.vector_load %arg4[%get3A_395, %get3A_396] {strides = array<i32>} : memref<256x128xf32, #tpu.memory_space<vmem>>, vector<1x16xf32>,
      %get3A_398 = vector.shape_cast %get3A_397 : vector<1x16xf32> to vector<16xf32>
      %add3A_399 = arith.addf %add3A_287, %get3A_398 : vector<16xf32>
      %swap3A_400 = arith.constant 0 : i32
      %swap3A_401 = arith.index_cast %swap3A_400 : i32 to index
      %swap3A_402 = arith.constant 64 : index
      %swap3A_403 = tpu.vector_load %arg4[%swap3A_401, %swap3A_402] {strides = array<i32>} : memref<256x128xf32, #tpu.memory_space<vmem>>, vector<1x16xf32>,
      %swap3A_404 = vector.shape_cast %swap3A_403 : vector<1x16xf32> to vector<16xf32>
      %swap3A_405 = vector.shape_cast %add3A_399 : vector<16xf32> to vector<1x16xf32>
      tpu.vector_store %arg4[%swap3A_401, %swap3A_402], %swap3A_405 {strides = array<i32>} : memref<256x128xf32, #tpu.memory_space<vmem>>, vector<1x16xf32>,
      %get3A_406 = arith.constant 0 : i32
      %get3A_407 = arith.index_cast %get3A_406 : i32 to index
      %get3A_408 = arith.constant 80 : index
      %get3A_409 = tpu.vector_load %arg4[%get3A_407, %get3A_408] {strides = array<i32>} : memref<256x128xf32, #tpu.memory_space<vmem>>, vector<1x16xf32>,
      %get3A_410 = vector.shape_cast %get3A_409 : vector<1x16xf32> to vector<16xf32>
      %add3A_411 = arith.addf %add3A_299, %get3A_410 : vector<16xf32>
      %swap3A_412 = arith.constant 0 : i32
      %swap3A_413 = arith.index_cast %swap3A_412 : i32 to index
      %swap3A_414 = arith.constant 80 : index
      %swap3A_415 = tpu.vector_load %arg4[%swap3A_413, %swap3A_414] {strides = array<i32>} : memref<256x128xf32, #tpu.memory_space<vmem>>, vector<1x16xf32>,
      %swap3A_416 = vector.shape_cast %swap3A_415 : vector<1x16xf32> to vector<16xf32>
      %swap3A_417 = vector.shape_cast %add3A_411 : vector<16xf32> to vector<1x16xf32>
      tpu.vector_store %arg4[%swap3A_413, %swap3A_414], %swap3A_417 {strides = array<i32>} : memref<256x128xf32, #tpu.memory_space<vmem>>, vector<1x16xf32>,
      %get3A_418 = arith.constant 0 : i32
      %get3A_419 = arith.index_cast %get3A_418 : i32 to index
      %get3A_420 = arith.constant 96 : index
      %get3A_421 = tpu.vector_load %arg4[%get3A_419, %get3A_420] {strides = array<i32>} : memref<256x128xf32, #tpu.memory_space<vmem>>, vector<1x16xf32>,
      %get3A_422 = vector.shape_cast %get3A_421 : vector<1x16xf32> to vector<16xf32>
      %add3A_423 = arith.addf %add3A_311, %get3A_422 : vector<16xf32>
      %swap3A_424 = arith.constant 0 : i32
      %swap3A_425 = arith.index_cast %swap3A_424 : i32 to index
      %swap3A_426 = arith.constant 96 : index
      %swap3A_427 = tpu.vector_load %arg4[%swap3A_425, %swap3A_426] {strides = array<i32>} : memref<256x128xf32, #tpu.memory_space<vmem>>, vector<1x16xf32>,
      %swap3A_428 = vector.shape_cast %swap3A_427 : vector<1x16xf32> to vector<16xf32>
      %swap3A_429 = vector.shape_cast %add3A_423 : vector<16xf32> to vector<1x16xf32>
      tpu.vector_store %arg4[%swap3A_425, %swap3A_426], %swap3A_429 {strides = array<i32>} : memref<256x128xf32, #tpu.memory_space<vmem>>, vector<1x16xf32>,
      %get3A_430 = arith.constant 0 : i32
      %get3A_431 = arith.index_cast %get3A_430 : i32 to index
      %get3A_432 = arith.constant 112 : index
      %get3A_433 = tpu.vector_load %arg4[%get3A_431, %get3A_432] {strides = array<i32>} : memref<256x128xf32, #tpu.memory_space<vmem>>, vector<1x16xf32>,
      %get3A_434 = vector.shape_cast %get3A_433 : vector<1x16xf32> to vector<16xf32>
      %add3A_435 = arith.addf %add3A_323, %get3A_434 : vector<16xf32>
      %swap3A_436 = arith.constant 0 : i32
      %swap3A_437 = arith.index_cast %swap3A_436 : i32 to index
      %swap3A_438 = arith.constant 112 : index
      %swap3A_439 = tpu.vector_load %arg4[%swap3A_437, %swap3A_438] {strides = array<i32>} : memref<256x128xf32, #tpu.memory_space<vmem>>, vector<1x16xf32>,
      %swap3A_440 = vector.shape_cast %swap3A_439 : vector<1x16xf32> to vector<16xf32>
      %swap3A_441 = vector.shape_cast %add3A_435 : vector<16xf32> to vector<1x16xf32>
      tpu.vector_store %arg4[%swap3A_437, %swap3A_438], %swap3A_441 {strides = array<i32>} : memref<256x128xf32, #tpu.memory_space<vmem>>, vector<1x16xf32>,
      %dma_start3A_442 = arith.constant 768 : i32
      %dma_start3A_443 = tpu.memref_slice %arg3[%dma_start3A_442, %mul3A_4] : memref<4096x2048xf32, #tpu.memory_space<hbm>> -> memref<256x128xf32, #tpu.memory_space<hbm>>
      %dma_start3A_444 = arith.constant 768 : i32
      %dma_start3A_445 = tpu.memref_slice %arg3[%dma_start3A_444, %mul3A_4] : memref<4096x2048xf32, #tpu.memory_space<hbm>> -> memref<256x128xf32, #tpu.memory_space<hbm>>
      tpu.enqueue_dma source(%arg4 : memref<256x128xf32, #tpu.memory_space<vmem>>) target(%dma_start3A_445 : memref<256x128xf32, #tpu.memory_space<hbm>>) target_semaphore(%arg10 : memref<!tpu.dma_semaphore, #tpu.memory_space<semaphore_mem>>)
      %dma_wait3A_446 = arith.constant 512 : i32
      %dma_wait3A_447 = tpu.memref_slice %arg3[%dma_wait3A_446, %mul3A_4] : memref<4096x2048xf32, #tpu.memory_space<hbm>> -> memref<256x128xf32, #tpu.memory_space<hbm>>
      %dma_wait3A_448 = arith.constant 512 : i32
      %dma_wait3A_449 = tpu.memref_slice %arg3[%dma_wait3A_448, %mul3A_4] : memref<4096x2048xf32, #tpu.memory_space<hbm>> -> memref<256x128xf32, #tpu.memory_space<hbm>>
      tpu.wait_dma2 semaphore(%arg12 : memref<!tpu.dma_semaphore, #tpu.memory_space<semaphore_mem>>) src(%arg6 : memref<256x128xf32, #tpu.memory_space<vmem>>) dst(%dma_wait3A_449 : memref<256x128xf32, #tpu.memory_space<hbm>>)
      %dma_start3A_450 = arith.constant 1280 : i32
      %dma_start3A_451 = tpu.memref_slice %arg2[%dma_start3A_450, %mul3A_4] : memref<4096x2048xf32, #tpu.memory_space<hbm>> -> memref<256x128xf32, #tpu.memory_space<hbm>>
      %dma_start3A_452 = arith.constant 1280 : i32
      %dma_start3A_453 = tpu.memref_slice %arg2[%dma_start3A_452, %mul3A_4] : memref<4096x2048xf32, #tpu.memory_space<hbm>> -> memref<256x128xf32, #tpu.memory_space<hbm>>
      tpu.enqueue_dma source(%dma_start3A_453 : memref<256x128xf32, #tpu.memory_space<hbm>>) target(%arg6 : memref<256x128xf32, #tpu.memory_space<vmem>>) target_semaphore(%arg9 : memref<!tpu.dma_semaphore, #tpu.memory_space<semaphore_mem>>)
      %dma_wait3A_454 = arith.constant 1024 : i32
      %dma_wait3A_455 = tpu.memref_slice %arg2[%dma_wait3A_454, %mul3A_4] : memref<4096x2048xf32, #tpu.memory_space<hbm>> -> memref<256x128xf32, #tpu.memory_space<hbm>>
      %dma_wait3A_456 = arith.constant 1024 : i32
      %dma_wait3A_457 = tpu.memref_slice %arg2[%dma_wait3A_456, %mul3A_4] : memref<4096x2048xf32, #tpu.memory_space<hbm>> -> memref<256x128xf32, #tpu.memory_space<hbm>>
      tpu.wait_dma2 semaphore(%arg8 : memref<!tpu.dma_semaphore, #tpu.memory_space<semaphore_mem>>) src(%dma_wait3A_457 : memref<256x128xf32, #tpu.memory_space<hbm>>) dst(%arg5 : memref<256x128xf32, #tpu.memory_space<vmem>>)
      %get3A_458 = arith.constant 0 : i32
      %get3A_459 = arith.index_cast %get3A_458 : i32 to index
      %get3A_460 = arith.constant 0 : index
      %get3A_461 = tpu.vector_load %arg5[%get3A_459, %get3A_460] {strides = array<i32>} : memref<256x128xf32, #tpu.memory_space<vmem>>, vector<1x16xf32>,
      %get3A_462 = vector.shape_cast %get3A_461 : vector<1x16xf32> to vector<16xf32>
      %add3A_463 = arith.addf %add3A_351, %get3A_462 : vector<16xf32>
      %swap3A_464 = arith.constant 0 : i32
      %swap3A_465 = arith.index_cast %swap3A_464 : i32 to index
      %swap3A_466 = arith.constant 0 : index
      %swap3A_467 = tpu.vector_load %arg5[%swap3A_465, %swap3A_466] {strides = array<i32>} : memref<256x128xf32, #tpu.memory_space<vmem>>, vector<1x16xf32>,
      %swap3A_468 = vector.shape_cast %swap3A_467 : vector<1x16xf32> to vector<16xf32>
      %swap3A_469 = vector.shape_cast %add3A_463 : vector<16xf32> to vector<1x16xf32>
      tpu.vector_store %arg5[%swap3A_465, %swap3A_466], %swap3A_469 {strides = array<i32>} : memref<256x128xf32, #tpu.memory_space<vmem>>, vector<1x16xf32>,
      %get3A_470 = arith.constant 0 : i32
      %get3A_471 = arith.index_cast %get3A_470 : i32 to index
      %get3A_472 = arith.constant 16 : index
      %get3A_473 = tpu.vector_load %arg5[%get3A_471, %get3A_472] {strides = array<i32>} : memref<256x128xf32, #tpu.memory_space<vmem>>, vector<1x16xf32>,
      %get3A_474 = vector.shape_cast %get3A_473 : vector<1x16xf32> to vector<16xf32>
      %add3A_475 = arith.addf %add3A_363, %get3A_474 : vector<16xf32>
      %swap3A_476 = arith.constant 0 : i32
      %swap3A_477 = arith.index_cast %swap3A_476 : i32 to index
      %swap3A_478 = arith.constant 16 : index
      %swap3A_479 = tpu.vector_load %arg5[%swap3A_477, %swap3A_478] {strides = array<i32>} : memref<256x128xf32, #tpu.memory_space<vmem>>, vector<1x16xf32>,
      %swap3A_480 = vector.shape_cast %swap3A_479 : vector<1x16xf32> to vector<16xf32>
      %swap3A_481 = vector.shape_cast %add3A_475 : vector<16xf32> to vector<1x16xf32>
      tpu.vector_store %arg5[%swap3A_477, %swap3A_478], %swap3A_481 {strides = array<i32>} : memref<256x128xf32, #tpu.memory_space<vmem>>, vector<1x16xf32>,
      %get3A_482 = arith.constant 0 : i32
      %get3A_483 = arith.index_cast %get3A_482 : i32 to index
      %get3A_484 = arith.constant 32 : index
      %get3A_485 = tpu.vector_load %arg5[%get3A_483, %get3A_484] {strides = array<i32>} : memref<256x128xf32, #tpu.memory_space<vmem>>, vector<1x16xf32>,
      %get3A_486 = vector.shape_cast %get3A_485 : vector<1x16xf32> to vector<16xf32>
      %add3A_487 = arith.addf %add3A_375, %get3A_486 : vector<16xf32>
      %swap3A_488 = arith.constant 0 : i32
      %swap3A_489 = arith.index_cast %swap3A_488 : i32 to index
      %swap3A_490 = arith.constant 32 : index
      %swap3A_491 = tpu.vector_load %arg5[%swap3A_489, %swap3A_490] {strides = array<i32>} : memref<256x128xf32, #tpu.memory_space<vmem>>, vector<1x16xf32>,
      %swap3A_492 = vector.shape_cast %swap3A_491 : vector<1x16xf32> to vector<16xf32>
      %swap3A_493 = vector.shape_cast %add3A_487 : vector<16xf32> to vector<1x16xf32>
      tpu.vector_store %arg5[%swap3A_489, %swap3A_490], %swap3A_493 {strides = array<i32>} : memref<256x128xf32, #tpu.memory_space<vmem>>, vector<1x16xf32>,
      %get3A_494 = arith.constant 0 : i32
      %get3A_495 = arith.index_cast %get3A_494 : i32 to index
      %get3A_496 = arith.constant 48 : index
      %get3A_497 = tpu.vector_load %arg5[%get3A_495, %get3A_496] {strides = array<i32>} : memref<256x128xf32, #tpu.memory_space<vmem>>, vector<1x16xf32>,
      %get3A_498 = vector.shape_cast %get3A_497 : vector<1x16xf32> to vector<16xf32>
      %add3A_499 = arith.addf %add3A_387, %get3A_498 : vector<16xf32>
      %swap3A_500 = arith.constant 0 : i32
      %swap3A_501 = arith.index_cast %swap3A_500 : i32 to index
      %swap3A_502 = arith.constant 48 : index
      %swap3A_503 = tpu.vector_load %arg5[%swap3A_501, %swap3A_502] {strides = array<i32>} : memref<256x128xf32, #tpu.memory_space<vmem>>, vector<1x16xf32>,
      %swap3A_504 = vector.shape_cast %swap3A_503 : vector<1x16xf32> to vector<16xf32>
      %swap3A_505 = vector.shape_cast %add3A_499 : vector<16xf32> to vector<1x16xf32>
      tpu.vector_store %arg5[%swap3A_501, %swap3A_502], %swap3A_505 {strides = array<i32>} : memref<256x128xf32, #tpu.memory_space<vmem>>, vector<1x16xf32>,
      %get3A_506 = arith.constant 0 : i32
      %get3A_507 = arith.index_cast %get3A_506 : i32 to index
      %get3A_508 = arith.constant 64 : index
      %get3A_509 = tpu.vector_load %arg5[%get3A_507, %get3A_508] {strides = array<i32>} : memref<256x128xf32, #tpu.memory_space<vmem>>, vector<1x16xf32>,
      %get3A_510 = vector.shape_cast %get3A_509 : vector<1x16xf32> to vector<16xf32>
      %add3A_511 = arith.addf %add3A_399, %get3A_510 : vector<16xf32>
      %swap3A_512 = arith.constant 0 : i32
      %swap3A_513 = arith.index_cast %swap3A_512 : i32 to index
      %swap3A_514 = arith.constant 64 : index
      %swap3A_515 = tpu.vector_load %arg5[%swap3A_513, %swap3A_514] {strides = array<i32>} : memref<256x128xf32, #tpu.memory_space<vmem>>, vector<1x16xf32>,
      %swap3A_516 = vector.shape_cast %swap3A_515 : vector<1x16xf32> to vector<16xf32>
      %swap3A_517 = vector.shape_cast %add3A_511 : vector<16xf32> to vector<1x16xf32>
      tpu.vector_store %arg5[%swap3A_513, %swap3A_514], %swap3A_517 {strides = array<i32>} : memref<256x128xf32, #tpu.memory_space<vmem>>, vector<1x16xf32>,
      %get3A_518 = arith.constant 0 : i32
      %get3A_519 = arith.index_cast %get3A_518 : i32 to index
      %get3A_520 = arith.constant 80 : index
      %get3A_521 = tpu.vector_load %arg5[%get3A_519, %get3A_520] {strides = array<i32>} : memref<256x128xf32, #tpu.memory_space<vmem>>, vector<1x16xf32>,
      %get3A_522 = vector.shape_cast %get3A_521 : vector<1x16xf32> to vector<16xf32>
      %add3A_523 = arith.addf %add3A_411, %get3A_522 : vector<16xf32>
      %swap3A_524 = arith.constant 0 : i32
      %swap3A_525 = arith.index_cast %swap3A_524 : i32 to index
      %swap3A_526 = arith.constant 80 : index
      %swap3A_527 = tpu.vector_load %arg5[%swap3A_525, %swap3A_526] {strides = array<i32>} : memref<256x128xf32, #tpu.memory_space<vmem>>, vector<1x16xf32>,
      %swap3A_528 = vector.shape_cast %swap3A_527 : vector<1x16xf32> to vector<16xf32>
      %swap3A_529 = vector.shape_cast %add3A_523 : vector<16xf32> to vector<1x16xf32>
      tpu.vector_store %arg5[%swap3A_525, %swap3A_526], %swap3A_529 {strides = array<i32>} : memref<256x128xf32, #tpu.memory_space<vmem>>, vector<1x16xf32>,
      %get3A_530 = arith.constant 0 : i32
      %get3A_531 = arith.index_cast %get3A_530 : i32 to index
      %get3A_532 = arith.constant 96 : index
      %get3A_533 = tpu.vector_load %arg5[%get3A_531, %get3A_532] {strides = array<i32>} : memref<256x128xf32, #tpu.memory_space<vmem>>, vector<1x16xf32>,
      %get3A_534 = vector.shape_cast %get3A_533 : vector<1x16xf32> to vector<16xf32>
      %add3A_535 = arith.addf %add3A_423, %get3A_534 : vector<16xf32>
      %swap3A_536 = arith.constant 0 : i32
      %swap3A_537 = arith.index_cast %swap3A_536 : i32 to index
      %swap3A_538 = arith.constant 96 : index
      %swap3A_539 = tpu.vector_load %arg5[%swap3A_537, %swap3A_538] {strides = array<i32>} : memref<256x128xf32, #tpu.memory_space<vmem>>, vector<1x16xf32>,
      %swap3A_540 = vector.shape_cast %swap3A_539 : vector<1x16xf32> to vector<16xf32>
      %swap3A_541 = vector.shape_cast %add3A_535 : vector<16xf32> to vector<1x16xf32>
      tpu.vector_store %arg5[%swap3A_537, %swap3A_538], %swap3A_541 {strides = array<i32>} : memref<256x128xf32, #tpu.memory_space<vmem>>, vector<1x16xf32>,
      %get3A_542 = arith.constant 0 : i32
      %get3A_543 = arith.index_cast %get3A_542 : i32 to index
      %get3A_544 = arith.constant 112 : index
      %get3A_545 = tpu.vector_load %arg5[%get3A_543, %get3A_544] {strides = array<i32>} : memref<256x128xf32, #tpu.memory_space<vmem>>, vector<1x16xf32>,
      %get3A_546 = vector.shape_cast %get3A_545 : vector<1x16xf32> to vector<16xf32>
      %add3A_547 = arith.addf %add3A_435, %get3A_546 : vector<16xf32>
      %swap3A_548 = arith.constant 0 : i32
      %swap3A_549 = arith.index_cast %swap3A_548 : i32 to index
      %swap3A_550 = arith.constant 112 : index
      %swap3A_551 = tpu.vector_load %arg5[%swap3A_549, %swap3A_550] {strides = array<i32>} : memref<256x128xf32, #tpu.memory_space<vmem>>, vector<1x16xf32>,
      %swap3A_552 = vector.shape_cast %swap3A_551 : vector<1x16xf32> to vector<16xf32>
      %swap3A_553 = vector.shape_cast %add3A_547 : vector<16xf32> to vector<1x16xf32>
      tpu.vector_store %arg5[%swap3A_549, %swap3A_550], %swap3A_553 {strides = array<i32>} : memref<256x128xf32, #tpu.memory_space<vmem>>, vector<1x16xf32>,
      %dma_start3A_554 = arith.constant 1024 : i32
      %dma_start3A_555 = tpu.memref_slice %arg3[%dma_start3A_554, %mul3A_4] : memref<4096x2048xf32, #tpu.memory_space<hbm>> -> memref<256x128xf32, #tpu.memory_space<hbm>>
      %dma_start3A_556 = arith.constant 1024 : i32
      %dma_start3A_557 = tpu.memref_slice %arg3[%dma_start3A_556, %mul3A_4] : memref<4096x2048xf32, #tpu.memory_space<hbm>> -> memref<256x128xf32, #tpu.memory_space<hbm>>
      tpu.enqueue_dma source(%arg5 : memref<256x128xf32, #tpu.memory_space<vmem>>) target(%dma_start3A_557 : memref<256x128xf32, #tpu.memory_space<hbm>>) target_semaphore(%arg11 : memref<!tpu.dma_semaphore, #tpu.memory_space<semaphore_mem>>)
      %dma_wait3A_558 = arith.constant 768 : i32
      %dma_wait3A_559 = tpu.memref_slice %arg3[%dma_wait3A_558, %mul3A_4] : memref<4096x2048xf32, #tpu.memory_space<hbm>> -> memref<256x128xf32, #tpu.memory_space<hbm>>
      %dma_wait3A_560 = arith.constant 768 : i32
      %dma_wait3A_561 = tpu.memref_slice %arg3[%dma_wait3A_560, %mul3A_4] : memref<4096x2048xf32, #tpu.memory_space<hbm>> -> memref<256x128xf32, #tpu.memory_space<hbm>>
      tpu.wait_dma2 semaphore(%arg10 : memref<!tpu.dma_semaphore, #tpu.memory_space<semaphore_mem>>) src(%arg4 : memref<256x128xf32, #tpu.memory_space<vmem>>) dst(%dma_wait3A_561 : memref<256x128xf32, #tpu.memory_space<hbm>>)
      %dma_start3A_562 = arith.constant 1536 : i32
      %dma_start3A_563 = tpu.memref_slice %arg2[%dma_start3A_562, %mul3A_4] : memref<4096x2048xf32, #tpu.memory_space<hbm>> -> memref<256x128xf32, #tpu.memory_space<hbm>>
      %dma_start3A_564 = arith.constant 1536 : i32
      %dma_start3A_565 = tpu.memref_slice %arg2[%dma_start3A_564, %mul3A_4] : memref<4096x2048xf32, #tpu.memory_space<hbm>> -> memref<256x128xf32, #tpu.memory_space<hbm>>
      tpu.enqueue_dma source(%dma_start3A_565 : memref<256x128xf32, #tpu.memory_space<hbm>>) target(%arg4 : memref<256x128xf32, #tpu.memory_space<vmem>>) target_semaphore(%arg7 : memref<!tpu.dma_semaphore, #tpu.memory_space<semaphore_mem>>)
      %dma_wait3A_566 = arith.constant 1280 : i32
      %dma_wait3A_567 = tpu.memref_slice %arg2[%dma_wait3A_566, %mul3A_4] : memref<4096x2048xf32, #tpu.memory_space<hbm>> -> memref<256x128xf32, #tpu.memory_space<hbm>>
      %dma_wait3A_568 = arith.constant 1280 : i32
      %dma_wait3A_569 = tpu.memref_slice %arg2[%dma_wait3A_568, %mul3A_4] : memref<4096x2048xf32, #tpu.memory_space<hbm>> -> memref<256x128xf32, #tpu.memory_space<hbm>>
      tpu.wait_dma2 semaphore(%arg9 : memref<!tpu.dma_semaphore, #tpu.memory_space<semaphore_mem>>) src(%dma_wait3A_569 : memref<256x128xf32, #tpu.memory_space<hbm>>) dst(%arg6 : memref<256x128xf32, #tpu.memory_space<vmem>>)
      %get3A_570 = arith.constant 0 : i32
      %get3A_571 = arith.index_cast %get3A_570 : i32 to index
      %get3A_572 = arith.constant 0 : index
      %get3A_573 = tpu.vector_load %arg6[%get3A_571, %get3A_572] {strides = array<i32>} : memref<256x128xf32, #tpu.memory_space<vmem>>, vector<1x16xf32>,
      %get3A_574 = vector.shape_cast %get3A_573 : vector<1x16xf32> to vector<16xf32>
      %add3A_575 = arith.addf %add3A_463, %get3A_574 : vector<16xf32>
      %swap3A_576 = arith.constant 0 : i32
      %swap3A_577 = arith.index_cast %swap3A_576 : i32 to index
      %swap3A_578 = arith.constant 0 : index
      %swap3A_579 = tpu.vector_load %arg6[%swap3A_577, %swap3A_578] {strides = array<i32>} : memref<256x128xf32, #tpu.memory_space<vmem>>, vector<1x16xf32>,
      %swap3A_580 = vector.shape_cast %swap3A_579 : vector<1x16xf32> to vector<16xf32>
      %swap3A_581 = vector.shape_cast %add3A_575 : vector<16xf32> to vector<1x16xf32>
      tpu.vector_store %arg6[%swap3A_577, %swap3A_578], %swap3A_581 {strides = array<i32>} : memref<256x128xf32, #tpu.memory_space<vmem>>, vector<1x16xf32>,
      %get3A_582 = arith.constant 0 : i32
      %get3A_583 = arith.index_cast %get3A_582 : i32 to index
      %get3A_584 = arith.constant 16 : index
      %get3A_585 = tpu.vector_load %arg6[%get3A_583, %get3A_584] {strides = array<i32>} : memref<256x128xf32, #tpu.memory_space<vmem>>, vector<1x16xf32>,
      %get3A_586 = vector.shape_cast %get3A_585 : vector<1x16xf32> to vector<16xf32>
      %add3A_587 = arith.addf %add3A_475, %get3A_586 : vector<16xf32>
      %swap3A_588 = arith.constant 0 : i32
      %swap3A_589 = arith.index_cast %swap3A_588 : i32 to index
      %swap3A_590 = arith.constant 16 : index
      %swap3A_591 = tpu.vector_load %arg6[%swap3A_589, %swap3A_590] {strides = array<i32>} : memref<256x128xf32, #tpu.memory_space<vmem>>, vector<1x16xf32>,
      %swap3A_592 = vector.shape_cast %swap3A_591 : vector<1x16xf32> to vector<16xf32>
      %swap3A_593 = vector.shape_cast %add3A_587 : vector<16xf32> to vector<1x16xf32>
      tpu.vector_store %arg6[%swap3A_589, %swap3A_590], %swap3A_593 {strides = array<i32>} : memref<256x128xf32, #tpu.memory_space<vmem>>, vector<1x16xf32>,
      %get3A_594 = arith.constant 0 : i32
      %get3A_595 = arith.index_cast %get3A_594 : i32 to index
      %get3A_596 = arith.constant 32 : index
      %get3A_597 = tpu.vector_load %arg6[%get3A_595, %get3A_596] {strides = array<i32>} : memref<256x128xf32, #tpu.memory_space<vmem>>, vector<1x16xf32>,
      %get3A_598 = vector.shape_cast %get3A_597 : vector<1x16xf32> to vector<16xf32>
      %add3A_599 = arith.addf %add3A_487, %get3A_598 : vector<16xf32>
      %swap3A_600 = arith.constant 0 : i32
      %swap3A_601 = arith.index_cast %swap3A_600 : i32 to index
      %swap3A_602 = arith.constant 32 : index
      %swap3A_603 = tpu.vector_load %arg6[%swap3A_601, %swap3A_602] {strides = array<i32>} : memref<256x128xf32, #tpu.memory_space<vmem>>, vector<1x16xf32>,
      %swap3A_604 = vector.shape_cast %swap3A_603 : vector<1x16xf32> to vector<16xf32>
      %swap3A_605 = vector.shape_cast %add3A_599 : vector<16xf32> to vector<1x16xf32>
      tpu.vector_store %arg6[%swap3A_601, %swap3A_602], %swap3A_605 {strides = array<i32>} : memref<256x128xf32, #tpu.memory_space<vmem>>, vector<1x16xf32>,
      %get3A_606 = arith.constant 0 : i32
      %get3A_607 = arith.index_cast %get3A_606 : i32 to index
      %get3A_608 = arith.constant 48 : index
      %get3A_609 = tpu.vector_load %arg6[%get3A_607, %get3A_608] {strides = array<i32>} : memref<256x128xf32, #tpu.memory_space<vmem>>, vector<1x16xf32>,
      %get3A_610 = vector.shape_cast %get3A_609 : vector<1x16xf32> to vector<16xf32>
      %add3A_611 = arith.addf %add3A_499, %get3A_610 : vector<16xf32>
      %swap3A_612 = arith.constant 0 : i32
      %swap3A_613 = arith.index_cast %swap3A_612 : i32 to index
      %swap3A_614 = arith.constant 48 : index
      %swap3A_615 = tpu.vector_load %arg6[%swap3A_613, %swap3A_614] {strides = array<i32>} : memref<256x128xf32, #tpu.memory_space<vmem>>, vector<1x16xf32>,
      %swap3A_616 = vector.shape_cast %swap3A_615 : vector<1x16xf32> to vector<16xf32>
      %swap3A_617 = vector.shape_cast %add3A_611 : vector<16xf32> to vector<1x16xf32>
      tpu.vector_store %arg6[%swap3A_613, %swap3A_614], %swap3A_617 {strides = array<i32>} : memref<256x128xf32, #tpu.memory_space<vmem>>, vector<1x16xf32>,
      %get3A_618 = arith.constant 0 : i32
      %get3A_619 = arith.index_cast %get3A_618 : i32 to index
      %get3A_620 = arith.constant 64 : index
      %get3A_621 = tpu.vector_load %arg6[%get3A_619, %get3A_620] {strides = array<i32>} : memref<256x128xf32, #tpu.memory_space<vmem>>, vector<1x16xf32>,
      %get3A_622 = vector.shape_cast %get3A_621 : vector<1x16xf32> to vector<16xf32>
      %add3A_623 = arith.addf %add3A_511, %get3A_622 : vector<16xf32>
      %swap3A_624 = arith.constant 0 : i32
      %swap3A_625 = arith.index_cast %swap3A_624 : i32 to index
      %swap3A_626 = arith.constant 64 : index
      %swap3A_627 = tpu.vector_load %arg6[%swap3A_625, %swap3A_626] {strides = array<i32>} : memref<256x128xf32, #tpu.memory_space<vmem>>, vector<1x16xf32>,
      %swap3A_628 = vector.shape_cast %swap3A_627 : vector<1x16xf32> to vector<16xf32>
      %swap3A_629 = vector.shape_cast %add3A_623 : vector<16xf32> to vector<1x16xf32>
      tpu.vector_store %arg6[%swap3A_625, %swap3A_626], %swap3A_629 {strides = array<i32>} : memref<256x128xf32, #tpu.memory_space<vmem>>, vector<1x16xf32>,
      %get3A_630 = arith.constant 0 : i32
      %get3A_631 = arith.index_cast %get3A_630 : i32 to index
      %get3A_632 = arith.constant 80 : index
      %get3A_633 = tpu.vector_load %arg6[%get3A_631, %get3A_632] {strides = array<i32>} : memref<256x128xf32, #tpu.memory_space<vmem>>, vector<1x16xf32>,
      %get3A_634 = vector.shape_cast %get3A_633 : vector<1x16xf32> to vector<16xf32>
      %add3A_635 = arith.addf %add3A_523, %get3A_634 : vector<16xf32>
      %swap3A_636 = arith.constant 0 : i32
      %swap3A_637 = arith.index_cast %swap3A_636 : i32 to index
      %swap3A_638 = arith.constant 80 : index
      %swap3A_639 = tpu.vector_load %arg6[%swap3A_637, %swap3A_638] {strides = array<i32>} : memref<256x128xf32, #tpu.memory_space<vmem>>, vector<1x16xf32>,
      %swap3A_640 = vector.shape_cast %swap3A_639 : vector<1x16xf32> to vector<16xf32>
      %swap3A_641 = vector.shape_cast %add3A_635 : vector<16xf32> to vector<1x16xf32>
      tpu.vector_store %arg6[%swap3A_637, %swap3A_638], %swap3A_641 {strides = array<i32>} : memref<256x128xf32, #tpu.memory_space<vmem>>, vector<1x16xf32>,
      %get3A_642 = arith.constant 0 : i32
      %get3A_643 = arith.index_cast %get3A_642 : i32 to index
      %get3A_644 = arith.constant 96 : index
      %get3A_645 = tpu.vector_load %arg6[%get3A_643, %get3A_644] {strides = array<i32>} : memref<256x128xf32, #tpu.memory_space<vmem>>, vector<1x16xf32>,
      %get3A_646 = vector.shape_cast %get3A_645 : vector<1x16xf32> to vector<16xf32>
      %add3A_647 = arith.addf %add3A_535, %get3A_646 : vector<16xf32>
      %swap3A_648 = arith.constant 0 : i32
      %swap3A_649 = arith.index_cast %swap3A_648 : i32 to index
      %swap3A_650 = arith.constant 96 : index
      %swap3A_651 = tpu.vector_load %arg6[%swap3A_649, %swap3A_650] {strides = array<i32>} : memref<256x128xf32, #tpu.memory_space<vmem>>, vector<1x16xf32>,
      %swap3A_652 = vector.shape_cast %swap3A_651 : vector<1x16xf32> to vector<16xf32>
      %swap3A_653 = vector.shape_cast %add3A_647 : vector<16xf32> to vector<1x16xf32>
      tpu.vector_store %arg6[%swap3A_649, %swap3A_650], %swap3A_653 {strides = array<i32>} : memref<256x128xf32, #tpu.memory_space<vmem>>, vector<1x16xf32>,
      %get3A_654 = arith.constant 0 : i32
      %get3A_655 = arith.index_cast %get3A_654 : i32 to index
      %get3A_656 = arith.constant 112 : index
      %get3A_657 = tpu.vector_load %arg6[%get3A_655, %get3A_656] {strides = array<i32>} : memref<256x128xf32, #tpu.memory_space<vmem>>, vector<1x16xf32>,
      %get3A_658 = vector.shape_cast %get3A_657 : vector<1x16xf32> to vector<16xf32>
      %add3A_659 = arith.addf %add3A_547, %get3A_658 : vector<16xf32>
      %swap3A_660 = arith.constant 0 : i32
      %swap3A_661 = arith.index_cast %swap3A_660 : i32 to index
      %swap3A_662 = arith.constant 112 : index
      %swap3A_663 = tpu.vector_load %arg6[%swap3A_661, %swap3A_662] {strides = array<i32>} : memref<256x128xf32, #tpu.memory_space<vmem>>, vector<1x16xf32>,
      %swap3A_664 = vector.shape_cast %swap3A_663 : vector<1x16xf32> to vector<16xf32>
      %swap3A_665 = vector.shape_cast %add3A_659 : vector<16xf32> to vector<1x16xf32>
      tpu.vector_store %arg6[%swap3A_661, %swap3A_662], %swap3A_665 {strides = array<i32>} : memref<256x128xf32, #tpu.memory_space<vmem>>, vector<1x16xf32>,
      %dma_start3A_666 = arith.constant 1280 : i32
      %dma_start3A_667 = tpu.memref_slice %arg3[%dma_start3A_666, %mul3A_4] : memref<4096x2048xf32, #tpu.memory_space<hbm>> -> memref<256x128xf32, #tpu.memory_space<hbm>>
      %dma_start3A_668 = arith.constant 1280 : i32
      %dma_start3A_669 = tpu.memref_slice %arg3[%dma_start3A_668, %mul3A_4] : memref<4096x2048xf32, #tpu.memory_space<hbm>> -> memref<256x128xf32, #tpu.memory_space<hbm>>
      tpu.enqueue_dma source(%arg6 : memref<256x128xf32, #tpu.memory_space<vmem>>) target(%dma_start3A_669 : memref<256x128xf32, #tpu.memory_space<hbm>>) target_semaphore(%arg12 : memref<!tpu.dma_semaphore, #tpu.memory_space<semaphore_mem>>)
      %dma_wait3A_670 = arith.constant 1024 : i32
      %dma_wait3A_671 = tpu.memref_slice %arg3[%dma_wait3A_670, %mul3A_4] : memref<4096x2048xf32, #tpu.memory_space<hbm>> -> memref<256x128xf32, #tpu.memory_space<hbm>>
      %dma_wait3A_672 = arith.constant 1024 : i32
      %dma_wait3A_673 = tpu.memref_slice %arg3[%dma_wait3A_672, %mul3A_4] : memref<4096x2048xf32, #tpu.memory_space<hbm>> -> memref<256x128xf32, #tpu.memory_space<hbm>>
      tpu.wait_dma2 semaphore(%arg11 : memref<!tpu.dma_semaphore, #tpu.memory_space<semaphore_mem>>) src(%arg5 : memref<256x128xf32, #tpu.memory_space<vmem>>) dst(%dma_wait3A_673 : memref<256x128xf32, #tpu.memory_space<hbm>>)
      %dma_start3A_674 = arith.constant 1792 : i32
      %dma_start3A_675 = tpu.memref_slice %arg2[%dma_start3A_674, %mul3A_4] : memref<4096x2048xf32, #tpu.memory_space<hbm>> -> memref<256x128xf32, #tpu.memory_space<hbm>>
      %dma_start3A_676 = arith.constant 1792 : i32
      %dma_start3A_677 = tpu.memref_slice %arg2[%dma_start3A_676, %mul3A_4] : memref<4096x2048xf32, #tpu.memory_space<hbm>> -> memref<256x128xf32, #tpu.memory_space<hbm>>
      tpu.enqueue_dma source(%dma_start3A_677 : memref<256x128xf32, #tpu.memory_space<hbm>>) target(%arg5 : memref<256x128xf32, #tpu.memory_space<vmem>>) target_semaphore(%arg8 : memref<!tpu.dma_semaphore, #tpu.memory_space<semaphore_mem>>)
      %dma_wait3A_678 = arith.constant 1536 : i32
      %dma_wait3A_679 = tpu.memref_slice %arg2[%dma_wait3A_678, %mul3A_4] : memref<4096x2048xf32, #tpu.memory_space<hbm>> -> memref<256x128xf32, #tpu.memory_space<hbm>>
      %dma_wait3A_680 = arith.constant 1536 : i32
      %dma_wait3A_681 = tpu.memref_slice %arg2[%dma_wait3A_680, %mul3A_4] : memref<4096x2048xf32, #tpu.memory_space<hbm>> -> memref<256x128xf32, #tpu.memory_space<hbm>>
      tpu.wait_dma2 semaphore(%arg7 : memref<!tpu.dma_semaphore, #tpu.memory_space<semaphore_mem>>) src(%dma_wait3A_681 : memref<256x128xf32, #tpu.memory_space<hbm>>) dst(%arg4 : memref<256x128xf32, #tpu.memory_space<vmem>>)
      %get3A_682 = arith.constant 0 : i32
      %get3A_683 = arith.index_cast %get3A_682 : i32 to index
      %get3A_684 = arith.constant 0 : index
      %get3A_685 = tpu.vector_load %arg4[%get3A_683, %get3A_684] {strides = array<i32>} : memref<256x128xf32, #tpu.memory_space<vmem>>, vector<1x16xf32>,
      %get3A_686 = vector.shape_cast %get3A_685 : vector<1x16xf32> to vector<16xf32>
      %add3A_687 = arith.addf %add3A_575, %get3A_686 : vector<16xf32>
      %swap3A_688 = arith.constant 0 : i32
      %swap3A_689 = arith.index_cast %swap3A_688 : i32 to index
      %swap3A_690 = arith.constant 0 : index
      %swap3A_691 = tpu.vector_load %arg4[%swap3A_689, %swap3A_690] {strides = array<i32>} : memref<256x128xf32, #tpu.memory_space<vmem>>, vector<1x16xf32>,
      %swap3A_692 = vector.shape_cast %swap3A_691 : vector<1x16xf32> to vector<16xf32>
      %swap3A_693 = vector.shape_cast %add3A_687 : vector<16xf32> to vector<1x16xf32>
      tpu.vector_store %arg4[%swap3A_689, %swap3A_690], %swap3A_693 {strides = array<i32>} : memref<256x128xf32, #tpu.memory_space<vmem>>, vector<1x16xf32>,
      %get3A_694 = arith.constant 0 : i32
      %get3A_695 = arith.index_cast %get3A_694 : i32 to index
      %get3A_696 = arith.constant 16 : index
      %get3A_697 = tpu.vector_load %arg4[%get3A_695, %get3A_696] {strides = array<i32>} : memref<256x128xf32, #tpu.memory_space<vmem>>, vector<1x16xf32>,
      %get3A_698 = vector.shape_cast %get3A_697 : vector<1x16xf32> to vector<16xf32>
      %add3A_699 = arith.addf %add3A_587, %get3A_698 : vector<16xf32>
      %swap3A_700 = arith.constant 0 : i32
      %swap3A_701 = arith.index_cast %swap3A_700 : i32 to index
      %swap3A_702 = arith.constant 16 : index
      %swap3A_703 = tpu.vector_load %arg4[%swap3A_701, %swap3A_702] {strides = array<i32>} : memref<256x128xf32, #tpu.memory_space<vmem>>, vector<1x16xf32>,
      %swap3A_704 = vector.shape_cast %swap3A_703 : vector<1x16xf32> to vector<16xf32>
      %swap3A_705 = vector.shape_cast %add3A_699 : vector<16xf32> to vector<1x16xf32>
      tpu.vector_store %arg4[%swap3A_701, %swap3A_702], %swap3A_705 {strides = array<i32>} : memref<256x128xf32, #tpu.memory_space<vmem>>, vector<1x16xf32>,
      %get3A_706 = arith.constant 0 : i32
      %get3A_707 = arith.index_cast %get3A_706 : i32 to index
      %get3A_708 = arith.constant 32 : index
      %get3A_709 = tpu.vector_load %arg4[%get3A_707, %get3A_708] {strides = array<i32>} : memref<256x128xf32, #tpu.memory_space<vmem>>, vector<1x16xf32>,
      %get3A_710 = vector.shape_cast %get3A_709 : vector<1x16xf32> to vector<16xf32>
      %add3A_711 = arith.addf %add3A_599, %get3A_710 : vector<16xf32>
      %swap3A_712 = arith.constant 0 : i32
      %swap3A_713 = arith.index_cast %swap3A_712 : i32 to index
      %swap3A_714 = arith.constant 32 : index
      %swap3A_715 = tpu.vector_load %arg4[%swap3A_713, %swap3A_714] {strides = array<i32>} : memref<256x128xf32, #tpu.memory_space<vmem>>, vector<1x16xf32>,
      %swap3A_716 = vector.shape_cast %swap3A_715 : vector<1x16xf32> to vector<16xf32>
      %swap3A_717 = vector.shape_cast %add3A_711 : vector<16xf32> to vector<1x16xf32>
      tpu.vector_store %arg4[%swap3A_713, %swap3A_714], %swap3A_717 {strides = array<i32>} : memref<256x128xf32, #tpu.memory_space<vmem>>, vector<1x16xf32>,
      %get3A_718 = arith.constant 0 : i32
      %get3A_719 = arith.index_cast %get3A_718 : i32 to index
      %get3A_720 = arith.constant 48 : index
      %get3A_721 = tpu.vector_load %arg4[%get3A_719, %get3A_720] {strides = array<i32>} : memref<256x128xf32, #tpu.memory_space<vmem>>, vector<1x16xf32>,
      %get3A_722 = vector.shape_cast %get3A_721 : vector<1x16xf32> to vector<16xf32>
      %add3A_723 = arith.addf %add3A_611, %get3A_722 : vector<16xf32>
      %swap3A_724 = arith.constant 0 : i32
      %swap3A_725 = arith.index_cast %swap3A_724 : i32 to index
      %swap3A_726 = arith.constant 48 : index
      %swap3A_727 = tpu.vector_load %arg4[%swap3A_725, %swap3A_726] {strides = array<i32>} : memref<256x128xf32, #tpu.memory_space<vmem>>, vector<1x16xf32>,
      %swap3A_728 = vector.shape_cast %swap3A_727 : vector<1x16xf32> to vector<16xf32>
      %swap3A_729 = vector.shape_cast %add3A_723 : vector<16xf32> to vector<1x16xf32>
      tpu.vector_store %arg4[%swap3A_725, %swap3A_726], %swap3A_729 {strides = array<i32>} : memref<256x128xf32, #tpu.memory_space<vmem>>, vector<1x16xf32>,
      %get3A_730 = arith.constant 0 : i32
      %get3A_731 = arith.index_cast %get3A_730 : i32 to index
      %get3A_732 = arith.constant 64 : index
      %get3A_733 = tpu.vector_load %arg4[%get3A_731, %get3A_732] {strides = array<i32>} : memref<256x128xf32, #tpu.memory_space<vmem>>, vector<1x16xf32>,
      %get3A_734 = vector.shape_cast %get3A_733 : vector<1x16xf32> to vector<16xf32>
      %add3A_735 = arith.addf %add3A_623, %get3A_734 : vector<16xf32>
      %swap3A_736 = arith.constant 0 : i32
      %swap3A_737 = arith.index_cast %swap3A_736 : i32 to index
      %swap3A_738 = arith.constant 64 : index
      %swap3A_739 = tpu.vector_load %arg4[%swap3A_737, %swap3A_738] {strides = array<i32>} : memref<256x128xf32, #tpu.memory_space<vmem>>, vector<1x16xf32>,
      %swap3A_740 = vector.shape_cast %swap3A_739 : vector<1x16xf32> to vector<16xf32>
      %swap3A_741 = vector.shape_cast %add3A_735 : vector<16xf32> to vector<1x16xf32>
      tpu.vector_store %arg4[%swap3A_737, %swap3A_738], %swap3A_741 {strides = array<i32>} : memref<256x128xf32, #tpu.memory_space<vmem>>, vector<1x16xf32>,
      %get3A_742 = arith.constant 0 : i32
      %get3A_743 = arith.index_cast %get3A_742 : i32 to index
      %get3A_744 = arith.constant 80 : index
      %get3A_745 = tpu.vector_load %arg4[%get3A_743, %get3A_744] {strides = array<i32>} : memref<256x128xf32, #tpu.memory_space<vmem>>, vector<1x16xf32>,
      %get3A_746 = vector.shape_cast %get3A_745 : vector<1x16xf32> to vector<16xf32>
      %add3A_747 = arith.addf %add3A_635, %get3A_746 : vector<16xf32>
      %swap3A_748 = arith.constant 0 : i32
      %swap3A_749 = arith.index_cast %swap3A_748 : i32 to index
      %swap3A_750 = arith.constant 80 : index
      %swap3A_751 = tpu.vector_load %arg4[%swap3A_749, %swap3A_750] {strides = array<i32>} : memref<256x128xf32, #tpu.memory_space<vmem>>, vector<1x16xf32>,
      %swap3A_752 = vector.shape_cast %swap3A_751 : vector<1x16xf32> to vector<16xf32>
      %swap3A_753 = vector.shape_cast %add3A_747 : vector<16xf32> to vector<1x16xf32>
      tpu.vector_store %arg4[%swap3A_749, %swap3A_750], %swap3A_753 {strides = array<i32>} : memref<256x128xf32, #tpu.memory_space<vmem>>, vector<1x16xf32>,
      %get3A_754 = arith.constant 0 : i32
      %get3A_755 = arith.index_cast %get3A_754 : i32 to index
      %get3A_756 = arith.constant 96 : index
      %get3A_757 = tpu.vector_load %arg4[%get3A_755, %get3A_756] {strides = array<i32>} : memref<256x128xf32, #tpu.memory_space<vmem>>, vector<1x16xf32>,
      %get3A_758 = vector.shape_cast %get3A_757 : vector<1x16xf32> to vector<16xf32>
      %add3A_759 = arith.addf %add3A_647, %get3A_758 : vector<16xf32>
      %swap3A_760 = arith.constant 0 : i32
      %swap3A_761 = arith.index_cast %swap3A_760 : i32 to index
      %swap3A_762 = arith.constant 96 : index
      %swap3A_763 = tpu.vector_load %arg4[%swap3A_761, %swap3A_762] {strides = array<i32>} : memref<256x128xf32, #tpu.memory_space<vmem>>, vector<1x16xf32>,
      %swap3A_764 = vector.shape_cast %swap3A_763 : vector<1x16xf32> to vector<16xf32>
      %swap3A_765 = vector.shape_cast %add3A_759 : vector<16xf32> to vector<1x16xf32>
      tpu.vector_store %arg4[%swap3A_761, %swap3A_762], %swap3A_765 {strides = array<i32>} : memref<256x128xf32, #tpu.memory_space<vmem>>, vector<1x16xf32>,
      %get3A_766 = arith.constant 0 : i32
      %get3A_767 = arith.index_cast %get3A_766 : i32 to index
      %get3A_768 = arith.constant 112 : index
      %get3A_769 = tpu.vector_load %arg4[%get3A_767, %get3A_768] {strides = array<i32>} : memref<256x128xf32, #tpu.memory_space<vmem>>, vector<1x16xf32>,
      %get3A_770 = vector.shape_cast %get3A_769 : vector<1x16xf32> to vector<16xf32>
      %add3A_771 = arith.addf %add3A_659, %get3A_770 : vector<16xf32>
      %swap3A_772 = arith.constant 0 : i32
      %swap3A_773 = arith.index_cast %swap3A_772 : i32 to index
      %swap3A_774 = arith.constant 112 : index
      %swap3A_775 = tpu.vector_load %arg4[%swap3A_773, %swap3A_774] {strides = array<i32>} : memref<256x128xf32, #tpu.memory_space<vmem>>, vector<1x16xf32>,
      %swap3A_776 = vector.shape_cast %swap3A_775 : vector<1x16xf32> to vector<16xf32>
      %swap3A_777 = vector.shape_cast %add3A_771 : vector<16xf32> to vector<1x16xf32>
      tpu.vector_store %arg4[%swap3A_773, %swap3A_774], %swap3A_777 {strides = array<i32>} : memref<256x128xf32, #tpu.memory_space<vmem>>, vector<1x16xf32>,
      %dma_start3A_778 = arith.constant 1536 : i32
      %dma_start3A_779 = tpu.memref_slice %arg3[%dma_start3A_778, %mul3A_4] : memref<4096x2048xf32, #tpu.memory_space<hbm>> -> memref<256x128xf32, #tpu.memory_space<hbm>>
      %dma_start3A_780 = arith.constant 1536 : i32
      %dma_start3A_781 = tpu.memref_slice %arg3[%dma_start3A_780, %mul3A_4] : memref<4096x2048xf32, #tpu.memory_space<hbm>> -> memref<256x128xf32, #tpu.memory_space<hbm>>
      tpu.enqueue_dma source(%arg4 : memref<256x128xf32, #tpu.memory_space<vmem>>) target(%dma_start3A_781 : memref<256x128xf32, #tpu.memory_space<hbm>>) target_semaphore(%arg10 : memref<!tpu.dma_semaphore, #tpu.memory_space<semaphore_mem>>)
      %dma_wait3A_782 = arith.constant 1280 : i32
      %dma_wait3A_783 = tpu.memref_slice %arg3[%dma_wait3A_782, %mul3A_4] : memref<4096x2048xf32, #tpu.memory_space<hbm>> -> memref<256x128xf32, #tpu.memory_space<hbm>>
      %dma_wait3A_784 = arith.constant 1280 : i32
      %dma_wait3A_785 = tpu.memref_slice %arg3[%dma_wait3A_784, %mul3A_4] : memref<4096x2048xf32, #tpu.memory_space<hbm>> -> memref<256x128xf32, #tpu.memory_space<hbm>>
      tpu.wait_dma2 semaphore(%arg12 : memref<!tpu.dma_semaphore, #tpu.memory_space<semaphore_mem>>) src(%arg6 : memref<256x128xf32, #tpu.memory_space<vmem>>) dst(%dma_wait3A_785 : memref<256x128xf32, #tpu.memory_space<hbm>>)
      %dma_start3A_786 = arith.constant 2048 : i32
      %dma_start3A_787 = tpu.memref_slice %arg2[%dma_start3A_786, %mul3A_4] : memref<4096x2048xf32, #tpu.memory_space<hbm>> -> memref<256x128xf32, #tpu.memory_space<hbm>>
      %dma_start3A_788 = arith.constant 2048 : i32
      %dma_start3A_789 = tpu.memref_slice %arg2[%dma_start3A_788, %mul3A_4] : memref<4096x2048xf32, #tpu.memory_space<hbm>> -> memref<256x128xf32, #tpu.memory_space<hbm>>
      tpu.enqueue_dma source(%dma_start3A_789 : memref<256x128xf32, #tpu.memory_space<hbm>>) target(%arg6 : memref<256x128xf32, #tpu.memory_space<vmem>>) target_semaphore(%arg9 : memref<!tpu.dma_semaphore, #tpu.memory_space<semaphore_mem>>)
      %dma_wait3A_790 = arith.constant 1792 : i32
      %dma_wait3A_791 = tpu.memref_slice %arg2[%dma_wait3A_790, %mul3A_4] : memref<4096x2048xf32, #tpu.memory_space<hbm>> -> memref<256x128xf32, #tpu.memory_space<hbm>>
      %dma_wait3A_792 = arith.constant 1792 : i32
      %dma_wait3A_793 = tpu.memref_slice %arg2[%dma_wait3A_792, %mul3A_4] : memref<4096x2048xf32, #tpu.memory_space<hbm>> -> memref<256x128xf32, #tpu.memory_space<hbm>>
      tpu.wait_dma2 semaphore(%arg8 : memref<!tpu.dma_semaphore, #tpu.memory_space<semaphore_mem>>) src(%dma_wait3A_793 : memref<256x128xf32, #tpu.memory_space<hbm>>) dst(%arg5 : memref<256x128xf32, #tpu.memory_space<vmem>>)
      %get3A_794 = arith.constant 0 : i32
      %get3A_795 = arith.index_cast %get3A_794 : i32 to index
      %get3A_796 = arith.constant 0 : index
      %get3A_797 = tpu.vector_load %arg5[%get3A_795, %get3A_796] {strides = array<i32>} : memref<256x128xf32, #tpu.memory_space<vmem>>, vector<1x16xf32>,
      %get3A_798 = vector.shape_cast %get3A_797 : vector<1x16xf32> to vector<16xf32>
      %add3A_799 = arith.addf %add3A_687, %get3A_798 : vector<16xf32>
      %swap3A_800 = arith.constant 0 : i32
      %swap3A_801 = arith.index_cast %swap3A_800 : i32 to index
      %swap3A_802 = arith.constant 0 : index
      %swap3A_803 = tpu.vector_load %arg5[%swap3A_801, %swap3A_802] {strides = array<i32>} : memref<256x128xf32, #tpu.memory_space<vmem>>, vector<1x16xf32>,
      %swap3A_804 = vector.shape_cast %swap3A_803 : vector<1x16xf32> to vector<16xf32>
      %swap3A_805 = vector.shape_cast %add3A_799 : vector<16xf32> to vector<1x16xf32>
      tpu.vector_store %arg5[%swap3A_801, %swap3A_802], %swap3A_805 {strides = array<i32>} : memref<256x128xf32, #tpu.memory_space<vmem>>, vector<1x16xf32>,
      %get3A_806 = arith.constant 0 : i32
      %get3A_807 = arith.index_cast %get3A_806 : i32 to index
      %get3A_808 = arith.constant 16 : index
      %get3A_809 = tpu.vector_load %arg5[%get3A_807, %get3A_808] {strides = array<i32>} : memref<256x128xf32, #tpu.memory_space<vmem>>, vector<1x16xf32>,
      %get3A_810 = vector.shape_cast %get3A_809 : vector<1x16xf32> to vector<16xf32>
      %add3A_811 = arith.addf %add3A_699, %get3A_810 : vector<16xf32>
      %swap3A_812 = arith.constant 0 : i32
      %swap3A_813 = arith.index_cast %swap3A_812 : i32 to index
      %swap3A_814 = arith.constant 16 : index
      %swap3A_815 = tpu.vector_load %arg5[%swap3A_813, %swap3A_814] {strides = array<i32>} : memref<256x128xf32, #tpu.memory_space<vmem>>, vector<1x16xf32>,
      %swap3A_816 = vector.shape_cast %swap3A_815 : vector<1x16xf32> to vector<16xf32>
      %swap3A_817 = vector.shape_cast %add3A_811 : vector<16xf32> to vector<1x16xf32>
      tpu.vector_store %arg5[%swap3A_813, %swap3A_814], %swap3A_817 {strides = array<i32>} : memref<256x128xf32, #tpu.memory_space<vmem>>, vector<1x16xf32>,
      %get3A_818 = arith.constant 0 : i32
      %get3A_819 = arith.index_cast %get3A_818 : i32 to index
      %get3A_820 = arith.constant 32 : index
      %get3A_821 = tpu.vector_load %arg5[%get3A_819, %get3A_820] {strides = array<i32>} : memref<256x128xf32, #tpu.memory_space<vmem>>, vector<1x16xf32>,
      %get3A_822 = vector.shape_cast %get3A_821 : vector<1x16xf32> to vector<16xf32>
      %add3A_823 = arith.addf %add3A_711, %get3A_822 : vector<16xf32>
      %swap3A_824 = arith.constant 0 : i32
      %swap3A_825 = arith.index_cast %swap3A_824 : i32 to index
      %swap3A_826 = arith.constant 32 : index
      %swap3A_827 = tpu.vector_load %arg5[%swap3A_825, %swap3A_826] {strides = array<i32>} : memref<256x128xf32, #tpu.memory_space<vmem>>, vector<1x16xf32>,
      %swap3A_828 = vector.shape_cast %swap3A_827 : vector<1x16xf32> to vector<16xf32>
      %swap3A_829 = vector.shape_cast %add3A_823 : vector<16xf32> to vector<1x16xf32>
      tpu.vector_store %arg5[%swap3A_825, %swap3A_826], %swap3A_829 {strides = array<i32>} : memref<256x128xf32, #tpu.memory_space<vmem>>, vector<1x16xf32>,
      %get3A_830 = arith.constant 0 : i32
      %get3A_831 = arith.index_cast %get3A_830 : i32 to index
      %get3A_832 = arith.constant 48 : index
      %get3A_833 = tpu.vector_load %arg5[%get3A_831, %get3A_832] {strides = array<i32>} : memref<256x128xf32, #tpu.memory_space<vmem>>, vector<1x16xf32>,
      %get3A_834 = vector.shape_cast %get3A_833 : vector<1x16xf32> to vector<16xf32>
      %add3A_835 = arith.addf %add3A_723, %get3A_834 : vector<16xf32>
      %swap3A_836 = arith.constant 0 : i32
      %swap3A_837 = arith.index_cast %swap3A_836 : i32 to index
      %swap3A_838 = arith.constant 48 : index
      %swap3A_839 = tpu.vector_load %arg5[%swap3A_837, %swap3A_838] {strides = array<i32>} : memref<256x128xf32, #tpu.memory_space<vmem>>, vector<1x16xf32>,
      %swap3A_840 = vector.shape_cast %swap3A_839 : vector<1x16xf32> to vector<16xf32>
      %swap3A_841 = vector.shape_cast %add3A_835 : vector<16xf32> to vector<1x16xf32>
      tpu.vector_store %arg5[%swap3A_837, %swap3A_838], %swap3A_841 {strides = array<i32>} : memref<256x128xf32, #tpu.memory_space<vmem>>, vector<1x16xf32>,
      %get3A_842 = arith.constant 0 : i32
      %get3A_843 = arith.index_cast %get3A_842 : i32 to index
      %get3A_844 = arith.constant 64 : index
      %get3A_845 = tpu.vector_load %arg5[%get3A_843, %get3A_844] {strides = array<i32>} : memref<256x128xf32, #tpu.memory_space<vmem>>, vector<1x16xf32>,
      %get3A_846 = vector.shape_cast %get3A_845 : vector<1x16xf32> to vector<16xf32>
      %add3A_847 = arith.addf %add3A_735, %get3A_846 : vector<16xf32>
      %swap3A_848 = arith.constant 0 : i32
      %swap3A_849 = arith.index_cast %swap3A_848 : i32 to index
      %swap3A_850 = arith.constant 64 : index
      %swap3A_851 = tpu.vector_load %arg5[%swap3A_849, %swap3A_850] {strides = array<i32>} : memref<256x128xf32, #tpu.memory_space<vmem>>, vector<1x16xf32>,
      %swap3A_852 = vector.shape_cast %swap3A_851 : vector<1x16xf32> to vector<16xf32>
      %swap3A_853 = vector.shape_cast %add3A_847 : vector<16xf32> to vector<1x16xf32>
      tpu.vector_store %arg5[%swap3A_849, %swap3A_850], %swap3A_853 {strides = array<i32>} : memref<256x128xf32, #tpu.memory_space<vmem>>, vector<1x16xf32>,
      %get3A_854 = arith.constant 0 : i32
      %get3A_855 = arith.index_cast %get3A_854 : i32 to index
      %get3A_856 = arith.constant 80 : index
      %get3A_857 = tpu.vector_load %arg5[%get3A_855, %get3A_856] {strides = array<i32>} : memref<256x128xf32, #tpu.memory_space<vmem>>, vector<1x16xf32>,
      %get3A_858 = vector.shape_cast %get3A_857 : vector<1x16xf32> to vector<16xf32>
      %add3A_859 = arith.addf %add3A_747, %get3A_858 : vector<16xf32>
      %swap3A_860 = arith.constant 0 : i32
      %swap3A_861 = arith.index_cast %swap3A_860 : i32 to index
      %swap3A_862 = arith.constant 80 : index
      %swap3A_863 = tpu.vector_load %arg5[%swap3A_861, %swap3A_862] {strides = array<i32>} : memref<256x128xf32, #tpu.memory_space<vmem>>, vector<1x16xf32>,
      %swap3A_864 = vector.shape_cast %swap3A_863 : vector<1x16xf32> to vector<16xf32>
      %swap3A_865 = vector.shape_cast %add3A_859 : vector<16xf32> to vector<1x16xf32>
      tpu.vector_store %arg5[%swap3A_861, %swap3A_862], %swap3A_865 {strides = array<i32>} : memref<256x128xf32, #tpu.memory_space<vmem>>, vector<1x16xf32>,
      %get3A_866 = arith.constant 0 : i32
      %get3A_867 = arith.index_cast %get3A_866 : i32 to index
      %get3A_868 = arith.constant 96 : index
      %get3A_869 = tpu.vector_load %arg5[%get3A_867, %get3A_868] {strides = array<i32>} : memref<256x128xf32, #tpu.memory_space<vmem>>, vector<1x16xf32>,
      %get3A_870 = vector.shape_cast %get3A_869 : vector<1x16xf32> to vector<16xf32>
      %add3A_871 = arith.addf %add3A_759, %get3A_870 : vector<16xf32>
      %swap3A_872 = arith.constant 0 : i32
      %swap3A_873 = arith.index_cast %swap3A_872 : i32 to index
      %swap3A_874 = arith.constant 96 : index
      %swap3A_875 = tpu.vector_load %arg5[%swap3A_873, %swap3A_874] {strides = array<i32>} : memref<256x128xf32, #tpu.memory_space<vmem>>, vector<1x16xf32>,
      %swap3A_876 = vector.shape_cast %swap3A_875 : vector<1x16xf32> to vector<16xf32>
      %swap3A_877 = vector.shape_cast %add3A_871 : vector<16xf32> to vector<1x16xf32>
      tpu.vector_store %arg5[%swap3A_873, %swap3A_874], %swap3A_877 {strides = array<i32>} : memref<256x128xf32, #tpu.memory_space<vmem>>, vector<1x16xf32>,
      %get3A_878 = arith.constant 0 : i32
      %get3A_879 = arith.index_cast %get3A_878 : i32 to index
      %get3A_880 = arith.constant 112 : index
      %get3A_881 = tpu.vector_load %arg5[%get3A_879, %get3A_880] {strides = array<i32>} : memref<256x128xf32, #tpu.memory_space<vmem>>, vector<1x16xf32>,
      %get3A_882 = vector.shape_cast %get3A_881 : vector<1x16xf32> to vector<16xf32>
      %add3A_883 = arith.addf %add3A_771, %get3A_882 : vector<16xf32>
      %swap3A_884 = arith.constant 0 : i32
      %swap3A_885 = arith.index_cast %swap3A_884 : i32 to index
      %swap3A_886 = arith.constant 112 : index
      %swap3A_887 = tpu.vector_load %arg5[%swap3A_885, %swap3A_886] {strides = array<i32>} : memref<256x128xf32, #tpu.memory_space<vmem>>, vector<1x16xf32>,
      %swap3A_888 = vector.shape_cast %swap3A_887 : vector<1x16xf32> to vector<16xf32>
      %swap3A_889 = vector.shape_cast %add3A_883 : vector<16xf32> to vector<1x16xf32>
      tpu.vector_store %arg5[%swap3A_885, %swap3A_886], %swap3A_889 {strides = array<i32>} : memref<256x128xf32, #tpu.memory_space<vmem>>, vector<1x16xf32>,
      %dma_start3A_890 = arith.constant 1792 : i32
      %dma_start3A_891 = tpu.memref_slice %arg3[%dma_start3A_890, %mul3A_4] : memref<4096x2048xf32, #tpu.memory_space<hbm>> -> memref<256x128xf32, #tpu.memory_space<hbm>>
      %dma_start3A_892 = arith.constant 1792 : i32
      %dma_start3A_893 = tpu.memref_slice %arg3[%dma_start3A_892, %mul3A_4] : memref<4096x2048xf32, #tpu.memory_space<hbm>> -> memref<256x128xf32, #tpu.memory_space<hbm>>
      tpu.enqueue_dma source(%arg5 : memref<256x128xf32, #tpu.memory_space<vmem>>) target(%dma_start3A_893 : memref<256x128xf32, #tpu.memory_space<hbm>>) target_semaphore(%arg11 : memref<!tpu.dma_semaphore, #tpu.memory_space<semaphore_mem>>)
      %dma_wait3A_894 = arith.constant 1536 : i32
      %dma_wait3A_895 = tpu.memref_slice %arg3[%dma_wait3A_894, %mul3A_4] : memref<4096x2048xf32, #tpu.memory_space<hbm>> -> memref<256x128xf32, #tpu.memory_space<hbm>>
      %dma_wait3A_896 = arith.constant 1536 : i32
      %dma_wait3A_897 = tpu.memref_slice %arg3[%dma_wait3A_896, %mul3A_4] : memref<4096x2048xf32, #tpu.memory_space<hbm>> -> memref<256x128xf32, #tpu.memory_space<hbm>>
      tpu.wait_dma2 semaphore(%arg10 : memref<!tpu.dma_semaphore, #tpu.memory_space<semaphore_mem>>) src(%arg4 : memref<256x128xf32, #tpu.memory_space<vmem>>) dst(%dma_wait3A_897 : memref<256x128xf32, #tpu.memory_space<hbm>>)
      %dma_start3A_898 = arith.constant 2304 : i32
      %dma_start3A_899 = tpu.memref_slice %arg2[%dma_start3A_898, %mul3A_4] : memref<4096x2048xf32, #tpu.memory_space<hbm>> -> memref<256x128xf32, #tpu.memory_space<hbm>>
      %dma_start3A_900 = arith.constant 2304 : i32
      %dma_start3A_901 = tpu.memref_slice %arg2[%dma_start3A_900, %mul3A_4] : memref<4096x2048xf32, #tpu.memory_space<hbm>> -> memref<256x128xf32, #tpu.memory_space<hbm>>
      tpu.enqueue_dma source(%dma_start3A_901 : memref<256x128xf32, #tpu.memory_space<hbm>>) target(%arg4 : memref<256x128xf32, #tpu.memory_space<vmem>>) target_semaphore(%arg7 : memref<!tpu.dma_semaphore, #tpu.memory_space<semaphore_mem>>)
      %dma_wait3A_902 = arith.constant 2048 : i32
      %dma_wait3A_903 = tpu.memref_slice %arg2[%dma_wait3A_902, %mul3A_4] : memref<4096x2048xf32, #tpu.memory_space<hbm>> -> memref<256x128xf32, #tpu.memory_space<hbm>>
      %dma_wait3A_904 = arith.constant 2048 : i32
      %dma_wait3A_905 = tpu.memref_slice %arg2[%dma_wait3A_904, %mul3A_4] : memref<4096x2048xf32, #tpu.memory_space<hbm>> -> memref<256x128xf32, #tpu.memory_space<hbm>>
      tpu.wait_dma2 semaphore(%arg9 : memref<!tpu.dma_semaphore, #tpu.memory_space<semaphore_mem>>) src(%dma_wait3A_905 : memref<256x128xf32, #tpu.memory_space<hbm>>) dst(%arg6 : memref<256x128xf32, #tpu.memory_space<vmem>>)
      %get3A_906 = arith.constant 0 : i32
      %get3A_907 = arith.index_cast %get3A_906 : i32 to index
      %get3A_908 = arith.constant 0 : index
      %get3A_909 = tpu.vector_load %arg6[%get3A_907, %get3A_908] {strides = array<i32>} : memref<256x128xf32, #tpu.memory_space<vmem>>, vector<1x16xf32>,
      %get3A_910 = vector.shape_cast %get3A_909 : vector<1x16xf32> to vector<16xf32>
      %add3A_911 = arith.addf %add3A_799, %get3A_910 : vector<16xf32>
      %swap3A_912 = arith.constant 0 : i32
      %swap3A_913 = arith.index_cast %swap3A_912 : i32 to index
      %swap3A_914 = arith.constant 0 : index
      %swap3A_915 = tpu.vector_load %arg6[%swap3A_913, %swap3A_914] {strides = array<i32>} : memref<256x128xf32, #tpu.memory_space<vmem>>, vector<1x16xf32>,
      %swap3A_916 = vector.shape_cast %swap3A_915 : vector<1x16xf32> to vector<16xf32>
      %swap3A_917 = vector.shape_cast %add3A_911 : vector<16xf32> to vector<1x16xf32>
      tpu.vector_store %arg6[%swap3A_913, %swap3A_914], %swap3A_917 {strides = array<i32>} : memref<256x128xf32, #tpu.memory_space<vmem>>, vector<1x16xf32>,
      %get3A_918 = arith.constant 0 : i32
      %get3A_919 = arith.index_cast %get3A_918 : i32 to index
      %get3A_920 = arith.constant 16 : index
      %get3A_921 = tpu.vector_load %arg6[%get3A_919, %get3A_920] {strides = array<i32>} : memref<256x128xf32, #tpu.memory_space<vmem>>, vector<1x16xf32>,
      %get3A_922 = vector.shape_cast %get3A_921 : vector<1x16xf32> to vector<16xf32>
      %add3A_923 = arith.addf %add3A_811, %get3A_922 : vector<16xf32>
      %swap3A_924 = arith.constant 0 : i32
      %swap3A_925 = arith.index_cast %swap3A_924 : i32 to index
      %swap3A_926 = arith.constant 16 : index
      %swap3A_927 = tpu.vector_load %arg6[%swap3A_925, %swap3A_926] {strides = array<i32>} : memref<256x128xf32, #tpu.memory_space<vmem>>, vector<1x16xf32>,
      %swap3A_928 = vector.shape_cast %swap3A_927 : vector<1x16xf32> to vector<16xf32>
      %swap3A_929 = vector.shape_cast %add3A_923 : vector<16xf32> to vector<1x16xf32>
      tpu.vector_store %arg6[%swap3A_925, %swap3A_926], %swap3A_929 {strides = array<i32>} : memref<256x128xf32, #tpu.memory_space<vmem>>, vector<1x16xf32>,
      %get3A_930 = arith.constant 0 : i32
      %get3A_931 = arith.index_cast %get3A_930 : i32 to index
      %get3A_932 = arith.constant 32 : index
      %get3A_933 = tpu.vector_load %arg6[%get3A_931, %get3A_932] {strides = array<i32>} : memref<256x128xf32, #tpu.memory_space<vmem>>, vector<1x16xf32>,
      %get3A_934 = vector.shape_cast %get3A_933 : vector<1x16xf32> to vector<16xf32>
      %add3A_935 = arith.addf %add3A_823, %get3A_934 : vector<16xf32>
      %swap3A_936 = arith.constant 0 : i32
      %swap3A_937 = arith.index_cast %swap3A_936 : i32 to index
      %swap3A_938 = arith.constant 32 : index
      %swap3A_939 = tpu.vector_load %arg6[%swap3A_937, %swap3A_938] {strides = array<i32>} : memref<256x128xf32, #tpu.memory_space<vmem>>, vector<1x16xf32>,
      %swap3A_940 = vector.shape_cast %swap3A_939 : vector<1x16xf32> to vector<16xf32>
      %swap3A_941 = vector.shape_cast %add3A_935 : vector<16xf32> to vector<1x16xf32>
      tpu.vector_store %arg6[%swap3A_937, %swap3A_938], %swap3A_941 {strides = array<i32>} : memref<256x128xf32, #tpu.memory_space<vmem>>, vector<1x16xf32>,
      %get3A_942 = arith.constant 0 : i32
      %get3A_943 = arith.index_cast %get3A_942 : i32 to index
      %get3A_944 = arith.constant 48 : index
      %get3A_945 = tpu.vector_load %arg6[%get3A_943, %get3A_944] {strides = array<i32>} : memref<256x128xf32, #tpu.memory_space<vmem>>, vector<1x16xf32>,
      %get3A_946 = vector.shape_cast %get3A_945 : vector<1x16xf32> to vector<16xf32>
      %add3A_947 = arith.addf %add3A_835, %get3A_946 : vector<16xf32>
      %swap3A_948 = arith.constant 0 : i32
      %swap3A_949 = arith.index_cast %swap3A_948 : i32 to index
      %swap3A_950 = arith.constant 48 : index
      %swap3A_951 = tpu.vector_load %arg6[%swap3A_949, %swap3A_950] {strides = array<i32>} : memref<256x128xf32, #tpu.memory_space<vmem>>, vector<1x16xf32>,
      %swap3A_952 = vector.shape_cast %swap3A_951 : vector<1x16xf32> to vector<16xf32>
      %swap3A_953 = vector.shape_cast %add3A_947 : vector<16xf32> to vector<1x16xf32>
      tpu.vector_store %arg6[%swap3A_949, %swap3A_950], %swap3A_953 {strides = array<i32>} : memref<256x128xf32, #tpu.memory_space<vmem>>, vector<1x16xf32>,
      %get3A_954 = arith.constant 0 : i32
      %get3A_955 = arith.index_cast %get3A_954 : i32 to index
      %get3A_956 = arith.constant 64 : index
      %get3A_957 = tpu.vector_load %arg6[%get3A_955, %get3A_956] {strides = array<i32>} : memref<256x128xf32, #tpu.memory_space<vmem>>, vector<1x16xf32>,
      %get3A_958 = vector.shape_cast %get3A_957 : vector<1x16xf32> to vector<16xf32>
      %add3A_959 = arith.addf %add3A_847, %get3A_958 : vector<16xf32>
      %swap3A_960 = arith.constant 0 : i32
      %swap3A_961 = arith.index_cast %swap3A_960 : i32 to index
      %swap3A_962 = arith.constant 64 : index
      %swap3A_963 = tpu.vector_load %arg6[%swap3A_961, %swap3A_962] {strides = array<i32>} : memref<256x128xf32, #tpu.memory_space<vmem>>, vector<1x16xf32>,
      %swap3A_964 = vector.shape_cast %swap3A_963 : vector<1x16xf32> to vector<16xf32>
      %swap3A_965 = vector.shape_cast %add3A_959 : vector<16xf32> to vector<1x16xf32>
      tpu.vector_store %arg6[%swap3A_961, %swap3A_962], %swap3A_965 {strides = array<i32>} : memref<256x128xf32, #tpu.memory_space<vmem>>, vector<1x16xf32>,
      %get3A_966 = arith.constant 0 : i32
      %get3A_967 = arith.index_cast %get3A_966 : i32 to index
      %get3A_968 = arith.constant 80 : index
      %get3A_969 = tpu.vector_load %arg6[%get3A_967, %get3A_968] {strides = array<i32>} : memref<256x128xf32, #tpu.memory_space<vmem>>, vector<1x16xf32>,
      %get3A_970 = vector.shape_cast %get3A_969 : vector<1x16xf32> to vector<16xf32>
      %add3A_971 = arith.addf %add3A_859, %get3A_970 : vector<16xf32>
      %swap3A_972 = arith.constant 0 : i32
      %swap3A_973 = arith.index_cast %swap3A_972 : i32 to index
      %swap3A_974 = arith.constant 80 : index
      %swap3A_975 = tpu.vector_load %arg6[%swap3A_973, %swap3A_974] {strides = array<i32>} : memref<256x128xf32, #tpu.memory_space<vmem>>, vector<1x16xf32>,
      %swap3A_976 = vector.shape_cast %swap3A_975 : vector<1x16xf32> to vector<16xf32>
      %swap3A_977 = vector.shape_cast %add3A_971 : vector<16xf32> to vector<1x16xf32>
      tpu.vector_store %arg6[%swap3A_973, %swap3A_974], %swap3A_977 {strides = array<i32>} : memref<256x128xf32, #tpu.memory_space<vmem>>, vector<1x16xf32>,
      %get3A_978 = arith.constant 0 : i32
      %get3A_979 = arith.index_cast %get3A_978 : i32 to index
      %get3A_980 = arith.constant 96 : index
      %get3A_981 = tpu.vector_load %arg6[%get3A_979, %get3A_980] {strides = array<i32>} : memref<256x128xf32, #tpu.memory_space<vmem>>, vector<1x16xf32>,
      %get3A_982 = vector.shape_cast %get3A_981 : vector<1x16xf32> to vector<16xf32>
      %add3A_983 = arith.addf %add3A_871, %get3A_982 : vector<16xf32>
      %swap3A_984 = arith.constant 0 : i32
      %swap3A_985 = arith.index_cast %swap3A_984 : i32 to index
      %swap3A_986 = arith.constant 96 : index
      %swap3A_987 = tpu.vector_load %arg6[%swap3A_985, %swap3A_986] {strides = array<i32>} : memref<256x128xf32, #tpu.memory_space<vmem>>, vector<1x16xf32>,
      %swap3A_988 = vector.shape_cast %swap3A_987 : vector<1x16xf32> to vector<16xf32>
      %swap3A_989 = vector.shape_cast %add3A_983 : vector<16xf32> to vector<1x16xf32>
      tpu.vector_store %arg6[%swap3A_985, %swap3A_986], %swap3A_989 {strides = array<i32>} : memref<256x128xf32, #tpu.memory_space<vmem>>, vector<1x16xf32>,
      %get3A_990 = arith.constant 0 : i32
      %get3A_991 = arith.index_cast %get3A_990 : i32 to index
      %get3A_992 = arith.constant 112 : index
      %get3A_993 = tpu.vector_load %arg6[%get3A_991, %get3A_992] {strides = array<i32>} : memref<256x128xf32, #tpu.memory_space<vmem>>, vector<1x16xf32>,
      %get3A_994 = vector.shape_cast %get3A_993 : vector<1x16xf32> to vector<16xf32>
      %add3A_995 = arith.addf %add3A_883, %get3A_994 : vector<16xf32>
      %swap3A_996 = arith.constant 0 : i32
      %swap3A_997 = arith.index_cast %swap3A_996 : i32 to index
      %swap3A_998 = arith.constant 112 : index
      %swap3A_999 = tpu.vector_load %arg6[%swap3A_997, %swap3A_998] {strides = array<i32>} : memref<256x128xf32, #tpu.memory_space<vmem>>, vector<1x16xf32>,
      %swap3A_1000 = vector.shape_cast %swap3A_999 : vector<1x16xf32> to vector<16xf32>
      %swap3A_1001 = vector.shape_cast %add3A_995 : vector<16xf32> to vector<1x16xf32>
      tpu.vector_store %arg6[%swap3A_997, %swap3A_998], %swap3A_1001 {strides = array<i32>} : memref<256x128xf32, #tpu.memory_space<vmem>>, vector<1x16xf32>,
      %dma_start3A_1002 = arith.constant 2048 : i32
      %dma_start3A_1003 = tpu.memref_slice %arg3[%dma_start3A_1002, %mul3A_4] : memref<4096x2048xf32, #tpu.memory_space<hbm>> -> memref<256x128xf32, #tpu.memory_space<hbm>>
      %dma_start3A_1004 = arith.constant 2048 : i32
      %dma_start3A_1005 = tpu.memref_slice %arg3[%dma_start3A_1004, %mul3A_4] : memref<4096x2048xf32, #tpu.memory_space<hbm>> -> memref<256x128xf32, #tpu.memory_space<hbm>>
      tpu.enqueue_dma source(%arg6 : memref<256x128xf32, #tpu.memory_space<vmem>>) target(%dma_start3A_1005 : memref<256x128xf32, #tpu.memory_space<hbm>>) target_semaphore(%arg12 : memref<!tpu.dma_semaphore, #tpu.memory_space<semaphore_mem>>)
      %dma_wait3A_1006 = arith.constant 1792 : i32
      %dma_wait3A_1007 = tpu.memref_slice %arg3[%dma_wait3A_1006, %mul3A_4] : memref<4096x2048xf32, #tpu.memory_space<hbm>> -> memref<256x128xf32, #tpu.memory_space<hbm>>
      %dma_wait3A_1008 = arith.constant 1792 : i32
      %dma_wait3A_1009 = tpu.memref_slice %arg3[%dma_wait3A_1008, %mul3A_4] : memref<4096x2048xf32, #tpu.memory_space<hbm>> -> memref<256x128xf32, #tpu.memory_space<hbm>>
      tpu.wait_dma2 semaphore(%arg11 : memref<!tpu.dma_semaphore, #tpu.memory_space<semaphore_mem>>) src(%arg5 : memref<256x128xf32, #tpu.memory_space<vmem>>) dst(%dma_wait3A_1009 : memref<256x128xf32, #tpu.memory_space<hbm>>)
      %dma_start3A_1010 = arith.constant 2560 : i32
      %dma_start3A_1011 = tpu.memref_slice %arg2[%dma_start3A_1010, %mul3A_4] : memref<4096x2048xf32, #tpu.memory_space<hbm>> -> memref<256x128xf32, #tpu.memory_space<hbm>>
      %dma_start3A_1012 = arith.constant 2560 : i32
      %dma_start3A_1013 = tpu.memref_slice %arg2[%dma_start3A_1012, %mul3A_4] : memref<4096x2048xf32, #tpu.memory_space<hbm>> -> memref<256x128xf32, #tpu.memory_space<hbm>>
      tpu.enqueue_dma source(%dma_start3A_1013 : memref<256x128xf32, #tpu.memory_space<hbm>>) target(%arg5 : memref<256x128xf32, #tpu.memory_space<vmem>>) target_semaphore(%arg8 : memref<!tpu.dma_semaphore, #tpu.memory_space<semaphore_mem>>)
      %dma_wait3A_1014 = arith.constant 2304 : i32
      %dma_wait3A_1015 = tpu.memref_slice %arg2[%dma_wait3A_1014, %mul3A_4] : memref<4096x2048xf32, #tpu.memory_space<hbm>> -> memref<256x128xf32, #tpu.memory_space<hbm>>
      %dma_wait3A_1016 = arith.constant 2304 : i32
      %dma_wait3A_1017 = tpu.memref_slice %arg2[%dma_wait3A_1016, %mul3A_4] : memref<4096x2048xf32, #tpu.memory_space<hbm>> -> memref<256x128xf32, #tpu.memory_space<hbm>>
      tpu.wait_dma2 semaphore(%arg7 : memref<!tpu.dma_semaphore, #tpu.memory_space<semaphore_mem>>) src(%dma_wait3A_1017 : memref<256x128xf32, #tpu.memory_space<hbm>>) dst(%arg4 : memref<256x128xf32, #tpu.memory_space<vmem>>)
      %get3A_1018 = arith.constant 0 : i32
      %get3A_1019 = arith.index_cast %get3A_1018 : i32 to index
      %get3A_1020 = arith.constant 0 : index
      %get3A_1021 = tpu.vector_load %arg4[%get3A_1019, %get3A_1020] {strides = array<i32>} : memref<256x128xf32, #tpu.memory_space<vmem>>, vector<1x16xf32>,
      %get3A_1022 = vector.shape_cast %get3A_1021 : vector<1x16xf32> to vector<16xf32>
      %add3A_1023 = arith.addf %add3A_911, %get3A_1022 : vector<16xf32>
      %swap3A_1024 = arith.constant 0 : i32
      %swap3A_1025 = arith.index_cast %swap3A_1024 : i32 to index
      %swap3A_1026 = arith.constant 0 : index
      %swap3A_1027 = tpu.vector_load %arg4[%swap3A_1025, %swap3A_1026] {strides = array<i32>} : memref<256x128xf32, #tpu.memory_space<vmem>>, vector<1x16xf32>,
      %swap3A_1028 = vector.shape_cast %swap3A_1027 : vector<1x16xf32> to vector<16xf32>
      %swap3A_1029 = vector.shape_cast %add3A_1023 : vector<16xf32> to vector<1x16xf32>
      tpu.vector_store %arg4[%swap3A_1025, %swap3A_1026], %swap3A_1029 {strides = array<i32>} : memref<256x128xf32, #tpu.memory_space<vmem>>, vector<1x16xf32>,
      %get3A_1030 = arith.constant 0 : i32
      %get3A_1031 = arith.index_cast %get3A_1030 : i32 to index
      %get3A_1032 = arith.constant 16 : index
      %get3A_1033 = tpu.vector_load %arg4[%get3A_1031, %get3A_1032] {strides = array<i32>} : memref<256x128xf32, #tpu.memory_space<vmem>>, vector<1x16xf32>,
      %get3A_1034 = vector.shape_cast %get3A_1033 : vector<1x16xf32> to vector<16xf32>
      %add3A_1035 = arith.addf %add3A_923, %get3A_1034 : vector<16xf32>
      %swap3A_1036 = arith.constant 0 : i32
      %swap3A_1037 = arith.index_cast %swap3A_1036 : i32 to index
      %swap3A_1038 = arith.constant 16 : index
      %swap3A_1039 = tpu.vector_load %arg4[%swap3A_1037, %swap3A_1038] {strides = array<i32>} : memref<256x128xf32, #tpu.memory_space<vmem>>, vector<1x16xf32>,
      %swap3A_1040 = vector.shape_cast %swap3A_1039 : vector<1x16xf32> to vector<16xf32>
      %swap3A_1041 = vector.shape_cast %add3A_1035 : vector<16xf32> to vector<1x16xf32>
      tpu.vector_store %arg4[%swap3A_1037, %swap3A_1038], %swap3A_1041 {strides = array<i32>} : memref<256x128xf32, #tpu.memory_space<vmem>>, vector<1x16xf32>,
      %get3A_1042 = arith.constant 0 : i32
      %get3A_1043 = arith.index_cast %get3A_1042 : i32 to index
      %get3A_1044 = arith.constant 32 : index
      %get3A_1045 = tpu.vector_load %arg4[%get3A_1043, %get3A_1044] {strides = array<i32>} : memref<256x128xf32, #tpu.memory_space<vmem>>, vector<1x16xf32>,
      %get3A_1046 = vector.shape_cast %get3A_1045 : vector<1x16xf32> to vector<16xf32>
      %add3A_1047 = arith.addf %add3A_935, %get3A_1046 : vector<16xf32>
      %swap3A_1048 = arith.constant 0 : i32
      %swap3A_1049 = arith.index_cast %swap3A_1048 : i32 to index
      %swap3A_1050 = arith.constant 32 : index
      %swap3A_1051 = tpu.vector_load %arg4[%swap3A_1049, %swap3A_1050] {strides = array<i32>} : memref<256x128xf32, #tpu.memory_space<vmem>>, vector<1x16xf32>,
      %swap3A_1052 = vector.shape_cast %swap3A_1051 : vector<1x16xf32> to vector<16xf32>
      %swap3A_1053 = vector.shape_cast %add3A_1047 : vector<16xf32> to vector<1x16xf32>
      tpu.vector_store %arg4[%swap3A_1049, %swap3A_1050], %swap3A_1053 {strides = array<i32>} : memref<256x128xf32, #tpu.memory_space<vmem>>, vector<1x16xf32>,
      %get3A_1054 = arith.constant 0 : i32
      %get3A_1055 = arith.index_cast %get3A_1054 : i32 to index
      %get3A_1056 = arith.constant 48 : index
      %get3A_1057 = tpu.vector_load %arg4[%get3A_1055, %get3A_1056] {strides = array<i32>} : memref<256x128xf32, #tpu.memory_space<vmem>>, vector<1x16xf32>,
      %get3A_1058 = vector.shape_cast %get3A_1057 : vector<1x16xf32> to vector<16xf32>
      %add3A_1059 = arith.addf %add3A_947, %get3A_1058 : vector<16xf32>
      %swap3A_1060 = arith.constant 0 : i32
      %swap3A_1061 = arith.index_cast %swap3A_1060 : i32 to index
      %swap3A_1062 = arith.constant 48 : index
      %swap3A_1063 = tpu.vector_load %arg4[%swap3A_1061, %swap3A_1062] {strides = array<i32>} : memref<256x128xf32, #tpu.memory_space<vmem>>, vector<1x16xf32>,
      %swap3A_1064 = vector.shape_cast %swap3A_1063 : vector<1x16xf32> to vector<16xf32>
      %swap3A_1065 = vector.shape_cast %add3A_1059 : vector<16xf32> to vector<1x16xf32>
      tpu.vector_store %arg4[%swap3A_1061, %swap3A_1062], %swap3A_1065 {strides = array<i32>} : memref<256x128xf32, #tpu.memory_space<vmem>>, vector<1x16xf32>,
      %get3A_1066 = arith.constant 0 : i32
      %get3A_1067 = arith.index_cast %get3A_1066 : i32 to index
      %get3A_1068 = arith.constant 64 : index
      %get3A_1069 = tpu.vector_load %arg4[%get3A_1067, %get3A_1068] {strides = array<i32>} : memref<256x128xf32, #tpu.memory_space<vmem>>, vector<1x16xf32>,
      %get3A_1070 = vector.shape_cast %get3A_1069 : vector<1x16xf32> to vector<16xf32>
      %add3A_1071 = arith.addf %add3A_959, %get3A_1070 : vector<16xf32>
      %swap3A_1072 = arith.constant 0 : i32
      %swap3A_1073 = arith.index_cast %swap3A_1072 : i32 to index
      %swap3A_1074 = arith.constant 64 : index
      %swap3A_1075 = tpu.vector_load %arg4[%swap3A_1073, %swap3A_1074] {strides = array<i32>} : memref<256x128xf32, #tpu.memory_space<vmem>>, vector<1x16xf32>,
      %swap3A_1076 = vector.shape_cast %swap3A_1075 : vector<1x16xf32> to vector<16xf32>
      %swap3A_1077 = vector.shape_cast %add3A_1071 : vector<16xf32> to vector<1x16xf32>
      tpu.vector_store %arg4[%swap3A_1073, %swap3A_1074], %swap3A_1077 {strides = array<i32>} : memref<256x128xf32, #tpu.memory_space<vmem>>, vector<1x16xf32>,
      %get3A_1078 = arith.constant 0 : i32
      %get3A_1079 = arith.index_cast %get3A_1078 : i32 to index
      %get3A_1080 = arith.constant 80 : index
      %get3A_1081 = tpu.vector_load %arg4[%get3A_1079, %get3A_1080] {strides = array<i32>} : memref<256x128xf32, #tpu.memory_space<vmem>>, vector<1x16xf32>,
      %get3A_1082 = vector.shape_cast %get3A_1081 : vector<1x16xf32> to vector<16xf32>
      %add3A_1083 = arith.addf %add3A_971, %get3A_1082 : vector<16xf32>
      %swap3A_1084 = arith.constant 0 : i32
      %swap3A_1085 = arith.index_cast %swap3A_1084 : i32 to index
      %swap3A_1086 = arith.constant 80 : index
      %swap3A_1087 = tpu.vector_load %arg4[%swap3A_1085, %swap3A_1086] {strides = array<i32>} : memref<256x128xf32, #tpu.memory_space<vmem>>, vector<1x16xf32>,
      %swap3A_1088 = vector.shape_cast %swap3A_1087 : vector<1x16xf32> to vector<16xf32>
      %swap3A_1089 = vector.shape_cast %add3A_1083 : vector<16xf32> to vector<1x16xf32>
      tpu.vector_store %arg4[%swap3A_1085, %swap3A_1086], %swap3A_1089 {strides = array<i32>} : memref<256x128xf32, #tpu.memory_space<vmem>>, vector<1x16xf32>,
      %get3A_1090 = arith.constant 0 : i32
      %get3A_1091 = arith.index_cast %get3A_1090 : i32 to index
      %get3A_1092 = arith.constant 96 : index
      %get3A_1093 = tpu.vector_load %arg4[%get3A_1091, %get3A_1092] {strides = array<i32>} : memref<256x128xf32, #tpu.memory_space<vmem>>, vector<1x16xf32>,
      %get3A_1094 = vector.shape_cast %get3A_1093 : vector<1x16xf32> to vector<16xf32>
      %add3A_1095 = arith.addf %add3A_983, %get3A_1094 : vector<16xf32>
      %swap3A_1096 = arith.constant 0 : i32
      %swap3A_1097 = arith.index_cast %swap3A_1096 : i32 to index
      %swap3A_1098 = arith.constant 96 : index
      %swap3A_1099 = tpu.vector_load %arg4[%swap3A_1097, %swap3A_1098] {strides = array<i32>} : memref<256x128xf32, #tpu.memory_space<vmem>>, vector<1x16xf32>,
      %swap3A_1100 = vector.shape_cast %swap3A_1099 : vector<1x16xf32> to vector<16xf32>
      %swap3A_1101 = vector.shape_cast %add3A_1095 : vector<16xf32> to vector<1x16xf32>
      tpu.vector_store %arg4[%swap3A_1097, %swap3A_1098], %swap3A_1101 {strides = array<i32>} : memref<256x128xf32, #tpu.memory_space<vmem>>, vector<1x16xf32>,
      %get3A_1102 = arith.constant 0 : i32
      %get3A_1103 = arith.index_cast %get3A_1102 : i32 to index
      %get3A_1104 = arith.constant 112 : index
      %get3A_1105 = tpu.vector_load %arg4[%get3A_1103, %get3A_1104] {strides = array<i32>} : memref<256x128xf32, #tpu.memory_space<vmem>>, vector<1x16xf32>,
      %get3A_1106 = vector.shape_cast %get3A_1105 : vector<1x16xf32> to vector<16xf32>
      %add3A_1107 = arith.addf %add3A_995, %get3A_1106 : vector<16xf32>
      %swap3A_1108 = arith.constant 0 : i32
      %swap3A_1109 = arith.index_cast %swap3A_1108 : i32 to index
      %swap3A_1110 = arith.constant 112 : index
      %swap3A_1111 = tpu.vector_load %arg4[%swap3A_1109, %swap3A_1110] {strides = array<i32>} : memref<256x128xf32, #tpu.memory_space<vmem>>, vector<1x16xf32>,
      %swap3A_1112 = vector.shape_cast %swap3A_1111 : vector<1x16xf32> to vector<16xf32>
      %swap3A_1113 = vector.shape_cast %add3A_1107 : vector<16xf32> to vector<1x16xf32>
      tpu.vector_store %arg4[%swap3A_1109, %swap3A_1110], %swap3A_1113 {strides = array<i32>} : memref<256x128xf32, #tpu.memory_space<vmem>>, vector<1x16xf32>,
      %dma_start3A_1114 = arith.constant 2304 : i32
      %dma_start3A_1115 = tpu.memref_slice %arg3[%dma_start3A_1114, %mul3A_4] : memref<4096x2048xf32, #tpu.memory_space<hbm>> -> memref<256x128xf32, #tpu.memory_space<hbm>>
      %dma_start3A_1116 = arith.constant 2304 : i32
      %dma_start3A_1117 = tpu.memref_slice %arg3[%dma_start3A_1116, %mul3A_4] : memref<4096x2048xf32, #tpu.memory_space<hbm>> -> memref<256x128xf32, #tpu.memory_space<hbm>>
      tpu.enqueue_dma source(%arg4 : memref<256x128xf32, #tpu.memory_space<vmem>>) target(%dma_start3A_1117 : memref<256x128xf32, #tpu.memory_space<hbm>>) target_semaphore(%arg10 : memref<!tpu.dma_semaphore, #tpu.memory_space<semaphore_mem>>)
      %dma_wait3A_1118 = arith.constant 2048 : i32
      %dma_wait3A_1119 = tpu.memref_slice %arg3[%dma_wait3A_1118, %mul3A_4] : memref<4096x2048xf32, #tpu.memory_space<hbm>> -> memref<256x128xf32, #tpu.memory_space<hbm>>
      %dma_wait3A_1120 = arith.constant 2048 : i32
      %dma_wait3A_1121 = tpu.memref_slice %arg3[%dma_wait3A_1120, %mul3A_4] : memref<4096x2048xf32, #tpu.memory_space<hbm>> -> memref<256x128xf32, #tpu.memory_space<hbm>>
      tpu.wait_dma2 semaphore(%arg12 : memref<!tpu.dma_semaphore, #tpu.memory_space<semaphore_mem>>) src(%arg6 : memref<256x128xf32, #tpu.memory_space<vmem>>) dst(%dma_wait3A_1121 : memref<256x128xf32, #tpu.memory_space<hbm>>)
      %dma_start3A_1122 = arith.constant 2816 : i32
      %dma_start3A_1123 = tpu.memref_slice %arg2[%dma_start3A_1122, %mul3A_4] : memref<4096x2048xf32, #tpu.memory_space<hbm>> -> memref<256x128xf32, #tpu.memory_space<hbm>>
      %dma_start3A_1124 = arith.constant 2816 : i32
      %dma_start3A_1125 = tpu.memref_slice %arg2[%dma_start3A_1124, %mul3A_4] : memref<4096x2048xf32, #tpu.memory_space<hbm>> -> memref<256x128xf32, #tpu.memory_space<hbm>>
      tpu.enqueue_dma source(%dma_start3A_1125 : memref<256x128xf32, #tpu.memory_space<hbm>>) target(%arg6 : memref<256x128xf32, #tpu.memory_space<vmem>>) target_semaphore(%arg9 : memref<!tpu.dma_semaphore, #tpu.memory_space<semaphore_mem>>)
      %dma_wait3A_1126 = arith.constant 2560 : i32
      %dma_wait3A_1127 = tpu.memref_slice %arg2[%dma_wait3A_1126, %mul3A_4] : memref<4096x2048xf32, #tpu.memory_space<hbm>> -> memref<256x128xf32, #tpu.memory_space<hbm>>
      %dma_wait3A_1128 = arith.constant 2560 : i32
      %dma_wait3A_1129 = tpu.memref_slice %arg2[%dma_wait3A_1128, %mul3A_4] : memref<4096x2048xf32, #tpu.memory_space<hbm>> -> memref<256x128xf32, #tpu.memory_space<hbm>>
      tpu.wait_dma2 semaphore(%arg8 : memref<!tpu.dma_semaphore, #tpu.memory_space<semaphore_mem>>) src(%dma_wait3A_1129 : memref<256x128xf32, #tpu.memory_space<hbm>>) dst(%arg5 : memref<256x128xf32, #tpu.memory_space<vmem>>)
      %get3A_1130 = arith.constant 0 : i32
      %get3A_1131 = arith.index_cast %get3A_1130 : i32 to index
      %get3A_1132 = arith.constant 0 : index
      %get3A_1133 = tpu.vector_load %arg5[%get3A_1131, %get3A_1132] {strides = array<i32>} : memref<256x128xf32, #tpu.memory_space<vmem>>, vector<1x16xf32>,
      %get3A_1134 = vector.shape_cast %get3A_1133 : vector<1x16xf32> to vector<16xf32>
      %add3A_1135 = arith.addf %add3A_1023, %get3A_1134 : vector<16xf32>
      %swap3A_1136 = arith.constant 0 : i32
      %swap3A_1137 = arith.index_cast %swap3A_1136 : i32 to index
      %swap3A_1138 = arith.constant 0 : index
      %swap3A_1139 = tpu.vector_load %arg5[%swap3A_1137, %swap3A_1138] {strides = array<i32>} : memref<256x128xf32, #tpu.memory_space<vmem>>, vector<1x16xf32>,
      %swap3A_1140 = vector.shape_cast %swap3A_1139 : vector<1x16xf32> to vector<16xf32>
      %swap3A_1141 = vector.shape_cast %add3A_1135 : vector<16xf32> to vector<1x16xf32>
      tpu.vector_store %arg5[%swap3A_1137, %swap3A_1138], %swap3A_1141 {strides = array<i32>} : memref<256x128xf32, #tpu.memory_space<vmem>>, vector<1x16xf32>,
      %get3A_1142 = arith.constant 0 : i32
      %get3A_1143 = arith.index_cast %get3A_1142 : i32 to index
      %get3A_1144 = arith.constant 16 : index
      %get3A_1145 = tpu.vector_load %arg5[%get3A_1143, %get3A_1144] {strides = array<i32>} : memref<256x128xf32, #tpu.memory_space<vmem>>, vector<1x16xf32>,
      %get3A_1146 = vector.shape_cast %get3A_1145 : vector<1x16xf32> to vector<16xf32>
      %add3A_1147 = arith.addf %add3A_1035, %get3A_1146 : vector<16xf32>
      %swap3A_1148 = arith.constant 0 : i32
      %swap3A_1149 = arith.index_cast %swap3A_1148 : i32 to index
      %swap3A_1150 = arith.constant 16 : index
      %swap3A_1151 = tpu.vector_load %arg5[%swap3A_1149, %swap3A_1150] {strides = array<i32>} : memref<256x128xf32, #tpu.memory_space<vmem>>, vector<1x16xf32>,
      %swap3A_1152 = vector.shape_cast %swap3A_1151 : vector<1x16xf32> to vector<16xf32>
      %swap3A_1153 = vector.shape_cast %add3A_1147 : vector<16xf32> to vector<1x16xf32>
      tpu.vector_store %arg5[%swap3A_1149, %swap3A_1150], %swap3A_1153 {strides = array<i32>} : memref<256x128xf32, #tpu.memory_space<vmem>>, vector<1x16xf32>,
      %get3A_1154 = arith.constant 0 : i32
      %get3A_1155 = arith.index_cast %get3A_1154 : i32 to index
      %get3A_1156 = arith.constant 32 : index
      %get3A_1157 = tpu.vector_load %arg5[%get3A_1155, %get3A_1156] {strides = array<i32>} : memref<256x128xf32, #tpu.memory_space<vmem>>, vector<1x16xf32>,
      %get3A_1158 = vector.shape_cast %get3A_1157 : vector<1x16xf32> to vector<16xf32>
      %add3A_1159 = arith.addf %add3A_1047, %get3A_1158 : vector<16xf32>
      %swap3A_1160 = arith.constant 0 : i32
      %swap3A_1161 = arith.index_cast %swap3A_1160 : i32 to index
      %swap3A_1162 = arith.constant 32 : index
      %swap3A_1163 = tpu.vector_load %arg5[%swap3A_1161, %swap3A_1162] {strides = array<i32>} : memref<256x128xf32, #tpu.memory_space<vmem>>, vector<1x16xf32>,
      %swap3A_1164 = vector.shape_cast %swap3A_1163 : vector<1x16xf32> to vector<16xf32>
      %swap3A_1165 = vector.shape_cast %add3A_1159 : vector<16xf32> to vector<1x16xf32>
      tpu.vector_store %arg5[%swap3A_1161, %swap3A_1162], %swap3A_1165 {strides = array<i32>} : memref<256x128xf32, #tpu.memory_space<vmem>>, vector<1x16xf32>,
      %get3A_1166 = arith.constant 0 : i32
      %get3A_1167 = arith.index_cast %get3A_1166 : i32 to index
      %get3A_1168 = arith.constant 48 : index
      %get3A_1169 = tpu.vector_load %arg5[%get3A_1167, %get3A_1168] {strides = array<i32>} : memref<256x128xf32, #tpu.memory_space<vmem>>, vector<1x16xf32>,
      %get3A_1170 = vector.shape_cast %get3A_1169 : vector<1x16xf32> to vector<16xf32>
      %add3A_1171 = arith.addf %add3A_1059, %get3A_1170 : vector<16xf32>
      %swap3A_1172 = arith.constant 0 : i32
      %swap3A_1173 = arith.index_cast %swap3A_1172 : i32 to index
      %swap3A_1174 = arith.constant 48 : index
      %swap3A_1175 = tpu.vector_load %arg5[%swap3A_1173, %swap3A_1174] {strides = array<i32>} : memref<256x128xf32, #tpu.memory_space<vmem>>, vector<1x16xf32>,
      %swap3A_1176 = vector.shape_cast %swap3A_1175 : vector<1x16xf32> to vector<16xf32>
      %swap3A_1177 = vector.shape_cast %add3A_1171 : vector<16xf32> to vector<1x16xf32>
      tpu.vector_store %arg5[%swap3A_1173, %swap3A_1174], %swap3A_1177 {strides = array<i32>} : memref<256x128xf32, #tpu.memory_space<vmem>>, vector<1x16xf32>,
      %get3A_1178 = arith.constant 0 : i32
      %get3A_1179 = arith.index_cast %get3A_1178 : i32 to index
      %get3A_1180 = arith.constant 64 : index
      %get3A_1181 = tpu.vector_load %arg5[%get3A_1179, %get3A_1180] {strides = array<i32>} : memref<256x128xf32, #tpu.memory_space<vmem>>, vector<1x16xf32>,
      %get3A_1182 = vector.shape_cast %get3A_1181 : vector<1x16xf32> to vector<16xf32>
      %add3A_1183 = arith.addf %add3A_1071, %get3A_1182 : vector<16xf32>
      %swap3A_1184 = arith.constant 0 : i32
      %swap3A_1185 = arith.index_cast %swap3A_1184 : i32 to index
      %swap3A_1186 = arith.constant 64 : index
      %swap3A_1187 = tpu.vector_load %arg5[%swap3A_1185, %swap3A_1186] {strides = array<i32>} : memref<256x128xf32, #tpu.memory_space<vmem>>, vector<1x16xf32>,
      %swap3A_1188 = vector.shape_cast %swap3A_1187 : vector<1x16xf32> to vector<16xf32>
      %swap3A_1189 = vector.shape_cast %add3A_1183 : vector<16xf32> to vector<1x16xf32>
      tpu.vector_store %arg5[%swap3A_1185, %swap3A_1186], %swap3A_1189 {strides = array<i32>} : memref<256x128xf32, #tpu.memory_space<vmem>>, vector<1x16xf32>,
      %get3A_1190 = arith.constant 0 : i32
      %get3A_1191 = arith.index_cast %get3A_1190 : i32 to index
      %get3A_1192 = arith.constant 80 : index
      %get3A_1193 = tpu.vector_load %arg5[%get3A_1191, %get3A_1192] {strides = array<i32>} : memref<256x128xf32, #tpu.memory_space<vmem>>, vector<1x16xf32>,
      %get3A_1194 = vector.shape_cast %get3A_1193 : vector<1x16xf32> to vector<16xf32>
      %add3A_1195 = arith.addf %add3A_1083, %get3A_1194 : vector<16xf32>
      %swap3A_1196 = arith.constant 0 : i32
      %swap3A_1197 = arith.index_cast %swap3A_1196 : i32 to index
      %swap3A_1198 = arith.constant 80 : index
      %swap3A_1199 = tpu.vector_load %arg5[%swap3A_1197, %swap3A_1198] {strides = array<i32>} : memref<256x128xf32, #tpu.memory_space<vmem>>, vector<1x16xf32>,
      %swap3A_1200 = vector.shape_cast %swap3A_1199 : vector<1x16xf32> to vector<16xf32>
      %swap3A_1201 = vector.shape_cast %add3A_1195 : vector<16xf32> to vector<1x16xf32>
      tpu.vector_store %arg5[%swap3A_1197, %swap3A_1198], %swap3A_1201 {strides = array<i32>} : memref<256x128xf32, #tpu.memory_space<vmem>>, vector<1x16xf32>,
      %get3A_1202 = arith.constant 0 : i32
      %get3A_1203 = arith.index_cast %get3A_1202 : i32 to index
      %get3A_1204 = arith.constant 96 : index
      %get3A_1205 = tpu.vector_load %arg5[%get3A_1203, %get3A_1204] {strides = array<i32>} : memref<256x128xf32, #tpu.memory_space<vmem>>, vector<1x16xf32>,
      %get3A_1206 = vector.shape_cast %get3A_1205 : vector<1x16xf32> to vector<16xf32>
      %add3A_1207 = arith.addf %add3A_1095, %get3A_1206 : vector<16xf32>
      %swap3A_1208 = arith.constant 0 : i32
      %swap3A_1209 = arith.index_cast %swap3A_1208 : i32 to index
      %swap3A_1210 = arith.constant 96 : index
      %swap3A_1211 = tpu.vector_load %arg5[%swap3A_1209, %swap3A_1210] {strides = array<i32>} : memref<256x128xf32, #tpu.memory_space<vmem>>, vector<1x16xf32>,
      %swap3A_1212 = vector.shape_cast %swap3A_1211 : vector<1x16xf32> to vector<16xf32>
      %swap3A_1213 = vector.shape_cast %add3A_1207 : vector<16xf32> to vector<1x16xf32>
      tpu.vector_store %arg5[%swap3A_1209, %swap3A_1210], %swap3A_1213 {strides = array<i32>} : memref<256x128xf32, #tpu.memory_space<vmem>>, vector<1x16xf32>,
      %get3A_1214 = arith.constant 0 : i32
      %get3A_1215 = arith.index_cast %get3A_1214 : i32 to index
      %get3A_1216 = arith.constant 112 : index
      %get3A_1217 = tpu.vector_load %arg5[%get3A_1215, %get3A_1216] {strides = array<i32>} : memref<256x128xf32, #tpu.memory_space<vmem>>, vector<1x16xf32>,
      %get3A_1218 = vector.shape_cast %get3A_1217 : vector<1x16xf32> to vector<16xf32>
      %add3A_1219 = arith.addf %add3A_1107, %get3A_1218 : vector<16xf32>
      %swap3A_1220 = arith.constant 0 : i32
      %swap3A_1221 = arith.index_cast %swap3A_1220 : i32 to index
      %swap3A_1222 = arith.constant 112 : index
      %swap3A_1223 = tpu.vector_load %arg5[%swap3A_1221, %swap3A_1222] {strides = array<i32>} : memref<256x128xf32, #tpu.memory_space<vmem>>, vector<1x16xf32>,
      %swap3A_1224 = vector.shape_cast %swap3A_1223 : vector<1x16xf32> to vector<16xf32>
      %swap3A_1225 = vector.shape_cast %add3A_1219 : vector<16xf32> to vector<1x16xf32>
      tpu.vector_store %arg5[%swap3A_1221, %swap3A_1222], %swap3A_1225 {strides = array<i32>} : memref<256x128xf32, #tpu.memory_space<vmem>>, vector<1x16xf32>,
      %dma_start3A_1226 = arith.constant 2560 : i32
      %dma_start3A_1227 = tpu.memref_slice %arg3[%dma_start3A_1226, %mul3A_4] : memref<4096x2048xf32, #tpu.memory_space<hbm>> -> memref<256x128xf32, #tpu.memory_space<hbm>>
      %dma_start3A_1228 = arith.constant 2560 : i32
      %dma_start3A_1229 = tpu.memref_slice %arg3[%dma_start3A_1228, %mul3A_4] : memref<4096x2048xf32, #tpu.memory_space<hbm>> -> memref<256x128xf32, #tpu.memory_space<hbm>>
      tpu.enqueue_dma source(%arg5 : memref<256x128xf32, #tpu.memory_space<vmem>>) target(%dma_start3A_1229 : memref<256x128xf32, #tpu.memory_space<hbm>>) target_semaphore(%arg11 : memref<!tpu.dma_semaphore, #tpu.memory_space<semaphore_mem>>)
      %dma_wait3A_1230 = arith.constant 2304 : i32
      %dma_wait3A_1231 = tpu.memref_slice %arg3[%dma_wait3A_1230, %mul3A_4] : memref<4096x2048xf32, #tpu.memory_space<hbm>> -> memref<256x128xf32, #tpu.memory_space<hbm>>
      %dma_wait3A_1232 = arith.constant 2304 : i32
      %dma_wait3A_1233 = tpu.memref_slice %arg3[%dma_wait3A_1232, %mul3A_4] : memref<4096x2048xf32, #tpu.memory_space<hbm>> -> memref<256x128xf32, #tpu.memory_space<hbm>>
      tpu.wait_dma2 semaphore(%arg10 : memref<!tpu.dma_semaphore, #tpu.memory_space<semaphore_mem>>) src(%arg4 : memref<256x128xf32, #tpu.memory_space<vmem>>) dst(%dma_wait3A_1233 : memref<256x128xf32, #tpu.memory_space<hbm>>)
      %dma_start3A_1234 = arith.constant 3072 : i32
      %dma_start3A_1235 = tpu.memref_slice %arg2[%dma_start3A_1234, %mul3A_4] : memref<4096x2048xf32, #tpu.memory_space<hbm>> -> memref<256x128xf32, #tpu.memory_space<hbm>>
      %dma_start3A_1236 = arith.constant 3072 : i32
      %dma_start3A_1237 = tpu.memref_slice %arg2[%dma_start3A_1236, %mul3A_4] : memref<4096x2048xf32, #tpu.memory_space<hbm>> -> memref<256x128xf32, #tpu.memory_space<hbm>>
      tpu.enqueue_dma source(%dma_start3A_1237 : memref<256x128xf32, #tpu.memory_space<hbm>>) target(%arg4 : memref<256x128xf32, #tpu.memory_space<vmem>>) target_semaphore(%arg7 : memref<!tpu.dma_semaphore, #tpu.memory_space<semaphore_mem>>)
      %dma_wait3A_1238 = arith.constant 2816 : i32
      %dma_wait3A_1239 = tpu.memref_slice %arg2[%dma_wait3A_1238, %mul3A_4] : memref<4096x2048xf32, #tpu.memory_space<hbm>> -> memref<256x128xf32, #tpu.memory_space<hbm>>
      %dma_wait3A_1240 = arith.constant 2816 : i32
      %dma_wait3A_1241 = tpu.memref_slice %arg2[%dma_wait3A_1240, %mul3A_4] : memref<4096x2048xf32, #tpu.memory_space<hbm>> -> memref<256x128xf32, #tpu.memory_space<hbm>>
      tpu.wait_dma2 semaphore(%arg9 : memref<!tpu.dma_semaphore, #tpu.memory_space<semaphore_mem>>) src(%dma_wait3A_1241 : memref<256x128xf32, #tpu.memory_space<hbm>>) dst(%arg6 : memref<256x128xf32, #tpu.memory_space<vmem>>)
      %get3A_1242 = arith.constant 0 : i32
      %get3A_1243 = arith.index_cast %get3A_1242 : i32 to index
      %get3A_1244 = arith.constant 0 : index
      %get3A_1245 = tpu.vector_load %arg6[%get3A_1243, %get3A_1244] {strides = array<i32>} : memref<256x128xf32, #tpu.memory_space<vmem>>, vector<1x16xf32>,
      %get3A_1246 = vector.shape_cast %get3A_1245 : vector<1x16xf32> to vector<16xf32>
      %add3A_1247 = arith.addf %add3A_1135, %get3A_1246 : vector<16xf32>
      %swap3A_1248 = arith.constant 0 : i32
      %swap3A_1249 = arith.index_cast %swap3A_1248 : i32 to index
      %swap3A_1250 = arith.constant 0 : index
      %swap3A_1251 = tpu.vector_load %arg6[%swap3A_1249, %swap3A_1250] {strides = array<i32>} : memref<256x128xf32, #tpu.memory_space<vmem>>, vector<1x16xf32>,
      %swap3A_1252 = vector.shape_cast %swap3A_1251 : vector<1x16xf32> to vector<16xf32>
      %swap3A_1253 = vector.shape_cast %add3A_1247 : vector<16xf32> to vector<1x16xf32>
      tpu.vector_store %arg6[%swap3A_1249, %swap3A_1250], %swap3A_1253 {strides = array<i32>} : memref<256x128xf32, #tpu.memory_space<vmem>>, vector<1x16xf32>,
      %get3A_1254 = arith.constant 0 : i32
      %get3A_1255 = arith.index_cast %get3A_1254 : i32 to index
      %get3A_1256 = arith.constant 16 : index
      %get3A_1257 = tpu.vector_load %arg6[%get3A_1255, %get3A_1256] {strides = array<i32>} : memref<256x128xf32, #tpu.memory_space<vmem>>, vector<1x16xf32>,
      %get3A_1258 = vector.shape_cast %get3A_1257 : vector<1x16xf32> to vector<16xf32>
      %add3A_1259 = arith.addf %add3A_1147, %get3A_1258 : vector<16xf32>
      %swap3A_1260 = arith.constant 0 : i32
      %swap3A_1261 = arith.index_cast %swap3A_1260 : i32 to index
      %swap3A_1262 = arith.constant 16 : index
      %swap3A_1263 = tpu.vector_load %arg6[%swap3A_1261, %swap3A_1262] {strides = array<i32>} : memref<256x128xf32, #tpu.memory_space<vmem>>, vector<1x16xf32>,
      %swap3A_1264 = vector.shape_cast %swap3A_1263 : vector<1x16xf32> to vector<16xf32>
      %swap3A_1265 = vector.shape_cast %add3A_1259 : vector<16xf32> to vector<1x16xf32>
      tpu.vector_store %arg6[%swap3A_1261, %swap3A_1262], %swap3A_1265 {strides = array<i32>} : memref<256x128xf32, #tpu.memory_space<vmem>>, vector<1x16xf32>,
      %get3A_1266 = arith.constant 0 : i32
      %get3A_1267 = arith.index_cast %get3A_1266 : i32 to index
      %get3A_1268 = arith.constant 32 : index
      %get3A_1269 = tpu.vector_load %arg6[%get3A_1267, %get3A_1268] {strides = array<i32>} : memref<256x128xf32, #tpu.memory_space<vmem>>, vector<1x16xf32>,
      %get3A_1270 = vector.shape_cast %get3A_1269 : vector<1x16xf32> to vector<16xf32>
      %add3A_1271 = arith.addf %add3A_1159, %get3A_1270 : vector<16xf32>
      %swap3A_1272 = arith.constant 0 : i32
      %swap3A_1273 = arith.index_cast %swap3A_1272 : i32 to index
      %swap3A_1274 = arith.constant 32 : index
      %swap3A_1275 = tpu.vector_load %arg6[%swap3A_1273, %swap3A_1274] {strides = array<i32>} : memref<256x128xf32, #tpu.memory_space<vmem>>, vector<1x16xf32>,
      %swap3A_1276 = vector.shape_cast %swap3A_1275 : vector<1x16xf32> to vector<16xf32>
      %swap3A_1277 = vector.shape_cast %add3A_1271 : vector<16xf32> to vector<1x16xf32>
      tpu.vector_store %arg6[%swap3A_1273, %swap3A_1274], %swap3A_1277 {strides = array<i32>} : memref<256x128xf32, #tpu.memory_space<vmem>>, vector<1x16xf32>,
      %get3A_1278 = arith.constant 0 : i32
      %get3A_1279 = arith.index_cast %get3A_1278 : i32 to index
      %get3A_1280 = arith.constant 48 : index
      %get3A_1281 = tpu.vector_load %arg6[%get3A_1279, %get3A_1280] {strides = array<i32>} : memref<256x128xf32, #tpu.memory_space<vmem>>, vector<1x16xf32>,
      %get3A_1282 = vector.shape_cast %get3A_1281 : vector<1x16xf32> to vector<16xf32>
      %add3A_1283 = arith.addf %add3A_1171, %get3A_1282 : vector<16xf32>
      %swap3A_1284 = arith.constant 0 : i32
      %swap3A_1285 = arith.index_cast %swap3A_1284 : i32 to index
      %swap3A_1286 = arith.constant 48 : index
      %swap3A_1287 = tpu.vector_load %arg6[%swap3A_1285, %swap3A_1286] {strides = array<i32>} : memref<256x128xf32, #tpu.memory_space<vmem>>, vector<1x16xf32>,
      %swap3A_1288 = vector.shape_cast %swap3A_1287 : vector<1x16xf32> to vector<16xf32>
      %swap3A_1289 = vector.shape_cast %add3A_1283 : vector<16xf32> to vector<1x16xf32>
      tpu.vector_store %arg6[%swap3A_1285, %swap3A_1286], %swap3A_1289 {strides = array<i32>} : memref<256x128xf32, #tpu.memory_space<vmem>>, vector<1x16xf32>,
      %get3A_1290 = arith.constant 0 : i32
      %get3A_1291 = arith.index_cast %get3A_1290 : i32 to index
      %get3A_1292 = arith.constant 64 : index
      %get3A_1293 = tpu.vector_load %arg6[%get3A_1291, %get3A_1292] {strides = array<i32>} : memref<256x128xf32, #tpu.memory_space<vmem>>, vector<1x16xf32>,
      %get3A_1294 = vector.shape_cast %get3A_1293 : vector<1x16xf32> to vector<16xf32>
      %add3A_1295 = arith.addf %add3A_1183, %get3A_1294 : vector<16xf32>
      %swap3A_1296 = arith.constant 0 : i32
      %swap3A_1297 = arith.index_cast %swap3A_1296 : i32 to index
      %swap3A_1298 = arith.constant 64 : index
      %swap3A_1299 = tpu.vector_load %arg6[%swap3A_1297, %swap3A_1298] {strides = array<i32>} : memref<256x128xf32, #tpu.memory_space<vmem>>, vector<1x16xf32>,
      %swap3A_1300 = vector.shape_cast %swap3A_1299 : vector<1x16xf32> to vector<16xf32>
      %swap3A_1301 = vector.shape_cast %add3A_1295 : vector<16xf32> to vector<1x16xf32>
      tpu.vector_store %arg6[%swap3A_1297, %swap3A_1298], %swap3A_1301 {strides = array<i32>} : memref<256x128xf32, #tpu.memory_space<vmem>>, vector<1x16xf32>,
      %get3A_1302 = arith.constant 0 : i32
      %get3A_1303 = arith.index_cast %get3A_1302 : i32 to index
      %get3A_1304 = arith.constant 80 : index
      %get3A_1305 = tpu.vector_load %arg6[%get3A_1303, %get3A_1304] {strides = array<i32>} : memref<256x128xf32, #tpu.memory_space<vmem>>, vector<1x16xf32>,
      %get3A_1306 = vector.shape_cast %get3A_1305 : vector<1x16xf32> to vector<16xf32>
      %add3A_1307 = arith.addf %add3A_1195, %get3A_1306 : vector<16xf32>
      %swap3A_1308 = arith.constant 0 : i32
      %swap3A_1309 = arith.index_cast %swap3A_1308 : i32 to index
      %swap3A_1310 = arith.constant 80 : index
      %swap3A_1311 = tpu.vector_load %arg6[%swap3A_1309, %swap3A_1310] {strides = array<i32>} : memref<256x128xf32, #tpu.memory_space<vmem>>, vector<1x16xf32>,
      %swap3A_1312 = vector.shape_cast %swap3A_1311 : vector<1x16xf32> to vector<16xf32>
      %swap3A_1313 = vector.shape_cast %add3A_1307 : vector<16xf32> to vector<1x16xf32>
      tpu.vector_store %arg6[%swap3A_1309, %swap3A_1310], %swap3A_1313 {strides = array<i32>} : memref<256x128xf32, #tpu.memory_space<vmem>>, vector<1x16xf32>,
      %get3A_1314 = arith.constant 0 : i32
      %get3A_1315 = arith.index_cast %get3A_1314 : i32 to index
      %get3A_1316 = arith.constant 96 : index
      %get3A_1317 = tpu.vector_load %arg6[%get3A_1315, %get3A_1316] {strides = array<i32>} : memref<256x128xf32, #tpu.memory_space<vmem>>, vector<1x16xf32>,
      %get3A_1318 = vector.shape_cast %get3A_1317 : vector<1x16xf32> to vector<16xf32>
      %add3A_1319 = arith.addf %add3A_1207, %get3A_1318 : vector<16xf32>
      %swap3A_1320 = arith.constant 0 : i32
      %swap3A_1321 = arith.index_cast %swap3A_1320 : i32 to index
      %swap3A_1322 = arith.constant 96 : index
      %swap3A_1323 = tpu.vector_load %arg6[%swap3A_1321, %swap3A_1322] {strides = array<i32>} : memref<256x128xf32, #tpu.memory_space<vmem>>, vector<1x16xf32>,
      %swap3A_1324 = vector.shape_cast %swap3A_1323 : vector<1x16xf32> to vector<16xf32>
      %swap3A_1325 = vector.shape_cast %add3A_1319 : vector<16xf32> to vector<1x16xf32>
      tpu.vector_store %arg6[%swap3A_1321, %swap3A_1322], %swap3A_1325 {strides = array<i32>} : memref<256x128xf32, #tpu.memory_space<vmem>>, vector<1x16xf32>,
      %get3A_1326 = arith.constant 0 : i32
      %get3A_1327 = arith.index_cast %get3A_1326 : i32 to index
      %get3A_1328 = arith.constant 112 : index
      %get3A_1329 = tpu.vector_load %arg6[%get3A_1327, %get3A_1328] {strides = array<i32>} : memref<256x128xf32, #tpu.memory_space<vmem>>, vector<1x16xf32>,
      %get3A_1330 = vector.shape_cast %get3A_1329 : vector<1x16xf32> to vector<16xf32>
      %add3A_1331 = arith.addf %add3A_1219, %get3A_1330 : vector<16xf32>
      %swap3A_1332 = arith.constant 0 : i32
      %swap3A_1333 = arith.index_cast %swap3A_1332 : i32 to index
      %swap3A_1334 = arith.constant 112 : index
      %swap3A_1335 = tpu.vector_load %arg6[%swap3A_1333, %swap3A_1334] {strides = array<i32>} : memref<256x128xf32, #tpu.memory_space<vmem>>, vector<1x16xf32>,
      %swap3A_1336 = vector.shape_cast %swap3A_1335 : vector<1x16xf32> to vector<16xf32>
      %swap3A_1337 = vector.shape_cast %add3A_1331 : vector<16xf32> to vector<1x16xf32>
      tpu.vector_store %arg6[%swap3A_1333, %swap3A_1334], %swap3A_1337 {strides = array<i32>} : memref<256x128xf32, #tpu.memory_space<vmem>>, vector<1x16xf32>,
      %dma_start3A_1338 = arith.constant 2816 : i32
      %dma_start3A_1339 = tpu.memref_slice %arg3[%dma_start3A_1338, %mul3A_4] : memref<4096x2048xf32, #tpu.memory_space<hbm>> -> memref<256x128xf32, #tpu.memory_space<hbm>>
      %dma_start3A_1340 = arith.constant 2816 : i32
      %dma_start3A_1341 = tpu.memref_slice %arg3[%dma_start3A_1340, %mul3A_4] : memref<4096x2048xf32, #tpu.memory_space<hbm>> -> memref<256x128xf32, #tpu.memory_space<hbm>>
      tpu.enqueue_dma source(%arg6 : memref<256x128xf32, #tpu.memory_space<vmem>>) target(%dma_start3A_1341 : memref<256x128xf32, #tpu.memory_space<hbm>>) target_semaphore(%arg12 : memref<!tpu.dma_semaphore, #tpu.memory_space<semaphore_mem>>)
      %dma_wait3A_1342 = arith.constant 2560 : i32
      %dma_wait3A_1343 = tpu.memref_slice %arg3[%dma_wait3A_1342, %mul3A_4] : memref<4096x2048xf32, #tpu.memory_space<hbm>> -> memref<256x128xf32, #tpu.memory_space<hbm>>
      %dma_wait3A_1344 = arith.constant 2560 : i32
      %dma_wait3A_1345 = tpu.memref_slice %arg3[%dma_wait3A_1344, %mul3A_4] : memref<4096x2048xf32, #tpu.memory_space<hbm>> -> memref<256x128xf32, #tpu.memory_space<hbm>>
      tpu.wait_dma2 semaphore(%arg11 : memref<!tpu.dma_semaphore, #tpu.memory_space<semaphore_mem>>) src(%arg5 : memref<256x128xf32, #tpu.memory_space<vmem>>) dst(%dma_wait3A_1345 : memref<256x128xf32, #tpu.memory_space<hbm>>)
      %dma_start3A_1346 = arith.constant 3328 : i32
      %dma_start3A_1347 = tpu.memref_slice %arg2[%dma_start3A_1346, %mul3A_4] : memref<4096x2048xf32, #tpu.memory_space<hbm>> -> memref<256x128xf32, #tpu.memory_space<hbm>>
      %dma_start3A_1348 = arith.constant 3328 : i32
      %dma_start3A_1349 = tpu.memref_slice %arg2[%dma_start3A_1348, %mul3A_4] : memref<4096x2048xf32, #tpu.memory_space<hbm>> -> memref<256x128xf32, #tpu.memory_space<hbm>>
      tpu.enqueue_dma source(%dma_start3A_1349 : memref<256x128xf32, #tpu.memory_space<hbm>>) target(%arg5 : memref<256x128xf32, #tpu.memory_space<vmem>>) target_semaphore(%arg8 : memref<!tpu.dma_semaphore, #tpu.memory_space<semaphore_mem>>)
      %dma_wait3A_1350 = arith.constant 3072 : i32
      %dma_wait3A_1351 = tpu.memref_slice %arg2[%dma_wait3A_1350, %mul3A_4] : memref<4096x2048xf32, #tpu.memory_space<hbm>> -> memref<256x128xf32, #tpu.memory_space<hbm>>
      %dma_wait3A_1352 = arith.constant 3072 : i32
      %dma_wait3A_1353 = tpu.memref_slice %arg2[%dma_wait3A_1352, %mul3A_4] : memref<4096x2048xf32, #tpu.memory_space<hbm>> -> memref<256x128xf32, #tpu.memory_space<hbm>>
      tpu.wait_dma2 semaphore(%arg7 : memref<!tpu.dma_semaphore, #tpu.memory_space<semaphore_mem>>) src(%dma_wait3A_1353 : memref<256x128xf32, #tpu.memory_space<hbm>>) dst(%arg4 : memref<256x128xf32, #tpu.memory_space<vmem>>)
      %get3A_1354 = arith.constant 0 : i32
      %get3A_1355 = arith.index_cast %get3A_1354 : i32 to index
      %get3A_1356 = arith.constant 0 : index
      %get3A_1357 = tpu.vector_load %arg4[%get3A_1355, %get3A_1356] {strides = array<i32>} : memref<256x128xf32, #tpu.memory_space<vmem>>, vector<1x16xf32>,
      %get3A_1358 = vector.shape_cast %get3A_1357 : vector<1x16xf32> to vector<16xf32>
      %add3A_1359 = arith.addf %add3A_1247, %get3A_1358 : vector<16xf32>
      %swap3A_1360 = arith.constant 0 : i32
      %swap3A_1361 = arith.index_cast %swap3A_1360 : i32 to index
      %swap3A_1362 = arith.constant 0 : index
      %swap3A_1363 = tpu.vector_load %arg4[%swap3A_1361, %swap3A_1362] {strides = array<i32>} : memref<256x128xf32, #tpu.memory_space<vmem>>, vector<1x16xf32>,
      %swap3A_1364 = vector.shape_cast %swap3A_1363 : vector<1x16xf32> to vector<16xf32>
      %swap3A_1365 = vector.shape_cast %add3A_1359 : vector<16xf32> to vector<1x16xf32>
      tpu.vector_store %arg4[%swap3A_1361, %swap3A_1362], %swap3A_1365 {strides = array<i32>} : memref<256x128xf32, #tpu.memory_space<vmem>>, vector<1x16xf32>,
      %get3A_1366 = arith.constant 0 : i32
      %get3A_1367 = arith.index_cast %get3A_1366 : i32 to index
      %get3A_1368 = arith.constant 16 : index
      %get3A_1369 = tpu.vector_load %arg4[%get3A_1367, %get3A_1368] {strides = array<i32>} : memref<256x128xf32, #tpu.memory_space<vmem>>, vector<1x16xf32>,
      %get3A_1370 = vector.shape_cast %get3A_1369 : vector<1x16xf32> to vector<16xf32>
      %add3A_1371 = arith.addf %add3A_1259, %get3A_1370 : vector<16xf32>
      %swap3A_1372 = arith.constant 0 : i32
      %swap3A_1373 = arith.index_cast %swap3A_1372 : i32 to index
      %swap3A_1374 = arith.constant 16 : index
      %swap3A_1375 = tpu.vector_load %arg4[%swap3A_1373, %swap3A_1374] {strides = array<i32>} : memref<256x128xf32, #tpu.memory_space<vmem>>, vector<1x16xf32>,
      %swap3A_1376 = vector.shape_cast %swap3A_1375 : vector<1x16xf32> to vector<16xf32>
      %swap3A_1377 = vector.shape_cast %add3A_1371 : vector<16xf32> to vector<1x16xf32>
      tpu.vector_store %arg4[%swap3A_1373, %swap3A_1374], %swap3A_1377 {strides = array<i32>} : memref<256x128xf32, #tpu.memory_space<vmem>>, vector<1x16xf32>,
      %get3A_1378 = arith.constant 0 : i32
      %get3A_1379 = arith.index_cast %get3A_1378 : i32 to index
      %get3A_1380 = arith.constant 32 : index
      %get3A_1381 = tpu.vector_load %arg4[%get3A_1379, %get3A_1380] {strides = array<i32>} : memref<256x128xf32, #tpu.memory_space<vmem>>, vector<1x16xf32>,
      %get3A_1382 = vector.shape_cast %get3A_1381 : vector<1x16xf32> to vector<16xf32>
      %add3A_1383 = arith.addf %add3A_1271, %get3A_1382 : vector<16xf32>
      %swap3A_1384 = arith.constant 0 : i32
      %swap3A_1385 = arith.index_cast %swap3A_1384 : i32 to index
      %swap3A_1386 = arith.constant 32 : index
      %swap3A_1387 = tpu.vector_load %arg4[%swap3A_1385, %swap3A_1386] {strides = array<i32>} : memref<256x128xf32, #tpu.memory_space<vmem>>, vector<1x16xf32>,
      %swap3A_1388 = vector.shape_cast %swap3A_1387 : vector<1x16xf32> to vector<16xf32>
      %swap3A_1389 = vector.shape_cast %add3A_1383 : vector<16xf32> to vector<1x16xf32>
      tpu.vector_store %arg4[%swap3A_1385, %swap3A_1386], %swap3A_1389 {strides = array<i32>} : memref<256x128xf32, #tpu.memory_space<vmem>>, vector<1x16xf32>,
      %get3A_1390 = arith.constant 0 : i32
      %get3A_1391 = arith.index_cast %get3A_1390 : i32 to index
      %get3A_1392 = arith.constant 48 : index
      %get3A_1393 = tpu.vector_load %arg4[%get3A_1391, %get3A_1392] {strides = array<i32>} : memref<256x128xf32, #tpu.memory_space<vmem>>, vector<1x16xf32>,
      %get3A_1394 = vector.shape_cast %get3A_1393 : vector<1x16xf32> to vector<16xf32>
      %add3A_1395 = arith.addf %add3A_1283, %get3A_1394 : vector<16xf32>
      %swap3A_1396 = arith.constant 0 : i32
      %swap3A_1397 = arith.index_cast %swap3A_1396 : i32 to index
      %swap3A_1398 = arith.constant 48 : index
      %swap3A_1399 = tpu.vector_load %arg4[%swap3A_1397, %swap3A_1398] {strides = array<i32>} : memref<256x128xf32, #tpu.memory_space<vmem>>, vector<1x16xf32>,
      %swap3A_1400 = vector.shape_cast %swap3A_1399 : vector<1x16xf32> to vector<16xf32>
      %swap3A_1401 = vector.shape_cast %add3A_1395 : vector<16xf32> to vector<1x16xf32>
      tpu.vector_store %arg4[%swap3A_1397, %swap3A_1398], %swap3A_1401 {strides = array<i32>} : memref<256x128xf32, #tpu.memory_space<vmem>>, vector<1x16xf32>,
      %get3A_1402 = arith.constant 0 : i32
      %get3A_1403 = arith.index_cast %get3A_1402 : i32 to index
      %get3A_1404 = arith.constant 64 : index
      %get3A_1405 = tpu.vector_load %arg4[%get3A_1403, %get3A_1404] {strides = array<i32>} : memref<256x128xf32, #tpu.memory_space<vmem>>, vector<1x16xf32>,
      %get3A_1406 = vector.shape_cast %get3A_1405 : vector<1x16xf32> to vector<16xf32>
      %add3A_1407 = arith.addf %add3A_1295, %get3A_1406 : vector<16xf32>
      %swap3A_1408 = arith.constant 0 : i32
      %swap3A_1409 = arith.index_cast %swap3A_1408 : i32 to index
      %swap3A_1410 = arith.constant 64 : index
      %swap3A_1411 = tpu.vector_load %arg4[%swap3A_1409, %swap3A_1410] {strides = array<i32>} : memref<256x128xf32, #tpu.memory_space<vmem>>, vector<1x16xf32>,
      %swap3A_1412 = vector.shape_cast %swap3A_1411 : vector<1x16xf32> to vector<16xf32>
      %swap3A_1413 = vector.shape_cast %add3A_1407 : vector<16xf32> to vector<1x16xf32>
      tpu.vector_store %arg4[%swap3A_1409, %swap3A_1410], %swap3A_1413 {strides = array<i32>} : memref<256x128xf32, #tpu.memory_space<vmem>>, vector<1x16xf32>,
      %get3A_1414 = arith.constant 0 : i32
      %get3A_1415 = arith.index_cast %get3A_1414 : i32 to index
      %get3A_1416 = arith.constant 80 : index
      %get3A_1417 = tpu.vector_load %arg4[%get3A_1415, %get3A_1416] {strides = array<i32>} : memref<256x128xf32, #tpu.memory_space<vmem>>, vector<1x16xf32>,
      %get3A_1418 = vector.shape_cast %get3A_1417 : vector<1x16xf32> to vector<16xf32>
      %add3A_1419 = arith.addf %add3A_1307, %get3A_1418 : vector<16xf32>
      %swap3A_1420 = arith.constant 0 : i32
      %swap3A_1421 = arith.index_cast %swap3A_1420 : i32 to index
      %swap3A_1422 = arith.constant 80 : index
      %swap3A_1423 = tpu.vector_load %arg4[%swap3A_1421, %swap3A_1422] {strides = array<i32>} : memref<256x128xf32, #tpu.memory_space<vmem>>, vector<1x16xf32>,
      %swap3A_1424 = vector.shape_cast %swap3A_1423 : vector<1x16xf32> to vector<16xf32>
      %swap3A_1425 = vector.shape_cast %add3A_1419 : vector<16xf32> to vector<1x16xf32>
      tpu.vector_store %arg4[%swap3A_1421, %swap3A_1422], %swap3A_1425 {strides = array<i32>} : memref<256x128xf32, #tpu.memory_space<vmem>>, vector<1x16xf32>,
      %get3A_1426 = arith.constant 0 : i32
      %get3A_1427 = arith.index_cast %get3A_1426 : i32 to index
      %get3A_1428 = arith.constant 96 : index
      %get3A_1429 = tpu.vector_load %arg4[%get3A_1427, %get3A_1428] {strides = array<i32>} : memref<256x128xf32, #tpu.memory_space<vmem>>, vector<1x16xf32>,
      %get3A_1430 = vector.shape_cast %get3A_1429 : vector<1x16xf32> to vector<16xf32>
      %add3A_1431 = arith.addf %add3A_1319, %get3A_1430 : vector<16xf32>
      %swap3A_1432 = arith.constant 0 : i32
      %swap3A_1433 = arith.index_cast %swap3A_1432 : i32 to index
      %swap3A_1434 = arith.constant 96 : index
      %swap3A_1435 = tpu.vector_load %arg4[%swap3A_1433, %swap3A_1434] {strides = array<i32>} : memref<256x128xf32, #tpu.memory_space<vmem>>, vector<1x16xf32>,
      %swap3A_1436 = vector.shape_cast %swap3A_1435 : vector<1x16xf32> to vector<16xf32>
      %swap3A_1437 = vector.shape_cast %add3A_1431 : vector<16xf32> to vector<1x16xf32>
      tpu.vector_store %arg4[%swap3A_1433, %swap3A_1434], %swap3A_1437 {strides = array<i32>} : memref<256x128xf32, #tpu.memory_space<vmem>>, vector<1x16xf32>,
      %get3A_1438 = arith.constant 0 : i32
      %get3A_1439 = arith.index_cast %get3A_1438 : i32 to index
      %get3A_1440 = arith.constant 112 : index
      %get3A_1441 = tpu.vector_load %arg4[%get3A_1439, %get3A_1440] {strides = array<i32>} : memref<256x128xf32, #tpu.memory_space<vmem>>, vector<1x16xf32>,
      %get3A_1442 = vector.shape_cast %get3A_1441 : vector<1x16xf32> to vector<16xf32>
      %add3A_1443 = arith.addf %add3A_1331, %get3A_1442 : vector<16xf32>
      %swap3A_1444 = arith.constant 0 : i32
      %swap3A_1445 = arith.index_cast %swap3A_1444 : i32 to index
      %swap3A_1446 = arith.constant 112 : index
      %swap3A_1447 = tpu.vector_load %arg4[%swap3A_1445, %swap3A_1446] {strides = array<i32>} : memref<256x128xf32, #tpu.memory_space<vmem>>, vector<1x16xf32>,
      %swap3A_1448 = vector.shape_cast %swap3A_1447 : vector<1x16xf32> to vector<16xf32>
      %swap3A_1449 = vector.shape_cast %add3A_1443 : vector<16xf32> to vector<1x16xf32>
      tpu.vector_store %arg4[%swap3A_1445, %swap3A_1446], %swap3A_1449 {strides = array<i32>} : memref<256x128xf32, #tpu.memory_space<vmem>>, vector<1x16xf32>,
      %dma_start3A_1450 = arith.constant 3072 : i32
      %dma_start3A_1451 = tpu.memref_slice %arg3[%dma_start3A_1450, %mul3A_4] : memref<4096x2048xf32, #tpu.memory_space<hbm>> -> memref<256x128xf32, #tpu.memory_space<hbm>>
      %dma_start3A_1452 = arith.constant 3072 : i32
      %dma_start3A_1453 = tpu.memref_slice %arg3[%dma_start3A_1452, %mul3A_4] : memref<4096x2048xf32, #tpu.memory_space<hbm>> -> memref<256x128xf32, #tpu.memory_space<hbm>>
      tpu.enqueue_dma source(%arg4 : memref<256x128xf32, #tpu.memory_space<vmem>>) target(%dma_start3A_1453 : memref<256x128xf32, #tpu.memory_space<hbm>>) target_semaphore(%arg10 : memref<!tpu.dma_semaphore, #tpu.memory_space<semaphore_mem>>)
      %dma_wait3A_1454 = arith.constant 2816 : i32
      %dma_wait3A_1455 = tpu.memref_slice %arg3[%dma_wait3A_1454, %mul3A_4] : memref<4096x2048xf32, #tpu.memory_space<hbm>> -> memref<256x128xf32, #tpu.memory_space<hbm>>
      %dma_wait3A_1456 = arith.constant 2816 : i32
      %dma_wait3A_1457 = tpu.memref_slice %arg3[%dma_wait3A_1456, %mul3A_4] : memref<4096x2048xf32, #tpu.memory_space<hbm>> -> memref<256x128xf32, #tpu.memory_space<hbm>>
      tpu.wait_dma2 semaphore(%arg12 : memref<!tpu.dma_semaphore, #tpu.memory_space<semaphore_mem>>) src(%arg6 : memref<256x128xf32, #tpu.memory_space<vmem>>) dst(%dma_wait3A_1457 : memref<256x128xf32, #tpu.memory_space<hbm>>)
      %dma_start3A_1458 = arith.constant 3584 : i32
      %dma_start3A_1459 = tpu.memref_slice %arg2[%dma_start3A_1458, %mul3A_4] : memref<4096x2048xf32, #tpu.memory_space<hbm>> -> memref<256x128xf32, #tpu.memory_space<hbm>>
      %dma_start3A_1460 = arith.constant 3584 : i32
      %dma_start3A_1461 = tpu.memref_slice %arg2[%dma_start3A_1460, %mul3A_4] : memref<4096x2048xf32, #tpu.memory_space<hbm>> -> memref<256x128xf32, #tpu.memory_space<hbm>>
      tpu.enqueue_dma source(%dma_start3A_1461 : memref<256x128xf32, #tpu.memory_space<hbm>>) target(%arg6 : memref<256x128xf32, #tpu.memory_space<vmem>>) target_semaphore(%arg9 : memref<!tpu.dma_semaphore, #tpu.memory_space<semaphore_mem>>)
      %dma_wait3A_1462 = arith.constant 3328 : i32
      %dma_wait3A_1463 = tpu.memref_slice %arg2[%dma_wait3A_1462, %mul3A_4] : memref<4096x2048xf32, #tpu.memory_space<hbm>> -> memref<256x128xf32, #tpu.memory_space<hbm>>
      %dma_wait3A_1464 = arith.constant 3328 : i32
      %dma_wait3A_1465 = tpu.memref_slice %arg2[%dma_wait3A_1464, %mul3A_4] : memref<4096x2048xf32, #tpu.memory_space<hbm>> -> memref<256x128xf32, #tpu.memory_space<hbm>>
      tpu.wait_dma2 semaphore(%arg8 : memref<!tpu.dma_semaphore, #tpu.memory_space<semaphore_mem>>) src(%dma_wait3A_1465 : memref<256x128xf32, #tpu.memory_space<hbm>>) dst(%arg5 : memref<256x128xf32, #tpu.memory_space<vmem>>)
      %get3A_1466 = arith.constant 0 : i32
      %get3A_1467 = arith.index_cast %get3A_1466 : i32 to index
      %get3A_1468 = arith.constant 0 : index
      %get3A_1469 = tpu.vector_load %arg5[%get3A_1467, %get3A_1468] {strides = array<i32>} : memref<256x128xf32, #tpu.memory_space<vmem>>, vector<1x16xf32>,
      %get3A_1470 = vector.shape_cast %get3A_1469 : vector<1x16xf32> to vector<16xf32>
      %add3A_1471 = arith.addf %add3A_1359, %get3A_1470 : vector<16xf32>
      %swap3A_1472 = arith.constant 0 : i32
      %swap3A_1473 = arith.index_cast %swap3A_1472 : i32 to index
      %swap3A_1474 = arith.constant 0 : index
      %swap3A_1475 = tpu.vector_load %arg5[%swap3A_1473, %swap3A_1474] {strides = array<i32>} : memref<256x128xf32, #tpu.memory_space<vmem>>, vector<1x16xf32>,
      %swap3A_1476 = vector.shape_cast %swap3A_1475 : vector<1x16xf32> to vector<16xf32>
      %swap3A_1477 = vector.shape_cast %add3A_1471 : vector<16xf32> to vector<1x16xf32>
      tpu.vector_store %arg5[%swap3A_1473, %swap3A_1474], %swap3A_1477 {strides = array<i32>} : memref<256x128xf32, #tpu.memory_space<vmem>>, vector<1x16xf32>,
      %get3A_1478 = arith.constant 0 : i32
      %get3A_1479 = arith.index_cast %get3A_1478 : i32 to index
      %get3A_1480 = arith.constant 16 : index
      %get3A_1481 = tpu.vector_load %arg5[%get3A_1479, %get3A_1480] {strides = array<i32>} : memref<256x128xf32, #tpu.memory_space<vmem>>, vector<1x16xf32>,
      %get3A_1482 = vector.shape_cast %get3A_1481 : vector<1x16xf32> to vector<16xf32>
      %add3A_1483 = arith.addf %add3A_1371, %get3A_1482 : vector<16xf32>
      %swap3A_1484 = arith.constant 0 : i32
      %swap3A_1485 = arith.index_cast %swap3A_1484 : i32 to index
      %swap3A_1486 = arith.constant 16 : index
      %swap3A_1487 = tpu.vector_load %arg5[%swap3A_1485, %swap3A_1486] {strides = array<i32>} : memref<256x128xf32, #tpu.memory_space<vmem>>, vector<1x16xf32>,
      %swap3A_1488 = vector.shape_cast %swap3A_1487 : vector<1x16xf32> to vector<16xf32>
      %swap3A_1489 = vector.shape_cast %add3A_1483 : vector<16xf32> to vector<1x16xf32>
      tpu.vector_store %arg5[%swap3A_1485, %swap3A_1486], %swap3A_1489 {strides = array<i32>} : memref<256x128xf32, #tpu.memory_space<vmem>>, vector<1x16xf32>,
      %get3A_1490 = arith.constant 0 : i32
      %get3A_1491 = arith.index_cast %get3A_1490 : i32 to index
      %get3A_1492 = arith.constant 32 : index
      %get3A_1493 = tpu.vector_load %arg5[%get3A_1491, %get3A_1492] {strides = array<i32>} : memref<256x128xf32, #tpu.memory_space<vmem>>, vector<1x16xf32>,
      %get3A_1494 = vector.shape_cast %get3A_1493 : vector<1x16xf32> to vector<16xf32>
      %add3A_1495 = arith.addf %add3A_1383, %get3A_1494 : vector<16xf32>
      %swap3A_1496 = arith.constant 0 : i32
      %swap3A_1497 = arith.index_cast %swap3A_1496 : i32 to index
      %swap3A_1498 = arith.constant 32 : index
      %swap3A_1499 = tpu.vector_load %arg5[%swap3A_1497, %swap3A_1498] {strides = array<i32>} : memref<256x128xf32, #tpu.memory_space<vmem>>, vector<1x16xf32>,
      %swap3A_1500 = vector.shape_cast %swap3A_1499 : vector<1x16xf32> to vector<16xf32>
      %swap3A_1501 = vector.shape_cast %add3A_1495 : vector<16xf32> to vector<1x16xf32>
      tpu.vector_store %arg5[%swap3A_1497, %swap3A_1498], %swap3A_1501 {strides = array<i32>} : memref<256x128xf32, #tpu.memory_space<vmem>>, vector<1x16xf32>,
      %get3A_1502 = arith.constant 0 : i32
      %get3A_1503 = arith.index_cast %get3A_1502 : i32 to index
      %get3A_1504 = arith.constant 48 : index
      %get3A_1505 = tpu.vector_load %arg5[%get3A_1503, %get3A_1504] {strides = array<i32>} : memref<256x128xf32, #tpu.memory_space<vmem>>, vector<1x16xf32>,
      %get3A_1506 = vector.shape_cast %get3A_1505 : vector<1x16xf32> to vector<16xf32>
      %add3A_1507 = arith.addf %add3A_1395, %get3A_1506 : vector<16xf32>
      %swap3A_1508 = arith.constant 0 : i32
      %swap3A_1509 = arith.index_cast %swap3A_1508 : i32 to index
      %swap3A_1510 = arith.constant 48 : index
      %swap3A_1511 = tpu.vector_load %arg5[%swap3A_1509, %swap3A_1510] {strides = array<i32>} : memref<256x128xf32, #tpu.memory_space<vmem>>, vector<1x16xf32>,
      %swap3A_1512 = vector.shape_cast %swap3A_1511 : vector<1x16xf32> to vector<16xf32>
      %swap3A_1513 = vector.shape_cast %add3A_1507 : vector<16xf32> to vector<1x16xf32>
      tpu.vector_store %arg5[%swap3A_1509, %swap3A_1510], %swap3A_1513 {strides = array<i32>} : memref<256x128xf32, #tpu.memory_space<vmem>>, vector<1x16xf32>,
      %get3A_1514 = arith.constant 0 : i32
      %get3A_1515 = arith.index_cast %get3A_1514 : i32 to index
      %get3A_1516 = arith.constant 64 : index
      %get3A_1517 = tpu.vector_load %arg5[%get3A_1515, %get3A_1516] {strides = array<i32>} : memref<256x128xf32, #tpu.memory_space<vmem>>, vector<1x16xf32>,
      %get3A_1518 = vector.shape_cast %get3A_1517 : vector<1x16xf32> to vector<16xf32>
      %add3A_1519 = arith.addf %add3A_1407, %get3A_1518 : vector<16xf32>
      %swap3A_1520 = arith.constant 0 : i32
      %swap3A_1521 = arith.index_cast %swap3A_1520 : i32 to index
      %swap3A_1522 = arith.constant 64 : index
      %swap3A_1523 = tpu.vector_load %arg5[%swap3A_1521, %swap3A_1522] {strides = array<i32>} : memref<256x128xf32, #tpu.memory_space<vmem>>, vector<1x16xf32>,
      %swap3A_1524 = vector.shape_cast %swap3A_1523 : vector<1x16xf32> to vector<16xf32>
      %swap3A_1525 = vector.shape_cast %add3A_1519 : vector<16xf32> to vector<1x16xf32>
      tpu.vector_store %arg5[%swap3A_1521, %swap3A_1522], %swap3A_1525 {strides = array<i32>} : memref<256x128xf32, #tpu.memory_space<vmem>>, vector<1x16xf32>,
      %get3A_1526 = arith.constant 0 : i32
      %get3A_1527 = arith.index_cast %get3A_1526 : i32 to index
      %get3A_1528 = arith.constant 80 : index
      %get3A_1529 = tpu.vector_load %arg5[%get3A_1527, %get3A_1528] {strides = array<i32>} : memref<256x128xf32, #tpu.memory_space<vmem>>, vector<1x16xf32>,
      %get3A_1530 = vector.shape_cast %get3A_1529 : vector<1x16xf32> to vector<16xf32>
      %add3A_1531 = arith.addf %add3A_1419, %get3A_1530 : vector<16xf32>
      %swap3A_1532 = arith.constant 0 : i32
      %swap3A_1533 = arith.index_cast %swap3A_1532 : i32 to index
      %swap3A_1534 = arith.constant 80 : index
      %swap3A_1535 = tpu.vector_load %arg5[%swap3A_1533, %swap3A_1534] {strides = array<i32>} : memref<256x128xf32, #tpu.memory_space<vmem>>, vector<1x16xf32>,
      %swap3A_1536 = vector.shape_cast %swap3A_1535 : vector<1x16xf32> to vector<16xf32>
      %swap3A_1537 = vector.shape_cast %add3A_1531 : vector<16xf32> to vector<1x16xf32>
      tpu.vector_store %arg5[%swap3A_1533, %swap3A_1534], %swap3A_1537 {strides = array<i32>} : memref<256x128xf32, #tpu.memory_space<vmem>>, vector<1x16xf32>,
      %get3A_1538 = arith.constant 0 : i32
      %get3A_1539 = arith.index_cast %get3A_1538 : i32 to index
      %get3A_1540 = arith.constant 96 : index
      %get3A_1541 = tpu.vector_load %arg5[%get3A_1539, %get3A_1540] {strides = array<i32>} : memref<256x128xf32, #tpu.memory_space<vmem>>, vector<1x16xf32>,
      %get3A_1542 = vector.shape_cast %get3A_1541 : vector<1x16xf32> to vector<16xf32>
      %add3A_1543 = arith.addf %add3A_1431, %get3A_1542 : vector<16xf32>
      %swap3A_1544 = arith.constant 0 : i32
      %swap3A_1545 = arith.index_cast %swap3A_1544 : i32 to index
      %swap3A_1546 = arith.constant 96 : index
      %swap3A_1547 = tpu.vector_load %arg5[%swap3A_1545, %swap3A_1546] {strides = array<i32>} : memref<256x128xf32, #tpu.memory_space<vmem>>, vector<1x16xf32>,
      %swap3A_1548 = vector.shape_cast %swap3A_1547 : vector<1x16xf32> to vector<16xf32>
      %swap3A_1549 = vector.shape_cast %add3A_1543 : vector<16xf32> to vector<1x16xf32>
      tpu.vector_store %arg5[%swap3A_1545, %swap3A_1546], %swap3A_1549 {strides = array<i32>} : memref<256x128xf32, #tpu.memory_space<vmem>>, vector<1x16xf32>,
      %get3A_1550 = arith.constant 0 : i32
      %get3A_1551 = arith.index_cast %get3A_1550 : i32 to index
      %get3A_1552 = arith.constant 112 : index
      %get3A_1553 = tpu.vector_load %arg5[%get3A_1551, %get3A_1552] {strides = array<i32>} : memref<256x128xf32, #tpu.memory_space<vmem>>, vector<1x16xf32>,
      %get3A_1554 = vector.shape_cast %get3A_1553 : vector<1x16xf32> to vector<16xf32>
      %add3A_1555 = arith.addf %add3A_1443, %get3A_1554 : vector<16xf32>
      %swap3A_1556 = arith.constant 0 : i32
      %swap3A_1557 = arith.index_cast %swap3A_1556 : i32 to index
      %swap3A_1558 = arith.constant 112 : index
      %swap3A_1559 = tpu.vector_load %arg5[%swap3A_1557, %swap3A_1558] {strides = array<i32>} : memref<256x128xf32, #tpu.memory_space<vmem>>, vector<1x16xf32>,
      %swap3A_1560 = vector.shape_cast %swap3A_1559 : vector<1x16xf32> to vector<16xf32>
      %swap3A_1561 = vector.shape_cast %add3A_1555 : vector<16xf32> to vector<1x16xf32>
      tpu.vector_store %arg5[%swap3A_1557, %swap3A_1558], %swap3A_1561 {strides = array<i32>} : memref<256x128xf32, #tpu.memory_space<vmem>>, vector<1x16xf32>,
      %dma_start3A_1562 = arith.constant 3328 : i32
      %dma_start3A_1563 = tpu.memref_slice %arg3[%dma_start3A_1562, %mul3A_4] : memref<4096x2048xf32, #tpu.memory_space<hbm>> -> memref<256x128xf32, #tpu.memory_space<hbm>>
      %dma_start3A_1564 = arith.constant 3328 : i32
      %dma_start3A_1565 = tpu.memref_slice %arg3[%dma_start3A_1564, %mul3A_4] : memref<4096x2048xf32, #tpu.memory_space<hbm>> -> memref<256x128xf32, #tpu.memory_space<hbm>>
      tpu.enqueue_dma source(%arg5 : memref<256x128xf32, #tpu.memory_space<vmem>>) target(%dma_start3A_1565 : memref<256x128xf32, #tpu.memory_space<hbm>>) target_semaphore(%arg11 : memref<!tpu.dma_semaphore, #tpu.memory_space<semaphore_mem>>)
      %dma_wait3A_1566 = arith.constant 3072 : i32
      %dma_wait3A_1567 = tpu.memref_slice %arg3[%dma_wait3A_1566, %mul3A_4] : memref<4096x2048xf32, #tpu.memory_space<hbm>> -> memref<256x128xf32, #tpu.memory_space<hbm>>
      %dma_wait3A_1568 = arith.constant 3072 : i32
      %dma_wait3A_1569 = tpu.memref_slice %arg3[%dma_wait3A_1568, %mul3A_4] : memref<4096x2048xf32, #tpu.memory_space<hbm>> -> memref<256x128xf32, #tpu.memory_space<hbm>>
      tpu.wait_dma2 semaphore(%arg10 : memref<!tpu.dma_semaphore, #tpu.memory_space<semaphore_mem>>) src(%arg4 : memref<256x128xf32, #tpu.memory_space<vmem>>) dst(%dma_wait3A_1569 : memref<256x128xf32, #tpu.memory_space<hbm>>)
      %dma_start3A_1570 = arith.constant 3840 : i32
      %dma_start3A_1571 = tpu.memref_slice %arg2[%dma_start3A_1570, %mul3A_4] : memref<4096x2048xf32, #tpu.memory_space<hbm>> -> memref<256x128xf32, #tpu.memory_space<hbm>>
      %dma_start3A_1572 = arith.constant 3840 : i32
      %dma_start3A_1573 = tpu.memref_slice %arg2[%dma_start3A_1572, %mul3A_4] : memref<4096x2048xf32, #tpu.memory_space<hbm>> -> memref<256x128xf32, #tpu.memory_space<hbm>>
      tpu.enqueue_dma source(%dma_start3A_1573 : memref<256x128xf32, #tpu.memory_space<hbm>>) target(%arg4 : memref<256x128xf32, #tpu.memory_space<vmem>>) target_semaphore(%arg7 : memref<!tpu.dma_semaphore, #tpu.memory_space<semaphore_mem>>)
      %dma_wait3A_1574 = arith.constant 3584 : i32
      %dma_wait3A_1575 = tpu.memref_slice %arg2[%dma_wait3A_1574, %mul3A_4] : memref<4096x2048xf32, #tpu.memory_space<hbm>> -> memref<256x128xf32, #tpu.memory_space<hbm>>
      %dma_wait3A_1576 = arith.constant 3584 : i32
      %dma_wait3A_1577 = tpu.memref_slice %arg2[%dma_wait3A_1576, %mul3A_4] : memref<4096x2048xf32, #tpu.memory_space<hbm>> -> memref<256x128xf32, #tpu.memory_space<hbm>>
      tpu.wait_dma2 semaphore(%arg9 : memref<!tpu.dma_semaphore, #tpu.memory_space<semaphore_mem>>) src(%dma_wait3A_1577 : memref<256x128xf32, #tpu.memory_space<hbm>>) dst(%arg6 : memref<256x128xf32, #tpu.memory_space<vmem>>)
      %get3A_1578 = arith.constant 0 : i32
      %get3A_1579 = arith.index_cast %get3A_1578 : i32 to index
      %get3A_1580 = arith.constant 0 : index
      %get3A_1581 = tpu.vector_load %arg6[%get3A_1579, %get3A_1580] {strides = array<i32>} : memref<256x128xf32, #tpu.memory_space<vmem>>, vector<1x16xf32>,
      %get3A_1582 = vector.shape_cast %get3A_1581 : vector<1x16xf32> to vector<16xf32>
      %add3A_1583 = arith.addf %add3A_1471, %get3A_1582 : vector<16xf32>
      %swap3A_1584 = arith.constant 0 : i32
      %swap3A_1585 = arith.index_cast %swap3A_1584 : i32 to index
      %swap3A_1586 = arith.constant 0 : index
      %swap3A_1587 = tpu.vector_load %arg6[%swap3A_1585, %swap3A_1586] {strides = array<i32>} : memref<256x128xf32, #tpu.memory_space<vmem>>, vector<1x16xf32>,
      %swap3A_1588 = vector.shape_cast %swap3A_1587 : vector<1x16xf32> to vector<16xf32>
      %swap3A_1589 = vector.shape_cast %add3A_1583 : vector<16xf32> to vector<1x16xf32>
      tpu.vector_store %arg6[%swap3A_1585, %swap3A_1586], %swap3A_1589 {strides = array<i32>} : memref<256x128xf32, #tpu.memory_space<vmem>>, vector<1x16xf32>,
      %get3A_1590 = arith.constant 0 : i32
      %get3A_1591 = arith.index_cast %get3A_1590 : i32 to index
      %get3A_1592 = arith.constant 16 : index
      %get3A_1593 = tpu.vector_load %arg6[%get3A_1591, %get3A_1592] {strides = array<i32>} : memref<256x128xf32, #tpu.memory_space<vmem>>, vector<1x16xf32>,
      %get3A_1594 = vector.shape_cast %get3A_1593 : vector<1x16xf32> to vector<16xf32>
      %add3A_1595 = arith.addf %add3A_1483, %get3A_1594 : vector<16xf32>
      %swap3A_1596 = arith.constant 0 : i32
      %swap3A_1597 = arith.index_cast %swap3A_1596 : i32 to index
      %swap3A_1598 = arith.constant 16 : index
      %swap3A_1599 = tpu.vector_load %arg6[%swap3A_1597, %swap3A_1598] {strides = array<i32>} : memref<256x128xf32, #tpu.memory_space<vmem>>, vector<1x16xf32>,
      %swap3A_1600 = vector.shape_cast %swap3A_1599 : vector<1x16xf32> to vector<16xf32>
      %swap3A_1601 = vector.shape_cast %add3A_1595 : vector<16xf32> to vector<1x16xf32>
      tpu.vector_store %arg6[%swap3A_1597, %swap3A_1598], %swap3A_1601 {strides = array<i32>} : memref<256x128xf32, #tpu.memory_space<vmem>>, vector<1x16xf32>,
      %get3A_1602 = arith.constant 0 : i32
      %get3A_1603 = arith.index_cast %get3A_1602 : i32 to index
      %get3A_1604 = arith.constant 32 : index
      %get3A_1605 = tpu.vector_load %arg6[%get3A_1603, %get3A_1604] {strides = array<i32>} : memref<256x128xf32, #tpu.memory_space<vmem>>, vector<1x16xf32>,
      %get3A_1606 = vector.shape_cast %get3A_1605 : vector<1x16xf32> to vector<16xf32>
      %add3A_1607 = arith.addf %add3A_1495, %get3A_1606 : vector<16xf32>
      %swap3A_1608 = arith.constant 0 : i32
      %swap3A_1609 = arith.index_cast %swap3A_1608 : i32 to index
      %swap3A_1610 = arith.constant 32 : index
      %swap3A_1611 = tpu.vector_load %arg6[%swap3A_1609, %swap3A_1610] {strides = array<i32>} : memref<256x128xf32, #tpu.memory_space<vmem>>, vector<1x16xf32>,
      %swap3A_1612 = vector.shape_cast %swap3A_1611 : vector<1x16xf32> to vector<16xf32>
      %swap3A_1613 = vector.shape_cast %add3A_1607 : vector<16xf32> to vector<1x16xf32>
      tpu.vector_store %arg6[%swap3A_1609, %swap3A_1610], %swap3A_1613 {strides = array<i32>} : memref<256x128xf32, #tpu.memory_space<vmem>>, vector<1x16xf32>,
      %get3A_1614 = arith.constant 0 : i32
      %get3A_1615 = arith.index_cast %get3A_1614 : i32 to index
      %get3A_1616 = arith.constant 48 : index
      %get3A_1617 = tpu.vector_load %arg6[%get3A_1615, %get3A_1616] {strides = array<i32>} : memref<256x128xf32, #tpu.memory_space<vmem>>, vector<1x16xf32>,
      %get3A_1618 = vector.shape_cast %get3A_1617 : vector<1x16xf32> to vector<16xf32>
      %add3A_1619 = arith.addf %add3A_1507, %get3A_1618 : vector<16xf32>
      %swap3A_1620 = arith.constant 0 : i32
      %swap3A_1621 = arith.index_cast %swap3A_1620 : i32 to index
      %swap3A_1622 = arith.constant 48 : index
      %swap3A_1623 = tpu.vector_load %arg6[%swap3A_1621, %swap3A_1622] {strides = array<i32>} : memref<256x128xf32, #tpu.memory_space<vmem>>, vector<1x16xf32>,
      %swap3A_1624 = vector.shape_cast %swap3A_1623 : vector<1x16xf32> to vector<16xf32>
      %swap3A_1625 = vector.shape_cast %add3A_1619 : vector<16xf32> to vector<1x16xf32>
      tpu.vector_store %arg6[%swap3A_1621, %swap3A_1622], %swap3A_1625 {strides = array<i32>} : memref<256x128xf32, #tpu.memory_space<vmem>>, vector<1x16xf32>,
      %get3A_1626 = arith.constant 0 : i32
      %get3A_1627 = arith.index_cast %get3A_1626 : i32 to index
      %get3A_1628 = arith.constant 64 : index
      %get3A_1629 = tpu.vector_load %arg6[%get3A_1627, %get3A_1628] {strides = array<i32>} : memref<256x128xf32, #tpu.memory_space<vmem>>, vector<1x16xf32>,
      %get3A_1630 = vector.shape_cast %get3A_1629 : vector<1x16xf32> to vector<16xf32>
      %add3A_1631 = arith.addf %add3A_1519, %get3A_1630 : vector<16xf32>
      %swap3A_1632 = arith.constant 0 : i32
      %swap3A_1633 = arith.index_cast %swap3A_1632 : i32 to index
      %swap3A_1634 = arith.constant 64 : index
      %swap3A_1635 = tpu.vector_load %arg6[%swap3A_1633, %swap3A_1634] {strides = array<i32>} : memref<256x128xf32, #tpu.memory_space<vmem>>, vector<1x16xf32>,
      %swap3A_1636 = vector.shape_cast %swap3A_1635 : vector<1x16xf32> to vector<16xf32>
      %swap3A_1637 = vector.shape_cast %add3A_1631 : vector<16xf32> to vector<1x16xf32>
      tpu.vector_store %arg6[%swap3A_1633, %swap3A_1634], %swap3A_1637 {strides = array<i32>} : memref<256x128xf32, #tpu.memory_space<vmem>>, vector<1x16xf32>,
      %get3A_1638 = arith.constant 0 : i32
      %get3A_1639 = arith.index_cast %get3A_1638 : i32 to index
      %get3A_1640 = arith.constant 80 : index
      %get3A_1641 = tpu.vector_load %arg6[%get3A_1639, %get3A_1640] {strides = array<i32>} : memref<256x128xf32, #tpu.memory_space<vmem>>, vector<1x16xf32>,
      %get3A_1642 = vector.shape_cast %get3A_1641 : vector<1x16xf32> to vector<16xf32>
      %add3A_1643 = arith.addf %add3A_1531, %get3A_1642 : vector<16xf32>
      %swap3A_1644 = arith.constant 0 : i32
      %swap3A_1645 = arith.index_cast %swap3A_1644 : i32 to index
      %swap3A_1646 = arith.constant 80 : index
      %swap3A_1647 = tpu.vector_load %arg6[%swap3A_1645, %swap3A_1646] {strides = array<i32>} : memref<256x128xf32, #tpu.memory_space<vmem>>, vector<1x16xf32>,
      %swap3A_1648 = vector.shape_cast %swap3A_1647 : vector<1x16xf32> to vector<16xf32>
      %swap3A_1649 = vector.shape_cast %add3A_1643 : vector<16xf32> to vector<1x16xf32>
      tpu.vector_store %arg6[%swap3A_1645, %swap3A_1646], %swap3A_1649 {strides = array<i32>} : memref<256x128xf32, #tpu.memory_space<vmem>>, vector<1x16xf32>,
      %get3A_1650 = arith.constant 0 : i32
      %get3A_1651 = arith.index_cast %get3A_1650 : i32 to index
      %get3A_1652 = arith.constant 96 : index
      %get3A_1653 = tpu.vector_load %arg6[%get3A_1651, %get3A_1652] {strides = array<i32>} : memref<256x128xf32, #tpu.memory_space<vmem>>, vector<1x16xf32>,
      %get3A_1654 = vector.shape_cast %get3A_1653 : vector<1x16xf32> to vector<16xf32>
      %add3A_1655 = arith.addf %add3A_1543, %get3A_1654 : vector<16xf32>
      %swap3A_1656 = arith.constant 0 : i32
      %swap3A_1657 = arith.index_cast %swap3A_1656 : i32 to index
      %swap3A_1658 = arith.constant 96 : index
      %swap3A_1659 = tpu.vector_load %arg6[%swap3A_1657, %swap3A_1658] {strides = array<i32>} : memref<256x128xf32, #tpu.memory_space<vmem>>, vector<1x16xf32>,
      %swap3A_1660 = vector.shape_cast %swap3A_1659 : vector<1x16xf32> to vector<16xf32>
      %swap3A_1661 = vector.shape_cast %add3A_1655 : vector<16xf32> to vector<1x16xf32>
      tpu.vector_store %arg6[%swap3A_1657, %swap3A_1658], %swap3A_1661 {strides = array<i32>} : memref<256x128xf32, #tpu.memory_space<vmem>>, vector<1x16xf32>,
      %get3A_1662 = arith.constant 0 : i32
      %get3A_1663 = arith.index_cast %get3A_1662 : i32 to index
      %get3A_1664 = arith.constant 112 : index
      %get3A_1665 = tpu.vector_load %arg6[%get3A_1663, %get3A_1664] {strides = array<i32>} : memref<256x128xf32, #tpu.memory_space<vmem>>, vector<1x16xf32>,
      %get3A_1666 = vector.shape_cast %get3A_1665 : vector<1x16xf32> to vector<16xf32>
      %add3A_1667 = arith.addf %add3A_1555, %get3A_1666 : vector<16xf32>
      %swap3A_1668 = arith.constant 0 : i32
      %swap3A_1669 = arith.index_cast %swap3A_1668 : i32 to index
      %swap3A_1670 = arith.constant 112 : index
      %swap3A_1671 = tpu.vector_load %arg6[%swap3A_1669, %swap3A_1670] {strides = array<i32>} : memref<256x128xf32, #tpu.memory_space<vmem>>, vector<1x16xf32>,
      %swap3A_1672 = vector.shape_cast %swap3A_1671 : vector<1x16xf32> to vector<16xf32>
      %swap3A_1673 = vector.shape_cast %add3A_1667 : vector<16xf32> to vector<1x16xf32>
      tpu.vector_store %arg6[%swap3A_1669, %swap3A_1670], %swap3A_1673 {strides = array<i32>} : memref<256x128xf32, #tpu.memory_space<vmem>>, vector<1x16xf32>,
      %dma_start3A_1674 = arith.constant 3584 : i32
      %dma_start3A_1675 = tpu.memref_slice %arg3[%dma_start3A_1674, %mul3A_4] : memref<4096x2048xf32, #tpu.memory_space<hbm>> -> memref<256x128xf32, #tpu.memory_space<hbm>>
      %dma_start3A_1676 = arith.constant 3584 : i32
      %dma_start3A_1677 = tpu.memref_slice %arg3[%dma_start3A_1676, %mul3A_4] : memref<4096x2048xf32, #tpu.memory_space<hbm>> -> memref<256x128xf32, #tpu.memory_space<hbm>>
      tpu.enqueue_dma source(%arg6 : memref<256x128xf32, #tpu.memory_space<vmem>>) target(%dma_start3A_1677 : memref<256x128xf32, #tpu.memory_space<hbm>>) target_semaphore(%arg12 : memref<!tpu.dma_semaphore, #tpu.memory_space<semaphore_mem>>)
      %dma_wait3A_1678 = arith.constant 3840 : i32
      %dma_wait3A_1679 = tpu.memref_slice %arg2[%dma_wait3A_1678, %mul3A_4] : memref<4096x2048xf32, #tpu.memory_space<hbm>> -> memref<256x128xf32, #tpu.memory_space<hbm>>
      %dma_wait3A_1680 = arith.constant 3840 : i32
      %dma_wait3A_1681 = tpu.memref_slice %arg2[%dma_wait3A_1680, %mul3A_4] : memref<4096x2048xf32, #tpu.memory_space<hbm>> -> memref<256x128xf32, #tpu.memory_space<hbm>>
      tpu.wait_dma2 semaphore(%arg7 : memref<!tpu.dma_semaphore, #tpu.memory_space<semaphore_mem>>) src(%dma_wait3A_1681 : memref<256x128xf32, #tpu.memory_space<hbm>>) dst(%arg4 : memref<256x128xf32, #tpu.memory_space<vmem>>)
      %get3A_1682 = arith.constant 0 : i32
      %get3A_1683 = arith.index_cast %get3A_1682 : i32 to index
      %get3A_1684 = arith.constant 0 : index
      %get3A_1685 = tpu.vector_load %arg4[%get3A_1683, %get3A_1684] {strides = array<i32>} : memref<256x128xf32, #tpu.memory_space<vmem>>, vector<1x16xf32>,
      %get3A_1686 = vector.shape_cast %get3A_1685 : vector<1x16xf32> to vector<16xf32>
      %add3A_1687 = arith.addf %add3A_1583, %get3A_1686 : vector<16xf32>
      %swap3A_1688 = arith.constant 0 : i32
      %swap3A_1689 = arith.index_cast %swap3A_1688 : i32 to index
      %swap3A_1690 = arith.constant 0 : index
      %swap3A_1691 = tpu.vector_load %arg4[%swap3A_1689, %swap3A_1690] {strides = array<i32>} : memref<256x128xf32, #tpu.memory_space<vmem>>, vector<1x16xf32>,
      %swap3A_1692 = vector.shape_cast %swap3A_1691 : vector<1x16xf32> to vector<16xf32>
      %swap3A_1693 = vector.shape_cast %add3A_1687 : vector<16xf32> to vector<1x16xf32>
      tpu.vector_store %arg4[%swap3A_1689, %swap3A_1690], %swap3A_1693 {strides = array<i32>} : memref<256x128xf32, #tpu.memory_space<vmem>>, vector<1x16xf32>,
      %get3A_1694 = arith.constant 0 : i32
      %get3A_1695 = arith.index_cast %get3A_1694 : i32 to index
      %get3A_1696 = arith.constant 16 : index
      %get3A_1697 = tpu.vector_load %arg4[%get3A_1695, %get3A_1696] {strides = array<i32>} : memref<256x128xf32, #tpu.memory_space<vmem>>, vector<1x16xf32>,
      %get3A_1698 = vector.shape_cast %get3A_1697 : vector<1x16xf32> to vector<16xf32>
      %add3A_1699 = arith.addf %add3A_1595, %get3A_1698 : vector<16xf32>
      %swap3A_1700 = arith.constant 0 : i32
      %swap3A_1701 = arith.index_cast %swap3A_1700 : i32 to index
      %swap3A_1702 = arith.constant 16 : index
      %swap3A_1703 = tpu.vector_load %arg4[%swap3A_1701, %swap3A_1702] {strides = array<i32>} : memref<256x128xf32, #tpu.memory_space<vmem>>, vector<1x16xf32>,
      %swap3A_1704 = vector.shape_cast %swap3A_1703 : vector<1x16xf32> to vector<16xf32>
      %swap3A_1705 = vector.shape_cast %add3A_1699 : vector<16xf32> to vector<1x16xf32>
      tpu.vector_store %arg4[%swap3A_1701, %swap3A_1702], %swap3A_1705 {strides = array<i32>} : memref<256x128xf32, #tpu.memory_space<vmem>>, vector<1x16xf32>,
      %get3A_1706 = arith.constant 0 : i32
      %get3A_1707 = arith.index_cast %get3A_1706 : i32 to index
      %get3A_1708 = arith.constant 32 : index
      %get3A_1709 = tpu.vector_load %arg4[%get3A_1707, %get3A_1708] {strides = array<i32>} : memref<256x128xf32, #tpu.memory_space<vmem>>, vector<1x16xf32>,
      %get3A_1710 = vector.shape_cast %get3A_1709 : vector<1x16xf32> to vector<16xf32>
      %add3A_1711 = arith.addf %add3A_1607, %get3A_1710 : vector<16xf32>
      %swap3A_1712 = arith.constant 0 : i32
      %swap3A_1713 = arith.index_cast %swap3A_1712 : i32 to index
      %swap3A_1714 = arith.constant 32 : index
      %swap3A_1715 = tpu.vector_load %arg4[%swap3A_1713, %swap3A_1714] {strides = array<i32>} : memref<256x128xf32, #tpu.memory_space<vmem>>, vector<1x16xf32>,
      %swap3A_1716 = vector.shape_cast %swap3A_1715 : vector<1x16xf32> to vector<16xf32>
      %swap3A_1717 = vector.shape_cast %add3A_1711 : vector<16xf32> to vector<1x16xf32>
      tpu.vector_store %arg4[%swap3A_1713, %swap3A_1714], %swap3A_1717 {strides = array<i32>} : memref<256x128xf32, #tpu.memory_space<vmem>>, vector<1x16xf32>,
      %get3A_1718 = arith.constant 0 : i32
      %get3A_1719 = arith.index_cast %get3A_1718 : i32 to index
      %get3A_1720 = arith.constant 48 : index
      %get3A_1721 = tpu.vector_load %arg4[%get3A_1719, %get3A_1720] {strides = array<i32>} : memref<256x128xf32, #tpu.memory_space<vmem>>, vector<1x16xf32>,
      %get3A_1722 = vector.shape_cast %get3A_1721 : vector<1x16xf32> to vector<16xf32>
      %add3A_1723 = arith.addf %add3A_1619, %get3A_1722 : vector<16xf32>
      %swap3A_1724 = arith.constant 0 : i32
      %swap3A_1725 = arith.index_cast %swap3A_1724 : i32 to index
      %swap3A_1726 = arith.constant 48 : index
      %swap3A_1727 = tpu.vector_load %arg4[%swap3A_1725, %swap3A_1726] {strides = array<i32>} : memref<256x128xf32, #tpu.memory_space<vmem>>, vector<1x16xf32>,
      %swap3A_1728 = vector.shape_cast %swap3A_1727 : vector<1x16xf32> to vector<16xf32>
      %swap3A_1729 = vector.shape_cast %add3A_1723 : vector<16xf32> to vector<1x16xf32>
      tpu.vector_store %arg4[%swap3A_1725, %swap3A_1726], %swap3A_1729 {strides = array<i32>} : memref<256x128xf32, #tpu.memory_space<vmem>>, vector<1x16xf32>,
      %get3A_1730 = arith.constant 0 : i32
      %get3A_1731 = arith.index_cast %get3A_1730 : i32 to index
      %get3A_1732 = arith.constant 64 : index
      %get3A_1733 = tpu.vector_load %arg4[%get3A_1731, %get3A_1732] {strides = array<i32>} : memref<256x128xf32, #tpu.memory_space<vmem>>, vector<1x16xf32>,
      %get3A_1734 = vector.shape_cast %get3A_1733 : vector<1x16xf32> to vector<16xf32>
      %add3A_1735 = arith.addf %add3A_1631, %get3A_1734 : vector<16xf32>
      %swap3A_1736 = arith.constant 0 : i32
      %swap3A_1737 = arith.index_cast %swap3A_1736 : i32 to index
      %swap3A_1738 = arith.constant 64 : index
      %swap3A_1739 = tpu.vector_load %arg4[%swap3A_1737, %swap3A_1738] {strides = array<i32>} : memref<256x128xf32, #tpu.memory_space<vmem>>, vector<1x16xf32>,
      %swap3A_1740 = vector.shape_cast %swap3A_1739 : vector<1x16xf32> to vector<16xf32>
      %swap3A_1741 = vector.shape_cast %add3A_1735 : vector<16xf32> to vector<1x16xf32>
      tpu.vector_store %arg4[%swap3A_1737, %swap3A_1738], %swap3A_1741 {strides = array<i32>} : memref<256x128xf32, #tpu.memory_space<vmem>>, vector<1x16xf32>,
      %get3A_1742 = arith.constant 0 : i32
      %get3A_1743 = arith.index_cast %get3A_1742 : i32 to index
      %get3A_1744 = arith.constant 80 : index
      %get3A_1745 = tpu.vector_load %arg4[%get3A_1743, %get3A_1744] {strides = array<i32>} : memref<256x128xf32, #tpu.memory_space<vmem>>, vector<1x16xf32>,
      %get3A_1746 = vector.shape_cast %get3A_1745 : vector<1x16xf32> to vector<16xf32>
      %add3A_1747 = arith.addf %add3A_1643, %get3A_1746 : vector<16xf32>
      %swap3A_1748 = arith.constant 0 : i32
      %swap3A_1749 = arith.index_cast %swap3A_1748 : i32 to index
      %swap3A_1750 = arith.constant 80 : index
      %swap3A_1751 = tpu.vector_load %arg4[%swap3A_1749, %swap3A_1750] {strides = array<i32>} : memref<256x128xf32, #tpu.memory_space<vmem>>, vector<1x16xf32>,
      %swap3A_1752 = vector.shape_cast %swap3A_1751 : vector<1x16xf32> to vector<16xf32>
      %swap3A_1753 = vector.shape_cast %add3A_1747 : vector<16xf32> to vector<1x16xf32>
      tpu.vector_store %arg4[%swap3A_1749, %swap3A_1750], %swap3A_1753 {strides = array<i32>} : memref<256x128xf32, #tpu.memory_space<vmem>>, vector<1x16xf32>,
      %get3A_1754 = arith.constant 0 : i32
      %get3A_1755 = arith.index_cast %get3A_1754 : i32 to index
      %get3A_1756 = arith.constant 96 : index
      %get3A_1757 = tpu.vector_load %arg4[%get3A_1755, %get3A_1756] {strides = array<i32>} : memref<256x128xf32, #tpu.memory_space<vmem>>, vector<1x16xf32>,
      %get3A_1758 = vector.shape_cast %get3A_1757 : vector<1x16xf32> to vector<16xf32>
      %add3A_1759 = arith.addf %add3A_1655, %get3A_1758 : vector<16xf32>
      %swap3A_1760 = arith.constant 0 : i32
      %swap3A_1761 = arith.index_cast %swap3A_1760 : i32 to index
      %swap3A_1762 = arith.constant 96 : index
      %swap3A_1763 = tpu.vector_load %arg4[%swap3A_1761, %swap3A_1762] {strides = array<i32>} : memref<256x128xf32, #tpu.memory_space<vmem>>, vector<1x16xf32>,
      %swap3A_1764 = vector.shape_cast %swap3A_1763 : vector<1x16xf32> to vector<16xf32>
      %swap3A_1765 = vector.shape_cast %add3A_1759 : vector<16xf32> to vector<1x16xf32>
      tpu.vector_store %arg4[%swap3A_1761, %swap3A_1762], %swap3A_1765 {strides = array<i32>} : memref<256x128xf32, #tpu.memory_space<vmem>>, vector<1x16xf32>,
      %get3A_1766 = arith.constant 0 : i32
      %get3A_1767 = arith.index_cast %get3A_1766 : i32 to index
      %get3A_1768 = arith.constant 112 : index
      %get3A_1769 = tpu.vector_load %arg4[%get3A_1767, %get3A_1768] {strides = array<i32>} : memref<256x128xf32, #tpu.memory_space<vmem>>, vector<1x16xf32>,
      %get3A_1770 = vector.shape_cast %get3A_1769 : vector<1x16xf32> to vector<16xf32>
      %add3A_1771 = arith.addf %add3A_1667, %get3A_1770 : vector<16xf32>
      %swap3A_1772 = arith.constant 0 : i32
      %swap3A_1773 = arith.index_cast %swap3A_1772 : i32 to index
      %swap3A_1774 = arith.constant 112 : index
      %swap3A_1775 = tpu.vector_load %arg4[%swap3A_1773, %swap3A_1774] {strides = array<i32>} : memref<256x128xf32, #tpu.memory_space<vmem>>, vector<1x16xf32>,
      %swap3A_1776 = vector.shape_cast %swap3A_1775 : vector<1x16xf32> to vector<16xf32>
      %swap3A_1777 = vector.shape_cast %add3A_1771 : vector<16xf32> to vector<1x16xf32>
      tpu.vector_store %arg4[%swap3A_1773, %swap3A_1774], %swap3A_1777 {strides = array<i32>} : memref<256x128xf32, #tpu.memory_space<vmem>>, vector<1x16xf32>,
      %dma_start3A_1778 = arith.constant 3840 : i32
      %dma_start3A_1779 = tpu.memref_slice %arg3[%dma_start3A_1778, %mul3A_4] : memref<4096x2048xf32, #tpu.memory_space<hbm>> -> memref<256x128xf32, #tpu.memory_space<hbm>>
      %dma_start3A_1780 = arith.constant 3840 : i32
      %dma_start3A_1781 = tpu.memref_slice %arg3[%dma_start3A_1780, %mul3A_4] : memref<4096x2048xf32, #tpu.memory_space<hbm>> -> memref<256x128xf32, #tpu.memory_space<hbm>>
      tpu.enqueue_dma source(%arg4 : memref<256x128xf32, #tpu.memory_space<vmem>>) target(%dma_start3A_1781 : memref<256x128xf32, #tpu.memory_space<hbm>>) target_semaphore(%arg10 : memref<!tpu.dma_semaphore, #tpu.memory_space<semaphore_mem>>)
      %dma_wait3A_1782 = arith.constant 3328 : i32
      %dma_wait3A_1783 = tpu.memref_slice %arg3[%dma_wait3A_1782, %mul3A_4] : memref<4096x2048xf32, #tpu.memory_space<hbm>> -> memref<256x128xf32, #tpu.memory_space<hbm>>
      %dma_wait3A_1784 = arith.constant 3328 : i32
      %dma_wait3A_1785 = tpu.memref_slice %arg3[%dma_wait3A_1784, %mul3A_4] : memref<4096x2048xf32, #tpu.memory_space<hbm>> -> memref<256x128xf32, #tpu.memory_space<hbm>>
      tpu.wait_dma2 semaphore(%arg11 : memref<!tpu.dma_semaphore, #tpu.memory_space<semaphore_mem>>) src(%arg5 : memref<256x128xf32, #tpu.memory_space<vmem>>) dst(%dma_wait3A_1785 : memref<256x128xf32, #tpu.memory_space<hbm>>)
      %dma_wait3A_1786 = arith.constant 3584 : i32
      %dma_wait3A_1787 = tpu.memref_slice %arg3[%dma_wait3A_1786, %mul3A_4] : memref<4096x2048xf32, #tpu.memory_space<hbm>> -> memref<256x128xf32, #tpu.memory_space<hbm>>
      %dma_wait3A_1788 = arith.constant 3584 : i32
      %dma_wait3A_1789 = tpu.memref_slice %arg3[%dma_wait3A_1788, %mul3A_4] : memref<4096x2048xf32, #tpu.memory_space<hbm>> -> memref<256x128xf32, #tpu.memory_space<hbm>>
      tpu.wait_dma2 semaphore(%arg12 : memref<!tpu.dma_semaphore, #tpu.memory_space<semaphore_mem>>) src(%arg6 : memref<256x128xf32, #tpu.memory_space<vmem>>) dst(%dma_wait3A_1789 : memref<256x128xf32, #tpu.memory_space<hbm>>)
      %dma_wait3A_1790 = arith.constant 3840 : i32
      %dma_wait3A_1791 = tpu.memref_slice %arg3[%dma_wait3A_1790, %mul3A_4] : memref<4096x2048xf32, #tpu.memory_space<hbm>> -> memref<256x128xf32, #tpu.memory_space<hbm>>
      %dma_wait3A_1792 = arith.constant 3840 : i32
      %dma_wait3A_1793 = tpu.memref_slice %arg3[%dma_wait3A_1792, %mul3A_4] : memref<4096x2048xf32, #tpu.memory_space<hbm>> -> memref<256x128xf32, #tpu.memory_space<hbm>>
      tpu.wait_dma2 semaphore(%arg10 : memref<!tpu.dma_semaphore, #tpu.memory_space<semaphore_mem>>) src(%arg4 : memref<256x128xf32, #tpu.memory_space<vmem>>) dst(%dma_wait3A_1793 : memref<256x128xf32, #tpu.memory_space<hbm>>)
    } else {
    }
    return
  }
}

</mosaic_0001>

<sc_bundles>
// kernel: kernel.3.cloned.1.call-start
scs
__scs_entry_jumppad:
0x0: {  	(pc) =	sbr.rel $0x88, $3  }
0x1: {  	(tag) =	ssettag $0x0;
	lr =	simm.s32 $0x1  }
0x2: {  	[smem:$0x3FA0] =	sst lr;
	_ =	strace $0xD0000000  }
0x3: {  	_ = 	snop  }
0x4: {  	_ = 	snop  }
0x5: {  	_ = 	snop  }
0x6: {  	_ = 	snop  }
0x7: {  	_ = 	snop  }
__scs_overlays_trampoline_lowered:
0x8: {  	[smem:$0x3FAF] =	sst s0  }
0x9: {  	[smem:$0x3FB0] =	sst s1  }
0xa: {  	[smem:$0x3FB1] =	sst s2  }
0xb: {  	[smem:$0x3FB2] =	sst s3  }
0xc: {  	[smem:$0x3FB3] =	sst s4  }
0xd: {  	[smem:$0x3FB4] =	sst s5  }
0xe: {  	[smem:$0x3FB5] =	sst s6  }
0xf: {  	[smem:$0x3FB6] =	sst s7  }
0x10: {  	[smem:$0x3FB7] =	sst s8  }
0x11: {  	[smem:$0x3FB8] =	sst s9;
	s0 =	simm.s32 @!p0 $0x0  }
0x12: {  	s1 =	sld [smem:$0x3F9E];
	s0 =	simm.s32 @p0 $0x1  }
0x13: {  	[smem:$0x3FB9] =	sst s0;
	s0 =	simm.s32 @!p1 $0x0  }
0x14: {  	s2 =	sld [smem:$0x3F9D];
	s0 =	simm.s32 @p1 $0x1  }
0x15: {  	[smem:$0x3FBA] =	sst s0;
	s0 =	simm.s32 @!p2 $0x0  }
0x16: {  	s3 =	sld [smem:$0x3FDB];
	s0 =	simm.s32 @p2 $0x1  }
0x17: {  	s4 =	simm.s32 $0x1BF5;
	[smem:$0x3FBC] =	sst s0  }
0x18: {  	s0 =	sld [smem:$0x3F9F];
	_ =	swait.ge [sflag:s4], $0x0  }
0x19: {  	s7 =	sld [smem:$0x3FA0]  }
0x1a: {  	s8 =	sadd.s32 $0xFFFFE003, lr  }
0x1b: {  	s9 =	sadd.s32 $0xFFFFFEF7, lr;
	s5 =	simm.s32 $0xFFFFFFFF;
	p2 =	slt.u32 s8, $0xFFFFF086  }
0x1c: {  	p1 =	slt.u32 s9, $0xF7A;
	s5 =	simm.s32 @!p2 $0x0  }
0x1d: {  	s5 =	simm.s32 @p1 $0x1;
	p0 =	seq.s32 s7, s2  }
0x1e: {  	s7 =	smul.u32 @!p0 $0xF7A, s2;
	p2 =	seq.s32 @!p0 s5, $0x0  }
0x1f: {  	s9 =	smul.u32 $0xF7A, s1;
	s8 =	simm.s32 @!p0 $0x1BF5;
	p2 =	por !p2, p0  }
0x20: {  	[sflag:s8] =	ssyncset.s32 @!p0 $0xFFFFF086;
	s6 =	sadd.s32 @!p0 s3, s7;
	s7 =	simm.s32 @!p0 $0x108  }
0x21: {  	s3 =	sadd.s32 s3, s9;
	s6 =	sadd.s32 @!p0 $0x88, s6;
	s7 =	simm.s32 @p2 $0x1082  }
0x22: {  	[simem:s7], [sflag:s8] =	dma.local @!p0 [hbm:s6], $0xF7A  }
0x23: {  	s9 =	sor.u32 $0xD0000000, s2;
	s6 =	simm.s32 $0x108;
	_ =	swait.ge @!p0 [sflag:s8], $0x0  }
0x24: {  	s3 =	sadd.s32 $0x88, s3;
	s6 =	simm.s32 @!p1 $0x1082;
	[sflag:s4] =	ssyncset.s32 $0xFFFFF086  }
0x25: {  	[simem:s6], [sflag:s4] =	dma.local [hbm:s3], $0xF7A  }
0x26: {  	[smem:$0x3FA0] =	sst s1;
	(tag) =	ssettag s2;
	_ =	strace s9  }
0x27: {  	s1 =	sld [smem:$0x3FB0]  }
0x28: {  	s2 =	sld [smem:$0x3FB1]  }
0x29: {  	s4 =	sld [smem:$0x3FB3]  }
0x2a: {  	p0 =	seq.s32 s5, $0x0;
	s5 =	sld [smem:$0x3FB4]  }
0x2b: {  	s6 =	sld [smem:$0x3FB5]  }
0x2c: {  	s7 =	sld [smem:$0x3FB6]  }
0x2d: {  	s3 =	simm.s32 $0x108;
	s8 =	sld [smem:$0x3FB7]  }
0x2e: {  	s3 =	simm.s32 @!p0 $0x1082;
	s9 =	sld [smem:$0x3FB8]  }
0x2f: {  	lr =	sadd.s32 s0, s3;
	s0 =	sld [smem:$0x3FAF]  }
0x30: {  	s3 =	sld [smem:$0x3FB2]  }
0x31: {  	[smem:$0x3FBB] =	sst s10  }
0x32: {  	s10 =	sld [smem:$0x3FB9];
	_ =	sdelay $0x3  }
0x33: {  	p0 =	seq.s32 s10, $0x1;
	s10 =	sld [smem:$0x3FBB];
	_ =	sdelay $0x3  }
0x34: {  	[smem:$0x3FBB] =	sst s10  }
0x35: {  	s10 =	sld [smem:$0x3FBA];
	_ =	sdelay $0x3  }
0x36: {  	p1 =	seq.s32 s10, $0x1;
	s10 =	sld [smem:$0x3FBB];
	_ =	sdelay $0x3  }
0x37: {  	[smem:$0x3FBB] =	sst s10  }
0x38: {  	s10 =	sld [smem:$0x3FBC]  }
0x39: {  	_ = 	snop;
	(pc) =	sbr.ind lr, $3  }
0x3a: {  	_ = 	snop  }
0x3b: {  	_ = 	snop  }
0x3c: {  	p2 =	seq.s32 s10, $0x1;
	s10 =	sld [smem:$0x3FBB]  }
0x3d: {  	_ =	shalt  }
0x3e: {  	_ =	shalt  }
0x3f: {  	_ =	shalt  }
0x40: {  	_ =	shalt  }
0x41: {  	_ =	shalt  }
0x42: {  	_ =	shalt  }
0x43: {  	_ =	shalt  }
0x44: {  	_ =	shalt  }
0x45: {  	_ =	shalt  }
0x46: {  	_ =	shalt  }
0x47: {  	_ =	shalt  }
0x48: {  	_ =	shalt  }
0x49: {  	_ =	shalt  }
0x4a: {  	_ =	shalt  }
0x4b: {  	_ =	shalt  }
0x4c: {  	_ =	shalt  }
0x4d: {  	_ =	shalt  }
0x4e: {  	_ =	shalt  }
0x4f: {  	_ =	shalt  }
0x50: {  	_ =	shalt  }
0x51: {  	_ =	shalt  }
0x52: {  	_ =	shalt  }
0x53: {  	_ =	shalt  }
0x54: {  	_ =	shalt  }
0x55: {  	_ =	shalt  }
0x56: {  	_ =	shalt  }
0x57: {  	_ =	shalt  }
0x58: {  	_ =	shalt  }
0x59: {  	_ =	shalt  }
0x5a: {  	_ =	shalt  }
0x5b: {  	_ =	shalt  }
0x5c: {  	_ =	shalt  }
0x5d: {  	_ =	shalt  }
0x5e: {  	_ =	shalt  }
0x5f: {  	_ =	shalt  }
0x60: {  	_ =	shalt  }
0x61: {  	_ =	shalt  }
0x62: {  	_ =	shalt  }
0x63: {  	_ =	shalt  }
0x64: {  	_ =	shalt  }
0x65: {  	_ =	shalt  }
0x66: {  	_ =	shalt  }
0x67: {  	_ =	shalt  }
0x68: {  	_ =	shalt  }
0x69: {  	_ =	shalt  }
0x6a: {  	_ =	shalt  }
0x6b: {  	_ =	shalt  }
0x6c: {  	_ =	shalt  }
0x6d: {  	_ =	shalt  }
0x6e: {  	_ =	shalt  }
0x6f: {  	_ =	shalt  }
0x70: {  	_ =	shalt  }
0x71: {  	_ =	shalt  }
0x72: {  	_ =	shalt  }
0x73: {  	_ =	shalt  }
0x74: {  	_ =	shalt  }
0x75: {  	_ =	shalt  }
0x76: {  	_ =	shalt  }
0x77: {  	_ =	shalt  }
0x78: {  	_ =	shalt  }
0x79: {  	_ =	shalt  }
0x7a: {  	_ =	shalt  }
0x7b: {  	_ =	shalt  }
0x7c: {  	_ =	shalt  }
0x7d: {  	_ =	shalt  }
0x7e: {  	_ =	shalt  }
0x7f: {  	_ =	shalt  }
0x80: {  	_ =	shalt  }
0x81: {  	_ =	shalt  }
0x82: {  	_ =	shalt  }
0x83: {  	_ =	shalt  }
0x84: {  	_ =	shalt  }
0x85: {  	_ =	shalt  }
0x86: {  	_ =	shalt  }
0x87: {  	_ =	shalt  }
.Lfunc_end0:
.L_simem_size_0:
called_computation_lowered:
.L_overlay_start_0:
0x88: {  	s2 =	sld [smem:$0x3FD9]  }
0x89: {  	s3 =	sld [smem:$0x3FFE];
	_ =	sdelay $0x1  }
0x8a: {  	s1 =	srdreg.scid  }
0x8b: {  	s0 =	sand.u32 $0x1, s1  }
0x8c: {  	s18 =	sshll.u32 s0, $0xA;
	s2 =	sadd.s32 s3, s2  }
0x8d: {  	s2 =	sadd.s32 s2, s18  }
0x8e: {  	[smem:$0x3FC7] =	sst s2  }
0x8f: {  	_ = 	snop  }
0x90: {  	s2 =	sld [smem:$0x3FC9]  }
0x91: {  	s19 =	sld [smem:$0x3FD0];
	(tm) =	ssettm $0x1  }
0x92: {  	s4 =	sld [smem:$0x3FFB];
	_ =	sdelay $0x3  }
0x93: {  	_ =	strace s4  }
0x94: {  	s4 =	sld [smem:$0x3FFC];
	_ =	sdelay $0x3  }
0x95: {  	_ =	strace s4  }
0x96: {  	s4 =	sld [smem:$0x3FFD];
	_ =	sdelay $0x3  }
0x97: {  	_ =	strace s4  }
0x98: {  	_ =	strace $0x8FFFFFFF  }
0x99: {  	s20 =	sld [smem:$0x3FDB];
	_ =	sdelay $0x1  }
0x9a: {  	s5 =	simm.s32 $_scs_section_size  }
0x9b: {  	s6 =	simm.s32 $_size__tile_overlayer_lowered;
	s7 =	simm.s32 $_tile_overlayer_lowered  }
0x9c: {  	s23 =	simm.s32 $0x1BFF;
	s22 =	sshll.u32 s7, $0x1;
	s4 =	sadd.s32 s5, s20  }
0x9d: {  	s8 =	simm.s32 $0x0;
	s21 =	sshll.u32 s6, $0x1;
	s6 =	sadd.s32 s22, s4  }
0x9e: {  	[timem:s8], [sflag:s23] =	dma.local [hbm:s6], s21  }
0x9f: {  	_ =	swait.ge [sflag:s23], s21  }
0xa0: {  	s5 =	ssub.s32 $0x0, s21;
	[sflag:s23] =	ssyncset.done $0x0  }
0xa1: {  	[sflag:s23] =	ssyncadd.s32 s5;
	_ =	sdelay $0x1  }
0xa2: {  	s24 =	simm.s32 $0x1B8B  }
0xa3: {  	_ =	swait.ge [sflag:s24], $0x1  }
0xa4: {  	[sflag:s24] =	ssyncset.done $0x0  }
0xa5: {  	s25 =	simm.s32 $0x1B8E;
	[sflag:s24] =	ssyncadd.s32 $0xFFFFFFFF  }
0xa6: {  	s26 =	simm.s32 $execute0_lowered;
	[smem:$0x3FD2] =	sst s25  }
0xa7: {  	s5 =	sshll.u32 s26, $0x1;
	_ =	strace $0x80000046;
	[dreg:$0x1] =	wrdreg $0xFFFFFFFF  }
0xa8: {  	s28 =	simm.s32 $_size_execute0_lowered;
	s4 =	sadd.s32 s4, s5;
	[dreg:$0x0] =	wrdreg $0x0  }
0xa9: {  	s5 =	sshll.u32 s28, $0x1;
	[dreg:$0x2] =	wrdreg s4  }
0xaa: {  	[dreg:$0x3] =	wrdreg s5  }
0xab: {  	[dreg:$0x4] =	wrdreg $0xC0  }
0xac: {  	_ =	task [dreg:s8], $0x5FFFF  }
0xad: {  	[dreg:$0x1] =	wrdreg $0xFFFFFFFF  }
0xae: {  	[dreg:$0x0] =	wrdreg $0x60  }
0xaf: {  	[dreg:$0x2] =	wrdreg s2  }
0xb0: {  	[dreg:$0x3] =	wrdreg s19  }
0xb1: {  	[dreg:$0x4] =	wrdreg $0x9  }
0xb2: {  	_ =	task.clear_ibuf [dreg:s8], $0x5FFFF;
	_ =	strace $0x90000046  }
0xb3: {  	s29 =	simm.s32 $0x9;
	_ =	strace $0x80000048  }
0xb4: {  	_ =	swait.ge [sflag:s29], $0x1  }
0xb5: {  	[sflag:s29] =	ssyncadd.s32 $0xFFFFFFFF  }
0xb6: {  	_ =	strace $0x90000048  }
0xb7: {  	_ =	sfence  }
0xb8: {  	s30 =	sld [smem:$0x0];
	_ =	sdelay $0x2  }
0xb9: {  	s31 =	sshll.u32 s1, $0xD;
	s1 =	sshrl.u32 s1, $0x2  }
0xba: {  	s3 =	sand.u32 $0x4000, s31;
	s1 =	sadd.s32 s1, s30  }
0xbb: {  	s0 =	sor.u32 s3, s0;
	s1 =	sshll.u32 s1, $0x11  }
0xbc: {  	s0 =	sor.u32 s1, s0  }
0xbd: {  	s0 =	sadd.s32 $0x8F2B, s0  }
0xbe: {  	[sflag:s0] =	ssyncadd.remote.s32 $0x1  }
0xbf: {  	_ =	sfence.sel $0xFFFF  }
0xc0: {  	[dreg:$0x0] =	wrdreg $0xFFFFFFFF;
	(pc) =	sbr.abs _section_cstart, $3  }
0xc1: {  	[dreg:$0x1] =	wrdreg $0xFFFFFFFF  }
0xc2: {  	_ =	task.clear_ibuf [dreg:s8], $0x2FFFF;
	_ =	strace $0x9FFFFFFF  }
0xc3: {  	(tm) =	ssettm $0x7FFFFFFF  }
tec
execute0_lowered:
.L_overlay_start_1:
0x0: {  	(tag) =	ssettag $0x1  }
0x1: {  	s1 =	stileid.u32  }
0x2: {  	p0 =	sgt.u32 s1, $0x7  }
.Ltmp0:
0x3: {  	_ = 	snop;
	(pc) =	sbr.rel @p0 .LBB2_3-.Ltmp0, $4  }
0x4: {  	_ = 	snop  }
0x5: {  	s0 =	rddreg [dreg:$0x0];
	s2 =	simm.s32 $0x0  }
0x6: {  	[smem:$0x7FF] =	sst s2  }
0x7: {  	s18 =	rddreg [dreg:$0x1];
	_ =	strace $0x80000047  }
0x8: {  	s3 =	srdreg.scid  }
0x9: {  	s1 =	stileid.u32;
	s16 =	sand.u32 $0x1, s3  }
0xa: {  	s25 =	sshll.u32 s1, $0x8;
	s4 =	sshll.u32 s16, $0x7  }
0xb: {  	s20 =	sor.u32 s4, s25  }
0xc: {  	s3 =	sadd.s32 s18, s20;
	s4 =	sor.u32 $0x20000, s20  }
0xd: {  	s19 =	sor.u32 $0x10000, s20;
	[dreg:$0x3] =	wrdreg s3;
	s26 =	sadd.s32 s0, s4  }
0xe: {  	s5 =	sor.u32 $0x30000, s20;
	s1 =	sadd.s32 s18, s19;
	[dreg:$0x4] =	wrdreg s26  }
0xf: {  	s6 =	sadd.s32 s0, s5;
	[dreg:$0x5] =	wrdreg s1  }
0x10: {  	s8 =	sor.u32 $0x40000, s20;
	s7 =	sadd.s32 s18, s4;
	[dreg:$0x6] =	wrdreg s6  }
0x11: {  	s28 =	simm.s32 $0x2;
	s9 =	sadd.s32 s0, s8;
	[dreg:$0x7] =	wrdreg s7  }
0x12: {  	s11 =	sor.u32 $0x50000, s20;
	s10 =	sadd.s32 s18, s5;
	[dreg:$0x8] =	wrdreg s9  }
0x13: {  	s29 =	simm.s32 $0x4;
	s12 =	sadd.s32 s0, s11;
	[dreg:$0x9] =	wrdreg s10  }
0x14: {  	s14 =	sor.u32 $0x60000, s20;
	s13 =	sadd.s32 s18, s8;
	[dreg:$0xa] =	wrdreg s12  }
0x15: {  	s30 =	simm.s32 $0x3;
	s15 =	sadd.s32 s0, s14;
	[dreg:$0xb] =	wrdreg s13  }
0x16: {  	s21 =	sor.u32 $0x70000, s20;
	s17 =	sadd.s32 s18, s11;
	[dreg:$0xc] =	wrdreg s15  }
0x17: {  	s31 =	simm.s32 $0x5;
	s22 =	sadd.s32 s0, s21;
	[dreg:$0xd] =	wrdreg s17  }
0x18: {  	s23 =	sadd.s32 s18, s14;
	s25 =	sadd.s32 s18, s21;
	[dreg:$0xe] =	wrdreg s22  }
0x19: {  	s11 =	sor.u32 $0xB0000, s20;
	s21 =	sor.u32 $0xF0000, s20;
	[dreg:$0xf] =	wrdreg s23  }
0x1a: {  	s19 =	sadd.s32 s0, s19;
	s6 =	sor.u32 $0x80000, s20;
	[dreg:$0x11] =	wrdreg s25  }
0x1b: {  	s7 =	sor.u32 $0x90000, s20;
	s9 =	sor.u32 $0xA0000, s20;
	s13 =	sor.u32 $0xC0000, s20  }
0x1c: {  	s8 =	sadd.s32 s0, s11;
	s11 =	sadd.s32 s18, s11;
	s15 =	sor.u32 $0xD0000, s20  }
0x1d: {  	s17 =	sor.u32 $0xE0000, s20;
	s22 =	ssub.s32 $0x2, s16;
	s16 =	sadd.s32 s0, s21  }
0x1e: {  	s20 =	sadd.s32 s0, s20;
	s25 =	simm.s32 $0x1;
	s24 =	sadd.s32 s0, s6  }
0x1f: {  	s4 =	sadd.s32 s0, s7;
	s5 =	sadd.s32 s18, s6;
	s6 =	sadd.s32 s0, s9  }
0x20: {  	s7 =	sadd.s32 s18, s7;
	s9 =	sadd.s32 s18, s9;
	s10 =	sadd.s32 s0, s13  }
0x21: {  	s12 =	sadd.s32 s0, s15;
	s13 =	sadd.s32 s18, s13;
	s14 =	sadd.s32 s0, s17  }
0x22: {  	s15 =	sadd.s32 s18, s15;
	s17 =	sadd.s32 s18, s17;
	s23 =	sshrl.u32 s22, $0x1  }
0x23: {  	s18 =	sadd.s32 s18, s21;
	s0 =	simm.s32 $0x6;
	[dreg:$0x10] =	wrdreg s24  }
0x24: {  	s26 =	ssub.s32 s22, s23;
	s22 =	simm.s32 $0x400;
	s23 =	simm.s32 $0x4000  }
0x25: {  	s24 =	simm.s32 $0x8000;
	s21 =	smax.u32 s26, $0x1;
	s26 =	simm.s32 $0x10000  }
.LBB2_2:
0x26: {  	[tilespmem:s2], [sflag:$0x1] =	stream.strided.gather [hbm4b:s20+s22], $0x8000, s23, s22, $0x38;
	[tilespmem:$0x18000] =	vst v63  }
0x27: {  	_ = 	snop  }
0x28: {  	[tilespmem:s24], [sflag:$0x2] =	stream.strided.gather [hbm4b:s19+s22], $0x8000, s23, s22, $0x38;
	[tilespmem:$0x18000] =	vst v63  }
0x29: {  	_ =	swait.ge [sflag:s25], $0x8000  }
0x2a: {  	[sflag:s25] =	ssyncset.done $0x0  }
0x2b: {  	[sflag:s25] =	ssyncadd.s32 $0xFFFF8000  }
0x2c: {  	v0 =	vld [tilespmem:$0x0]  }
0x2d: {  	v1 =	vld [tilespmem:$0x10]  }
0x2e: {  	v2 =	vld [tilespmem:$0x20]  }
0x2f: {  	v3 =	vld [tilespmem:$0x30]  }
0x30: {  	v4 =	vld [tilespmem:$0x40]  }
0x31: {  	v5 =	vld [tilespmem:$0x50];
	v0 =	vadd.f32 $0.0e+00, v0  }
0x32: {  	v6 =	vld [tilespmem:$0x60];
	v1 =	vadd.f32 $0.0e+00, v1  }
0x33: {  	v7 =	vld [tilespmem:$0x70];
	v2 =	vadd.f32 $0.0e+00, v2;
	[tilespmem:$0x0] =	vst v0  }
0x34: {  	v3 =	vadd.f32 $0.0e+00, v3;
	[tilespmem:$0x10] =	vst v1  }
0x35: {  	v4 =	vadd.f32 $0.0e+00, v4;
	[tilespmem:$0x20] =	vst v2  }
0x36: {  	v5 =	vadd.f32 $0.0e+00, v5;
	[tilespmem:$0x30] =	vst v3  }
0x37: {  	v6 =	vadd.f32 $0.0e+00, v6;
	[tilespmem:$0x40] =	vst v4  }
0x38: {  	v7 =	vadd.f32 $0.0e+00, v7;
	[tilespmem:$0x50] =	vst v5  }
0x39: {  	[tilespmem:$0x60] =	vst v6  }
0x3a: {  	s1 =	rddreg [dreg:$0x3];
	[tilespmem:$0x70] =	vst v7  }
0x3b: {  	[hbm4b:s1+s22] =	stream.strided.scatter [tilespmem:s2], [sflag:$0x4], $0x8000, s23, s22, $0x38;
	[tilespmem:$0x18000] =	vst v63  }
0x3c: {  	s3 =	rddreg [dreg:$0x4]  }
0x3d: {  	[tilespmem:s26], [sflag:$0x3] =	stream.strided.gather [hbm4b:s3+s22], $0x8000, s23, s22, $0x38;
	[tilespmem:$0x18000] =	vst v63  }
0x3e: {  	_ =	swait.ge [sflag:s28], $0x8000  }
0x3f: {  	[sflag:s28] =	ssyncset.done $0x0  }
0x40: {  	[sflag:s28] =	ssyncadd.s32 $0xFFFF8000  }
0x41: {  	v8 =	vld [tilespmem:$0x8000]  }
0x42: {  	v9 =	vld [tilespmem:$0x8010]  }
0x43: {  	v10 =	vld [tilespmem:$0x8020]  }
0x44: {  	v11 =	vld [tilespmem:$0x8030]  }
0x45: {  	v12 =	vld [tilespmem:$0x8040]  }
0x46: {  	v40 =	vld [tilespmem:$0x8050];
	v0 =	vadd.f32 v8, v0  }
0x47: {  	v41 =	vld [tilespmem:$0x8060];
	v1 =	vadd.f32 v9, v1  }
0x48: {  	v42 =	vld [tilespmem:$0x8070];
	v2 =	vadd.f32 v10, v2;
	[tilespmem:$0x8000] =	vst v0  }
0x49: {  	v3 =	vadd.f32 v11, v3;
	[tilespmem:$0x8010] =	vst v1  }
0x4a: {  	v4 =	vadd.f32 v12, v4;
	[tilespmem:$0x8020] =	vst v2  }
0x4b: {  	v5 =	vadd.f32 v40, v5;
	[tilespmem:$0x8030] =	vst v3  }
0x4c: {  	v6 =	vadd.f32 v41, v6;
	[tilespmem:$0x8040] =	vst v4  }
0x4d: {  	v7 =	vadd.f32 v42, v7;
	[tilespmem:$0x8050] =	vst v5  }
0x4e: {  	[tilespmem:$0x8060] =	vst v6  }
0x4f: {  	s3 =	rddreg [dreg:$0x5];
	[tilespmem:$0x8070] =	vst v7  }
0x50: {  	[hbm4b:s3+s22] =	stream.strided.scatter [tilespmem:s24], [sflag:$0x5], $0x8000, s23, s22, $0x38;
	[tilespmem:$0x18000] =	vst v63  }
0x51: {  	_ =	swait.ge [sflag:s29], $0x8000  }
0x52: {  	[sflag:s29] =	ssyncset.done $0x0  }
0x53: {  	s3 =	rddreg [dreg:$0x6];
	[sflag:s29] =	ssyncadd.s32 $0xFFFF8000  }
0x54: {  	[tilespmem:s2], [sflag:$0x1] =	stream.strided.gather [hbm4b:s3+s22], $0x8000, s23, s22, $0x38;
	[tilespmem:$0x18000] =	vst v63  }
0x55: {  	_ =	swait.ge [sflag:s30], $0x8000  }
0x56: {  	[sflag:s30] =	ssyncset.done $0x0  }
0x57: {  	[sflag:s30] =	ssyncadd.s32 $0xFFFF8000  }
0x58: {  	v43 =	vld [tilespmem:$0x10000]  }
0x59: {  	v44 =	vld [tilespmem:$0x10010]  }
0x5a: {  	v45 =	vld [tilespmem:$0x10020]  }
0x5b: {  	v46 =	vld [tilespmem:$0x10030]  }
0x5c: {  	v47 =	vld [tilespmem:$0x10040]  }
0x5d: {  	v48 =	vld [tilespmem:$0x10050];
	v0 =	vadd.f32 v43, v0  }
0x5e: {  	v49 =	vld [tilespmem:$0x10060];
	v1 =	vadd.f32 v44, v1  }
0x5f: {  	v50 =	vld [tilespmem:$0x10070];
	v2 =	vadd.f32 v45, v2;
	[tilespmem:$0x10000] =	vst v0  }
0x60: {  	v3 =	vadd.f32 v46, v3;
	[tilespmem:$0x10010] =	vst v1  }
0x61: {  	v4 =	vadd.f32 v47, v4;
	[tilespmem:$0x10020] =	vst v2  }
0x62: {  	v5 =	vadd.f32 v48, v5;
	[tilespmem:$0x10030] =	vst v3  }
0x63: {  	v6 =	vadd.f32 v49, v6;
	[tilespmem:$0x10040] =	vst v4  }
0x64: {  	v7 =	vadd.f32 v50, v7;
	[tilespmem:$0x10050] =	vst v5  }
0x65: {  	[tilespmem:$0x10060] =	vst v6  }
0x66: {  	s3 =	rddreg [dreg:$0x7];
	[tilespmem:$0x10070] =	vst v7  }
0x67: {  	[hbm4b:s3+s22] =	stream.strided.scatter [tilespmem:s26], [sflag:$0x6], $0x8000, s23, s22, $0x38;
	[tilespmem:$0x18000] =	vst v63  }
0x68: {  	_ =	swait.ge [sflag:s31], $0x8000  }
0x69: {  	[sflag:s31] =	ssyncset.done $0x0  }
0x6a: {  	s3 =	rddreg [dreg:$0x8];
	[sflag:s31] =	ssyncadd.s32 $0xFFFF8000  }
0x6b: {  	[tilespmem:s24], [sflag:$0x2] =	stream.strided.gather [hbm4b:s3+s22], $0x8000, s23, s22, $0x38;
	[tilespmem:$0x18000] =	vst v63  }
0x6c: {  	_ =	swait.ge [sflag:s25], $0x8000  }
0x6d: {  	[sflag:s25] =	ssyncset.done $0x0  }
0x6e: {  	[sflag:s25] =	ssyncadd.s32 $0xFFFF8000  }
0x6f: {  	v51 =	vld [tilespmem:$0x0]  }
0x70: {  	v52 =	vld [tilespmem:$0x10]  }
0x71: {  	v53 =	vld [tilespmem:$0x20]  }
0x72: {  	v54 =	vld [tilespmem:$0x30]  }
0x73: {  	v55 =	vld [tilespmem:$0x40]  }
0x74: {  	v56 =	vld [tilespmem:$0x50];
	v0 =	vadd.f32 v51, v0  }
0x75: {  	v57 =	vld [tilespmem:$0x60];
	v1 =	vadd.f32 v52, v1  }
0x76: {  	v58 =	vld [tilespmem:$0x70];
	v2 =	vadd.f32 v53, v2;
	[tilespmem:$0x0] =	vst v0  }
0x77: {  	v3 =	vadd.f32 v54, v3;
	[tilespmem:$0x10] =	vst v1  }
0x78: {  	v4 =	vadd.f32 v55, v4;
	[tilespmem:$0x20] =	vst v2  }
0x79: {  	v5 =	vadd.f32 v56, v5;
	[tilespmem:$0x30] =	vst v3  }
0x7a: {  	v6 =	vadd.f32 v57, v6;
	[tilespmem:$0x40] =	vst v4  }
0x7b: {  	v7 =	vadd.f32 v58, v7;
	[tilespmem:$0x50] =	vst v5  }
0x7c: {  	[tilespmem:$0x60] =	vst v6  }
0x7d: {  	s3 =	rddreg [dreg:$0x9];
	[tilespmem:$0x70] =	vst v7  }
0x7e: {  	[hbm4b:s3+s22] =	stream.strided.scatter [tilespmem:s2], [sflag:$0x4], $0x8000, s23, s22, $0x38;
	[tilespmem:$0x18000] =	vst v63  }
0x7f: {  	_ =	swait.ge [sflag:s0], $0x8000  }
0x80: {  	[sflag:s0] =	ssyncset.done $0x0  }
0x81: {  	s3 =	rddreg [dreg:$0xa];
	[sflag:s0] =	ssyncadd.s32 $0xFFFF8000  }
0x82: {  	[tilespmem:s26], [sflag:$0x3] =	stream.strided.gather [hbm4b:s3+s22], $0x8000, s23, s22, $0x38;
	[tilespmem:$0x18000] =	vst v63  }
0x83: {  	_ =	swait.ge [sflag:s28], $0x8000  }
0x84: {  	[sflag:s28] =	ssyncset.done $0x0  }
0x85: {  	[sflag:s28] =	ssyncadd.s32 $0xFFFF8000  }
0x86: {  	v59 =	vld [tilespmem:$0x8000]  }
0x87: {  	v60 =	vld [tilespmem:$0x8010]  }
0x88: {  	v61 =	vld [tilespmem:$0x8020]  }
0x89: {  	v62 =	vld [tilespmem:$0x8030]  }
0x8a: {  	v63 =	vld [tilespmem:$0x8040]  }
0x8b: {  	v16 =	vld [tilespmem:$0x8050];
	v0 =	vadd.f32 v59, v0  }
0x8c: {  	v17 =	vld [tilespmem:$0x8060];
	v1 =	vadd.f32 v60, v1  }
0x8d: {  	v18 =	vld [tilespmem:$0x8070];
	v2 =	vadd.f32 v61, v2;
	[tilespmem:$0x8000] =	vst v0  }
0x8e: {  	v3 =	vadd.f32 v62, v3;
	[tilespmem:$0x8010] =	vst v1  }
0x8f: {  	v4 =	vadd.f32 v63, v4;
	[tilespmem:$0x8020] =	vst v2  }
0x90: {  	v5 =	vadd.f32 v16, v5;
	[tilespmem:$0x8030] =	vst v3  }
0x91: {  	v6 =	vadd.f32 v17, v6;
	[tilespmem:$0x8040] =	vst v4  }
0x92: {  	v7 =	vadd.f32 v18, v7;
	[tilespmem:$0x8050] =	vst v5  }
0x93: {  	[tilespmem:$0x8060] =	vst v6  }
0x94: {  	s3 =	rddreg [dreg:$0xb];
	[tilespmem:$0x8070] =	vst v7  }
0x95: {  	[hbm4b:s3+s22] =	stream.strided.scatter [tilespmem:s24], [sflag:$0x5], $0x8000, s23, s22, $0x38;
	[tilespmem:$0x18000] =	vst v63  }
0x96: {  	_ =	swait.ge [sflag:s29], $0x8000  }
0x97: {  	[sflag:s29] =	ssyncset.done $0x0  }
0x98: {  	s3 =	rddreg [dreg:$0xc];
	[sflag:s29] =	ssyncadd.s32 $0xFFFF8000  }
0x99: {  	[tilespmem:s2], [sflag:$0x1] =	stream.strided.gather [hbm4b:s3+s22], $0x8000, s23, s22, $0x38;
	[tilespmem:$0x18000] =	vst v63  }
0x9a: {  	_ =	swait.ge [sflag:s30], $0x8000  }
0x9b: {  	[sflag:s30] =	ssyncset.done $0x0  }
0x9c: {  	[sflag:s30] =	ssyncadd.s32 $0xFFFF8000  }
0x9d: {  	v19 =	vld [tilespmem:$0x10000]  }
0x9e: {  	v20 =	vld [tilespmem:$0x10010]  }
0x9f: {  	v21 =	vld [tilespmem:$0x10020]  }
0xa0: {  	v22 =	vld [tilespmem:$0x10030]  }
0xa1: {  	v23 =	vld [tilespmem:$0x10040]  }
0xa2: {  	v24 =	vld [tilespmem:$0x10050];
	v0 =	vadd.f32 v19, v0  }
0xa3: {  	v25 =	vld [tilespmem:$0x10060];
	v1 =	vadd.f32 v20, v1  }
0xa4: {  	v26 =	vld [tilespmem:$0x10070];
	v2 =	vadd.f32 v21, v2;
	[tilespmem:$0x10000] =	vst v0  }
0xa5: {  	v3 =	vadd.f32 v22, v3;
	[tilespmem:$0x10010] =	vst v1  }
0xa6: {  	v4 =	vadd.f32 v23, v4;
	[tilespmem:$0x10020] =	vst v2  }
0xa7: {  	v5 =	vadd.f32 v24, v5;
	[tilespmem:$0x10030] =	vst v3  }
0xa8: {  	v6 =	vadd.f32 v25, v6;
	[tilespmem:$0x10040] =	vst v4  }
0xa9: {  	v7 =	vadd.f32 v26, v7;
	[tilespmem:$0x10050] =	vst v5  }
0xaa: {  	[tilespmem:$0x10060] =	vst v6  }
0xab: {  	s3 =	rddreg [dreg:$0xd];
	[tilespmem:$0x10070] =	vst v7  }
0xac: {  	[hbm4b:s3+s22] =	stream.strided.scatter [tilespmem:s26], [sflag:$0x6], $0x8000, s23, s22, $0x38;
	[tilespmem:$0x18000] =	vst v63  }
0xad: {  	_ =	swait.ge [sflag:s31], $0x8000  }
0xae: {  	[sflag:s31] =	ssyncset.done $0x0  }
0xaf: {  	s3 =	rddreg [dreg:$0xe];
	[sflag:s31] =	ssyncadd.s32 $0xFFFF8000  }
0xb0: {  	[tilespmem:s24], [sflag:$0x2] =	stream.strided.gather [hbm4b:s3+s22], $0x8000, s23, s22, $0x38;
	[tilespmem:$0x18000] =	vst v63  }
0xb1: {  	_ =	swait.ge [sflag:s25], $0x8000  }
0xb2: {  	[sflag:s25] =	ssyncset.done $0x0  }
0xb3: {  	[sflag:s25] =	ssyncadd.s32 $0xFFFF8000  }
0xb4: {  	v27 =	vld [tilespmem:$0x0]  }
0xb5: {  	v28 =	vld [tilespmem:$0x10]  }
0xb6: {  	v29 =	vld [tilespmem:$0x20]  }
0xb7: {  	v30 =	vld [tilespmem:$0x30]  }
0xb8: {  	v31 =	vld [tilespmem:$0x40]  }
0xb9: {  	v32 =	vld [tilespmem:$0x50];
	v0 =	vadd.f32 v27, v0  }
0xba: {  	v33 =	vld [tilespmem:$0x60];
	v1 =	vadd.f32 v28, v1  }
0xbb: {  	v34 =	vld [tilespmem:$0x70];
	v2 =	vadd.f32 v29, v2;
	[tilespmem:$0x0] =	vst v0  }
0xbc: {  	v3 =	vadd.f32 v30, v3;
	[tilespmem:$0x10] =	vst v1  }
0xbd: {  	v4 =	vadd.f32 v31, v4;
	[tilespmem:$0x20] =	vst v2  }
0xbe: {  	v5 =	vadd.f32 v32, v5;
	[tilespmem:$0x30] =	vst v3  }
0xbf: {  	v6 =	vadd.f32 v33, v6;
	[tilespmem:$0x40] =	vst v4  }
0xc0: {  	v7 =	vadd.f32 v34, v7;
	[tilespmem:$0x50] =	vst v5  }
0xc1: {  	[tilespmem:$0x60] =	vst v6  }
0xc2: {  	s3 =	rddreg [dreg:$0xf];
	[tilespmem:$0x70] =	vst v7  }
0xc3: {  	[hbm4b:s3+s22] =	stream.strided.scatter [tilespmem:s2], [sflag:$0x4], $0x8000, s23, s22, $0x38;
	[tilespmem:$0x18000] =	vst v63  }
0xc4: {  	_ =	swait.ge [sflag:s0], $0x8000  }
0xc5: {  	[sflag:s0] =	ssyncset.done $0x0  }
0xc6: {  	s3 =	rddreg [dreg:$0x10];
	[sflag:s0] =	ssyncadd.s32 $0xFFFF8000  }
0xc7: {  	[tilespmem:s26], [sflag:$0x3] =	stream.strided.gather [hbm4b:s3+s22], $0x8000, s23, s22, $0x38;
	[tilespmem:$0x18000] =	vst v63  }
0xc8: {  	_ =	swait.ge [sflag:s28], $0x8000  }
0xc9: {  	[sflag:s28] =	ssyncset.done $0x0  }
0xca: {  	[sflag:s28] =	ssyncadd.s32 $0xFFFF8000  }
0xcb: {  	v35 =	vld [tilespmem:$0x8000]  }
0xcc: {  	v36 =	vld [tilespmem:$0x8010]  }
0xcd: {  	v37 =	vld [tilespmem:$0x8020]  }
0xce: {  	v38 =	vld [tilespmem:$0x8030]  }
0xcf: {  	v39 =	vld [tilespmem:$0x8040]  }
0xd0: {  	v40 =	vld [tilespmem:$0x8050];
	v0 =	vadd.f32 v35, v0  }
0xd1: {  	v41 =	vld [tilespmem:$0x8060];
	v1 =	vadd.f32 v36, v1  }
0xd2: {  	v42 =	vld [tilespmem:$0x8070];
	v2 =	vadd.f32 v37, v2;
	[tilespmem:$0x8000] =	vst v0  }
0xd3: {  	v3 =	vadd.f32 v38, v3;
	[tilespmem:$0x8010] =	vst v1  }
0xd4: {  	v4 =	vadd.f32 v39, v4;
	[tilespmem:$0x8020] =	vst v2  }
0xd5: {  	v5 =	vadd.f32 v40, v5;
	[tilespmem:$0x8030] =	vst v3  }
0xd6: {  	v6 =	vadd.f32 v41, v6;
	[tilespmem:$0x8040] =	vst v4  }
0xd7: {  	v7 =	vadd.f32 v42, v7;
	[tilespmem:$0x8050] =	vst v5  }
0xd8: {  	[tilespmem:$0x8060] =	vst v6  }
0xd9: {  	s3 =	rddreg [dreg:$0x11];
	[tilespmem:$0x8070] =	vst v7  }
0xda: {  	[hbm4b:s3+s22] =	stream.strided.scatter [tilespmem:s24], [sflag:$0x5], $0x8000, s23, s22, $0x38;
	[tilespmem:$0x18000] =	vst v63  }
0xdb: {  	_ =	swait.ge [sflag:s29], $0x8000  }
0xdc: {  	[sflag:s29] =	ssyncset.done $0x0  }
0xdd: {  	[sflag:s29] =	ssyncadd.s32 $0xFFFF8000  }
0xde: {  	[tilespmem:s2], [sflag:$0x1] =	stream.strided.gather [hbm4b:s4+s22], $0x8000, s23, s22, $0x38;
	[tilespmem:$0x18000] =	vst v63  }
0xdf: {  	_ =	swait.ge [sflag:s30], $0x8000  }
0xe0: {  	[sflag:s30] =	ssyncset.done $0x0  }
0xe1: {  	[sflag:s30] =	ssyncadd.s32 $0xFFFF8000  }
0xe2: {  	v43 =	vld [tilespmem:$0x10000]  }
0xe3: {  	v44 =	vld [tilespmem:$0x10010]  }
0xe4: {  	v45 =	vld [tilespmem:$0x10020]  }
0xe5: {  	v46 =	vld [tilespmem:$0x10030]  }
0xe6: {  	v47 =	vld [tilespmem:$0x10040]  }
0xe7: {  	v48 =	vld [tilespmem:$0x10050];
	v0 =	vadd.f32 v43, v0  }
0xe8: {  	v49 =	vld [tilespmem:$0x10060];
	v1 =	vadd.f32 v44, v1  }
0xe9: {  	v50 =	vld [tilespmem:$0x10070];
	v2 =	vadd.f32 v45, v2;
	[tilespmem:$0x10000] =	vst v0  }
0xea: {  	v3 =	vadd.f32 v46, v3;
	[tilespmem:$0x10010] =	vst v1  }
0xeb: {  	v4 =	vadd.f32 v47, v4;
	[tilespmem:$0x10020] =	vst v2  }
0xec: {  	v5 =	vadd.f32 v48, v5;
	[tilespmem:$0x10030] =	vst v3  }
0xed: {  	v6 =	vadd.f32 v49, v6;
	[tilespmem:$0x10040] =	vst v4  }
0xee: {  	v7 =	vadd.f32 v50, v7;
	[tilespmem:$0x10050] =	vst v5  }
0xef: {  	[tilespmem:$0x10060] =	vst v6  }
0xf0: {  	[tilespmem:$0x10070] =	vst v7  }
0xf1: {  	[hbm4b:s5+s22] =	stream.strided.scatter [tilespmem:s26], [sflag:$0x6], $0x8000, s23, s22, $0x38;
	[tilespmem:$0x18000] =	vst v63  }
0xf2: {  	_ =	swait.ge [sflag:s31], $0x8000  }
0xf3: {  	[sflag:s31] =	ssyncset.done $0x0  }
0xf4: {  	[sflag:s31] =	ssyncadd.s32 $0xFFFF8000  }
0xf5: {  	[tilespmem:s24], [sflag:$0x2] =	stream.strided.gather [hbm4b:s6+s22], $0x8000, s23, s22, $0x38;
	[tilespmem:$0x18000] =	vst v63  }
0xf6: {  	_ =	swait.ge [sflag:s25], $0x8000  }
0xf7: {  	[sflag:s25] =	ssyncset.done $0x0  }
0xf8: {  	[sflag:s25] =	ssyncadd.s32 $0xFFFF8000  }
0xf9: {  	v51 =	vld [tilespmem:$0x0]  }
0xfa: {  	v52 =	vld [tilespmem:$0x10]  }
0xfb: {  	v53 =	vld [tilespmem:$0x20]  }
0xfc: {  	v54 =	vld [tilespmem:$0x30]  }
0xfd: {  	v55 =	vld [tilespmem:$0x40]  }
0xfe: {  	v56 =	vld [tilespmem:$0x50];
	v0 =	vadd.f32 v51, v0  }
0xff: {  	v57 =	vld [tilespmem:$0x60];
	v1 =	vadd.f32 v52, v1  }
0x100: {  	v58 =	vld [tilespmem:$0x70];
	v2 =	vadd.f32 v53, v2;
	[tilespmem:$0x0] =	vst v0  }
0x101: {  	v3 =	vadd.f32 v54, v3;
	[tilespmem:$0x10] =	vst v1  }
0x102: {  	v4 =	vadd.f32 v55, v4;
	[tilespmem:$0x20] =	vst v2  }
0x103: {  	v5 =	vadd.f32 v56, v5;
	[tilespmem:$0x30] =	vst v3  }
0x104: {  	v6 =	vadd.f32 v57, v6;
	[tilespmem:$0x40] =	vst v4  }
0x105: {  	v7 =	vadd.f32 v58, v7;
	[tilespmem:$0x50] =	vst v5  }
0x106: {  	[tilespmem:$0x60] =	vst v6  }
0x107: {  	[tilespmem:$0x70] =	vst v7  }
0x108: {  	[hbm4b:s7+s22] =	stream.strided.scatter [tilespmem:s2], [sflag:$0x4], $0x8000, s23, s22, $0x38;
	[tilespmem:$0x18000] =	vst v63  }
0x109: {  	_ =	swait.ge [sflag:s0], $0x8000  }
0x10a: {  	[sflag:s0] =	ssyncset.done $0x0  }
0x10b: {  	[sflag:s0] =	ssyncadd.s32 $0xFFFF8000  }
0x10c: {  	[tilespmem:s26], [sflag:$0x3] =	stream.strided.gather [hbm4b:s8+s22], $0x8000, s23, s22, $0x38;
	[tilespmem:$0x18000] =	vst v63  }
0x10d: {  	_ =	swait.ge [sflag:s28], $0x8000  }
0x10e: {  	[sflag:s28] =	ssyncset.done $0x0  }
0x10f: {  	[sflag:s28] =	ssyncadd.s32 $0xFFFF8000  }
0x110: {  	v59 =	vld [tilespmem:$0x8000]  }
0x111: {  	v60 =	vld [tilespmem:$0x8010]  }
0x112: {  	v61 =	vld [tilespmem:$0x8020]  }
0x113: {  	v62 =	vld [tilespmem:$0x8030]  }
0x114: {  	v63 =	vld [tilespmem:$0x8040]  }
0x115: {  	v15 =	vld [tilespmem:$0x8050];
	v0 =	vadd.f32 v59, v0  }
0x116: {  	v16 =	vld [tilespmem:$0x8060];
	v1 =	vadd.f32 v60, v1  }
0x117: {  	v17 =	vld [tilespmem:$0x8070];
	v2 =	vadd.f32 v61, v2;
	[tilespmem:$0x8000] =	vst v0  }
0x118: {  	v3 =	vadd.f32 v62, v3;
	[tilespmem:$0x8010] =	vst v1  }
0x119: {  	v4 =	vadd.f32 v63, v4;
	[tilespmem:$0x8020] =	vst v2  }
0x11a: {  	v5 =	vadd.f32 v15, v5;
	[tilespmem:$0x8030] =	vst v3  }
0x11b: {  	v6 =	vadd.f32 v16, v6;
	[tilespmem:$0x8040] =	vst v4  }
0x11c: {  	v7 =	vadd.f32 v17, v7;
	[tilespmem:$0x8050] =	vst v5  }
0x11d: {  	[tilespmem:$0x8060] =	vst v6  }
0x11e: {  	[tilespmem:$0x8070] =	vst v7  }
0x11f: {  	[hbm4b:s9+s22] =	stream.strided.scatter [tilespmem:s24], [sflag:$0x5], $0x8000, s23, s22, $0x38;
	[tilespmem:$0x18000] =	vst v63  }
0x120: {  	_ =	swait.ge [sflag:s29], $0x8000  }
0x121: {  	[sflag:s29] =	ssyncset.done $0x0  }
0x122: {  	[sflag:s29] =	ssyncadd.s32 $0xFFFF8000  }
0x123: {  	[tilespmem:s2], [sflag:$0x1] =	stream.strided.gather [hbm4b:s10+s22], $0x8000, s23, s22, $0x38;
	[tilespmem:$0x18000] =	vst v63  }
0x124: {  	_ =	swait.ge [sflag:s30], $0x8000  }
0x125: {  	[sflag:s30] =	ssyncset.done $0x0  }
0x126: {  	[sflag:s30] =	ssyncadd.s32 $0xFFFF8000  }
0x127: {  	v18 =	vld [tilespmem:$0x10000]  }
0x128: {  	v19 =	vld [tilespmem:$0x10010]  }
0x129: {  	v20 =	vld [tilespmem:$0x10020]  }
0x12a: {  	v21 =	vld [tilespmem:$0x10030]  }
0x12b: {  	v22 =	vld [tilespmem:$0x10040]  }
0x12c: {  	v23 =	vld [tilespmem:$0x10050];
	v0 =	vadd.f32 v18, v0  }
0x12d: {  	v24 =	vld [tilespmem:$0x10060];
	v1 =	vadd.f32 v19, v1  }
0x12e: {  	v25 =	vld [tilespmem:$0x10070];
	v2 =	vadd.f32 v20, v2;
	[tilespmem:$0x10000] =	vst v0  }
0x12f: {  	v3 =	vadd.f32 v21, v3;
	[tilespmem:$0x10010] =	vst v1  }
0x130: {  	v4 =	vadd.f32 v22, v4;
	[tilespmem:$0x10020] =	vst v2  }
0x131: {  	v5 =	vadd.f32 v23, v5;
	[tilespmem:$0x10030] =	vst v3  }
0x132: {  	v6 =	vadd.f32 v24, v6;
	[tilespmem:$0x10040] =	vst v4  }
0x133: {  	v7 =	vadd.f32 v25, v7;
	[tilespmem:$0x10050] =	vst v5  }
0x134: {  	[tilespmem:$0x10060] =	vst v6  }
0x135: {  	[tilespmem:$0x10070] =	vst v7  }
0x136: {  	[hbm4b:s11+s22] =	stream.strided.scatter [tilespmem:s26], [sflag:$0x6], $0x8000, s23, s22, $0x38;
	[tilespmem:$0x18000] =	vst v63  }
0x137: {  	_ =	swait.ge [sflag:s31], $0x8000  }
0x138: {  	[sflag:s31] =	ssyncset.done $0x0  }
0x139: {  	[sflag:s31] =	ssyncadd.s32 $0xFFFF8000  }
0x13a: {  	[tilespmem:s24], [sflag:$0x2] =	stream.strided.gather [hbm4b:s12+s22], $0x8000, s23, s22, $0x38;
	[tilespmem:$0x18000] =	vst v63  }
0x13b: {  	_ =	swait.ge [sflag:s25], $0x8000  }
0x13c: {  	[sflag:s25] =	ssyncset.done $0x0  }
0x13d: {  	[sflag:s25] =	ssyncadd.s32 $0xFFFF8000  }
0x13e: {  	v26 =	vld [tilespmem:$0x0]  }
0x13f: {  	v27 =	vld [tilespmem:$0x10]  }
0x140: {  	v28 =	vld [tilespmem:$0x20]  }
0x141: {  	v29 =	vld [tilespmem:$0x30]  }
0x142: {  	v30 =	vld [tilespmem:$0x40]  }
0x143: {  	v31 =	vld [tilespmem:$0x50];
	v0 =	vadd.f32 v26, v0  }
0x144: {  	v32 =	vld [tilespmem:$0x60];
	v1 =	vadd.f32 v27, v1  }
0x145: {  	v33 =	vld [tilespmem:$0x70];
	v2 =	vadd.f32 v28, v2;
	[tilespmem:$0x0] =	vst v0  }
0x146: {  	v3 =	vadd.f32 v29, v3;
	[tilespmem:$0x10] =	vst v1  }
0x147: {  	v4 =	vadd.f32 v30, v4;
	[tilespmem:$0x20] =	vst v2  }
0x148: {  	v5 =	vadd.f32 v31, v5;
	[tilespmem:$0x30] =	vst v3  }
0x149: {  	v6 =	vadd.f32 v32, v6;
	[tilespmem:$0x40] =	vst v4  }
0x14a: {  	v7 =	vadd.f32 v33, v7;
	[tilespmem:$0x50] =	vst v5  }
0x14b: {  	[tilespmem:$0x60] =	vst v6  }
0x14c: {  	[tilespmem:$0x70] =	vst v7  }
0x14d: {  	[hbm4b:s13+s22] =	stream.strided.scatter [tilespmem:s2], [sflag:$0x4], $0x8000, s23, s22, $0x38;
	[tilespmem:$0x18000] =	vst v63  }
0x14e: {  	_ =	swait.ge [sflag:s0], $0x8000  }
0x14f: {  	[sflag:s0] =	ssyncset.done $0x0  }
0x150: {  	[sflag:s0] =	ssyncadd.s32 $0xFFFF8000  }
0x151: {  	[tilespmem:s26], [sflag:$0x3] =	stream.strided.gather [hbm4b:s14+s22], $0x8000, s23, s22, $0x38;
	[tilespmem:$0x18000] =	vst v63  }
0x152: {  	_ =	swait.ge [sflag:s28], $0x8000  }
0x153: {  	[sflag:s28] =	ssyncset.done $0x0  }
0x154: {  	[sflag:s28] =	ssyncadd.s32 $0xFFFF8000  }
0x155: {  	v34 =	vld [tilespmem:$0x8000]  }
0x156: {  	v35 =	vld [tilespmem:$0x8010]  }
0x157: {  	v36 =	vld [tilespmem:$0x8020]  }
0x158: {  	v37 =	vld [tilespmem:$0x8030]  }
0x159: {  	v38 =	vld [tilespmem:$0x8040]  }
0x15a: {  	v39 =	vld [tilespmem:$0x8050];
	v0 =	vadd.f32 v34, v0  }
0x15b: {  	v40 =	vld [tilespmem:$0x8060];
	v1 =	vadd.f32 v35, v1  }
0x15c: {  	v41 =	vld [tilespmem:$0x8070];
	v2 =	vadd.f32 v36, v2;
	[tilespmem:$0x8000] =	vst v0  }
0x15d: {  	v3 =	vadd.f32 v37, v3;
	[tilespmem:$0x8010] =	vst v1  }
0x15e: {  	v4 =	vadd.f32 v38, v4;
	[tilespmem:$0x8020] =	vst v2  }
0x15f: {  	v5 =	vadd.f32 v39, v5;
	[tilespmem:$0x8030] =	vst v3  }
0x160: {  	v6 =	vadd.f32 v40, v6;
	[tilespmem:$0x8040] =	vst v4  }
0x161: {  	v7 =	vadd.f32 v41, v7;
	[tilespmem:$0x8050] =	vst v5  }
0x162: {  	[tilespmem:$0x8060] =	vst v6  }
0x163: {  	[tilespmem:$0x8070] =	vst v7  }
0x164: {  	[hbm4b:s15+s22] =	stream.strided.scatter [tilespmem:s24], [sflag:$0x5], $0x8000, s23, s22, $0x38;
	[tilespmem:$0x18000] =	vst v63  }
0x165: {  	_ =	swait.ge [sflag:s29], $0x8000  }
0x166: {  	[sflag:s29] =	ssyncset.done $0x0  }
0x167: {  	[sflag:s29] =	ssyncadd.s32 $0xFFFF8000  }
0x168: {  	[tilespmem:s2], [sflag:$0x1] =	stream.strided.gather [hbm4b:s16+s22], $0x8000, s23, s22, $0x38;
	[tilespmem:$0x18000] =	vst v63  }
0x169: {  	_ =	swait.ge [sflag:s30], $0x8000  }
0x16a: {  	[sflag:s30] =	ssyncset.done $0x0  }
0x16b: {  	[sflag:s30] =	ssyncadd.s32 $0xFFFF8000  }
0x16c: {  	v42 =	vld [tilespmem:$0x10000]  }
0x16d: {  	v43 =	vld [tilespmem:$0x10010]  }
0x16e: {  	v44 =	vld [tilespmem:$0x10020]  }
0x16f: {  	v45 =	vld [tilespmem:$0x10030]  }
0x170: {  	v46 =	vld [tilespmem:$0x10040]  }
0x171: {  	v47 =	vld [tilespmem:$0x10050];
	v0 =	vadd.f32 v42, v0  }
0x172: {  	v48 =	vld [tilespmem:$0x10060];
	v1 =	vadd.f32 v43, v1  }
0x173: {  	v49 =	vld [tilespmem:$0x10070];
	v2 =	vadd.f32 v44, v2;
	[tilespmem:$0x10000] =	vst v0  }
0x174: {  	v3 =	vadd.f32 v45, v3;
	[tilespmem:$0x10010] =	vst v1  }
0x175: {  	v4 =	vadd.f32 v46, v4;
	[tilespmem:$0x10020] =	vst v2  }
0x176: {  	v5 =	vadd.f32 v47, v5;
	[tilespmem:$0x10030] =	vst v3  }
0x177: {  	v6 =	vadd.f32 v48, v6;
	[tilespmem:$0x10040] =	vst v4  }
0x178: {  	v7 =	vadd.f32 v49, v7;
	[tilespmem:$0x10050] =	vst v5  }
0x179: {  	[tilespmem:$0x10060] =	vst v6  }
0x17a: {  	[tilespmem:$0x10070] =	vst v7  }
0x17b: {  	[hbm4b:s17+s22] =	stream.strided.scatter [tilespmem:s26], [sflag:$0x6], $0x8000, s23, s22, $0x38;
	[tilespmem:$0x18000] =	vst v63  }
0x17c: {  	_ =	swait.ge [sflag:s25], $0x8000  }
0x17d: {  	[sflag:s25] =	ssyncset.done $0x0  }
0x17e: {  	[sflag:s25] =	ssyncadd.s32 $0xFFFF8000  }
0x17f: {  	v50 =	vld [tilespmem:$0x0]  }
0x180: {  	v51 =	vld [tilespmem:$0x10]  }
0x181: {  	v52 =	vld [tilespmem:$0x20]  }
0x182: {  	v53 =	vld [tilespmem:$0x30]  }
0x183: {  	v54 =	vld [tilespmem:$0x40]  }
0x184: {  	v55 =	vld [tilespmem:$0x50];
	v0 =	vadd.f32 v50, v0  }
0x185: {  	v56 =	vld [tilespmem:$0x60];
	v1 =	vadd.f32 v51, v1  }
0x186: {  	v58 =	vld [tilespmem:$0x70];
	v57 =	vadd.f32 v52, v2;
	[tilespmem:$0x0] =	vst v0  }
0x187: {  	v59 =	vadd.f32 v53, v3;
	[tilespmem:$0x10] =	vst v1  }
0x188: {  	v60 =	vadd.f32 v54, v4;
	[tilespmem:$0x20] =	vst v57  }
0x189: {  	v61 =	vadd.f32 v55, v5;
	[tilespmem:$0x30] =	vst v59  }
0x18a: {  	v62 =	vadd.f32 v56, v6;
	[tilespmem:$0x40] =	vst v60  }
0x18b: {  	v63 =	vadd.f32 v58, v7;
	[tilespmem:$0x50] =	vst v61  }
0x18c: {  	[tilespmem:$0x60] =	vst v62  }
0x18d: {  	[tilespmem:$0x70] =	vst v63  }
0x18e: {  	[hbm4b:s18+s22] =	stream.strided.scatter [tilespmem:s2], [sflag:$0x4], $0x8000, s23, s22, $0x38;
	[tilespmem:$0x18000] =	vst v63  }
0x18f: {  	_ =	swait.ge [sflag:s31], $0x8000  }
0x190: {  	[sflag:s31] =	ssyncset.done $0x0  }
0x191: {  	[sflag:s31] =	ssyncadd.s32 $0xFFFF8000  }
0x192: {  	p0 =	sne.s32 s21, $0x1;
	_ =	swait.ge [sflag:s0], $0x8000  }
.Ltmp1:
0x193: {  	[sflag:s0] =	ssyncset.done $0x0;
	(pc) =	sbr.rel @p0 .LBB2_2-.Ltmp1, $4  }
0x194: {  	[sflag:s0] =	ssyncadd.s32 $0xFFFF8000  }
0x195: {  	_ =	swait.ge [sflag:s29], $0x8000  }
0x196: {  	[sflag:s29] =	ssyncset.done $0x0  }
0x197: {  	s21 =	sadd.s32 $0xFFFFFFFF, s21;
	[sflag:s29] =	ssyncadd.s32 $0xFFFF8000  }
.LBB2_3:
0x198: {  	_ =	sfence.sel $0x180000  }
0x199: {  	[bflag:$0x0] =	sbarrier.arrive $0xFFFF  }
0x19a: {  	_ =	strace $0x90000047  }
0x19b: {  	s0 =	stileid.u32;
	[bflag:$0x2] =	sbarrier.arrive $0xFFFF  }
0x19c: {  	p0 =	sne.s32 s0, $0x0;
	s0 =	rddreg [dreg:$0x2]  }
0x19d: {  	s0 =	sadd.s32 @!p0 $0x100000, s0  }
0x19e: {  	[sflag:s0] =	ssyncadd.tile.s32 @!p0 $0x1;
	_ =	shalt  }
.Lfunc_end2:
_tile_overlayer_lowered:
.L_overlay_start_2:
0x19f: {  	(tag) =	ssettag $0x2  }
0x1a0: {  	s0 =	rddreg [dreg:$0x0];
	s2 =	stileid.u32  }
0x1a1: {  	s1 =	rddreg [dreg:$0x1];
	p0 =	sne.s32 s2, $0x0  }
0x1a2: {  	s3 =	rddreg [dreg:$0x2];
	[bflag:$0x3] =	sbarrier.arrive $0xFFFF;
	s2 =	simm.s32 @!p0 $0x1C07  }
0x1a3: {  	[timem:s3], [sflag:s2] =	dma.local @!p0 [hbm:s0], s1  }
0x1a4: {  	s0 =	simm.s32 @!p0 $0x7  }
0x1a5: {  	_ =	swait.ge @!p0 [sflag:s0], s1  }
0x1a6: {  	s1 =	ssub.s32 @!p0 $0x0, s1;
	[sflag:s0] =	ssyncset.done @!p0 $0x0  }
0x1a7: {  	[sflag:s0] =	ssyncadd.s32 @!p0 s1  }
0x1a8: {  	[bflag:$0x3] =	sbarrier.arrive $0xFFFF  }
0x1a9: {  	_ =	shalt  }

</sc_bundles>
